<compile_context>
chip_gen: v7x
topology: tpu7x:2x2x1
jax: 0.10.2.dev20260603
libtpu: 0.0.44.dev20260713+nightly
codegen_flags: <defaults>
</compile_context>

<pallas_src>
import functools

import jax
import jax.numpy as jnp
from jax import lax
from jax.experimental import pallas as pl
from jax.experimental.pallas import tpu as pltpu
from jax.experimental.pallas import tpu_sc as plsc

N = 10000
GNUM = 16
D = 128
DOUT = 64
NC = 2
NS = 16
K = 128
NG = 10240
RPT = NG // NS
TRASH = NG - N
BLK = 2048


def _mesh():
  return plsc.VectorSubcoreMesh(core_axis_name="c", subcore_axis_name="s")


def _sc_degree(dst3):
  chunks = dst3.shape[1] // NS

  @functools.partial(
      pl.kernel,
      out_type=jax.ShapeDtypeStruct((NC, NG, 16), jnp.float32),
      mesh=_mesh(),
      scratch_types=[
          pltpu.VMEM_SHARED((NG, 16), jnp.float32),
          pltpu.VMEM((chunks, K), jnp.int32),
          pltpu.VMEM((K, 16), jnp.float32),
          pltpu.VMEM((RPT, 16), jnp.float32),
      ],
  )
  def kern(dst_h, deg_h, acc, didx, ones_v, zbuf):
    c = lax.axis_index("c")
    t = lax.axis_index("s")

    def fill_ones(i, _):
      ones_v[i, :] = jnp.ones((16,), jnp.float32)
      return 0
    lax.fori_loop(0, K, fill_ones, 0)

    def fill_zeros(i, _):
      zbuf[i, :] = jnp.zeros((16,), jnp.float32)
      return 0
    lax.fori_loop(0, RPT, fill_zeros, 0)

    pltpu.sync_copy(zbuf, acc.at[pl.ds(t * RPT, RPT)])
    pltpu.sync_copy(dst_h.at[c, pl.ds(t * chunks, chunks)], didx)
    plsc.subcore_barrier()

    def body(j, _):
      pltpu.sync_copy(ones_v, acc.at[didx.at[j]], add=True)
      return 0
    lax.fori_loop(0, chunks, body, 0)

    plsc.subcore_barrier()
    pltpu.sync_copy(acc.at[pl.ds(t * RPT, RPT)],
                    deg_h.at[c, pl.ds(t * RPT, RPT)])

  return kern(dst3)


IGC = 16


def _sc_scatter(gbuf, src3, dst3):
  chunks = src3.shape[1] // NS

  @functools.partial(
      pl.kernel,
      out_type=jax.ShapeDtypeStruct((NC, NG, D), jnp.float32),
      mesh=_mesh(),
      scratch_types=[
          pltpu.VMEM_SHARED((NG, D), jnp.float32),
          pltpu.VMEM((IGC, K), jnp.int32),
          pltpu.VMEM((IGC, K), jnp.int32),
          pltpu.VMEM((IGC, K), jnp.int32),
          pltpu.VMEM((IGC, K), jnp.int32),
          pltpu.VMEM((2, K, D), jnp.float32),
          pltpu.SemaphoreType.DMA,
          pltpu.SemaphoreType.DMA,
          pltpu.SemaphoreType.DMA,
      ],
  )
  def kern(g_h, src_h, dst_h, s_h, acc, sa, sb, da, db, rb,
           gsem0, gsem1, isem):
    c = lax.axis_index("c")
    t = lax.axis_index("s")

    def zf(i, _):
      rb[0, i // 8, pl.ds((i % 8) * 16, 16)] = jnp.zeros((16,), jnp.float32)
      return 0
    lax.fori_loop(0, K * D // 16, zf, 0)

    def zc(i, _):
      pltpu.sync_copy(rb.at[0], acc.at[pl.ds(t * RPT + i * K, K)])
      return 0
    lax.fori_loop(0, RPT // K, zc, 0)

    pltpu.sync_copy(src_h.at[c, pl.ds(t * chunks, IGC)], sa)
    pltpu.sync_copy(dst_h.at[c, pl.ds(t * chunks, IGC)], da)
    pltpu.async_copy(g_h.at[sa.at[0]], rb.at[0], gsem0)
    plsc.subcore_barrier()

    def body(j, _):
      gp = (j // IGC) % 2
      nj = j + 1
      ngp = (nj // IGC) % 2
      r = j % IGC
      nr = nj % IGC

      @pl.when(j % 2 == 0)
      def _():
        pltpu.make_async_copy(g_h.at[sa.at[0]], rb.at[0], gsem0).wait()

      @pl.when(j % 2 == 1)
      def _():
        pltpu.make_async_copy(g_h.at[sa.at[0]], rb.at[1], gsem1).wait()

      @pl.when(jnp.logical_and(r == 0, j + IGC < chunks))
      def _():
        base = t * chunks + IGC * (j // IGC + 1)

        @pl.when(gp == 0)
        def _():
          pltpu.async_copy(src_h.at[c, pl.ds(base, IGC)], sb, isem)
          pltpu.async_copy(dst_h.at[c, pl.ds(base, IGC)], db, isem)

        @pl.when(gp == 1)
        def _():
          pltpu.async_copy(src_h.at[c, pl.ds(base, IGC)], sa, isem)
          pltpu.async_copy(dst_h.at[c, pl.ds(base, IGC)], da, isem)

      @pl.when(jnp.logical_and(nj < chunks, nr == 0))
      def _():
        pltpu.make_async_copy(src_h.at[c, pl.ds(t * chunks, IGC)], sa,
                              isem).wait()
        pltpu.make_async_copy(dst_h.at[c, pl.ds(t * chunks, IGC)], da,
                              isem).wait()

      @pl.when(nj < chunks)
      def _():
        @pl.when(jnp.logical_and(nj % 2 == 0, ngp == 0))
        def _():
          pltpu.async_copy(g_h.at[sa.at[nr]], rb.at[0], gsem0)

        @pl.when(jnp.logical_and(nj % 2 == 0, ngp == 1))
        def _():
          pltpu.async_copy(g_h.at[sb.at[nr]], rb.at[0], gsem0)

        @pl.when(jnp.logical_and(nj % 2 == 1, ngp == 0))
        def _():
          pltpu.async_copy(g_h.at[sa.at[nr]], rb.at[1], gsem1)

        @pl.when(jnp.logical_and(nj % 2 == 1, ngp == 1))
        def _():
          pltpu.async_copy(g_h.at[sb.at[nr]], rb.at[1], gsem1)

      @pl.when(gp == 0)
      def _():
        pltpu.sync_copy(rb.at[j % 2], acc.at[da.at[r]], add=True)

      @pl.when(gp == 1)
      def _():
        pltpu.sync_copy(rb.at[j % 2], acc.at[db.at[r]], add=True)
      return 0
    lax.fori_loop(0, chunks, body, 0)

    plsc.subcore_barrier()
    pltpu.sync_copy(acc.at[pl.ds(t * RPT, RPT)],
                    s_h.at[c, pl.ds(t * RPT, RPT)])

  return kern(gbuf, src3, dst3)


def _dinv(deg_blk):
  return lax.rsqrt(deg_blk[:, 0:1] + 1.0)


def _tc_layer1(x, w1, deg16):
  def body(x_ref, w_ref, deg_ref, g_ref):
    dv = _dinv(deg_ref[...])
    h = jnp.dot(x_ref[...], w_ref[...], preferred_element_type=jnp.float32)
    g_ref[...] = dv * h

  grid = (NC * NG) // BLK
  return pl.pallas_call(
      body,
      grid=(grid,),
      in_specs=[
          pl.BlockSpec((BLK, D), lambda i: (i, 0)),
          pl.BlockSpec((D, D), lambda i: (0, 0)),
          pl.BlockSpec((BLK, 16), lambda i: (i, 0)),
      ],
      out_specs=pl.BlockSpec((BLK, D), lambda i: (i, 0)),
      out_shape=jax.ShapeDtypeStruct((NC * NG, D), jnp.float32),
  )(x, w1, deg16)


def _tc_layer_mid(s, g, deg16, b_prev, w_next):
  def body(s_ref, g_ref, deg_ref, b_ref, w_ref, o_ref):
    dv = _dinv(deg_ref[...])
    x = jnp.maximum(dv * (s_ref[...] + g_ref[...]) + b_ref[...], 0.0)
    h = jnp.dot(x, w_ref[...], preferred_element_type=jnp.float32)
    o_ref[...] = dv * h

  grid = (NC * NG) // BLK
  return pl.pallas_call(
      body,
      grid=(grid,),
      in_specs=[
          pl.BlockSpec((BLK, D), lambda i: (i, 0)),
          pl.BlockSpec((BLK, D), lambda i: (i, 0)),
          pl.BlockSpec((BLK, 16), lambda i: (i, 0)),
          pl.BlockSpec((1, D), lambda i: (0, 0)),
          pl.BlockSpec((D, D), lambda i: (0, 0)),
      ],
      out_specs=pl.BlockSpec((BLK, D), lambda i: (i, 0)),
      out_shape=jax.ShapeDtypeStruct((NC * NG, D), jnp.float32),
  )(s, g, deg16, b_prev, w_next)


def _tc_pool_dist(s, g, deg16, b3, batch2d, wl, bl):
  bpg = NG // BLK
  grid = (NC * NG) // BLK

  def body(s_ref, g_ref, deg_ref, b_ref, bat_ref, wl_ref, bl_ref, o_ref,
           pool_ref, cnt_ref):
    i = pl.program_id(0)
    gi = i // bpg
    dv = _dinv(deg_ref[...])
    x = dv * (s_ref[...] + g_ref[...]) + b_ref[...]
    oh = (bat_ref[...] == lax.broadcasted_iota(jnp.int32, (1, GNUM), 1))
    oh = oh.astype(jnp.float32)
    pp = lax.dot_general(oh, x, (((0,), (0,)), ((), ())),
                         preferred_element_type=jnp.float32)
    cp = jnp.broadcast_to(jnp.sum(oh, axis=0)[:, None], (GNUM, D))

    @pl.when(i % bpg == 0)
    def _():
      pool_ref[gi] = pp
      cnt_ref[gi] = cp

    @pl.when(i % bpg != 0)
    def _():
      pool_ref[gi] += pp
      cnt_ref[gi] += cp

    @pl.when(i == grid - 1)
    def _():
      m0 = pool_ref[0] / jnp.maximum(cnt_ref[0], 1.0)
      m1 = pool_ref[1] / jnp.maximum(cnt_ref[1], 1.0)
      z0 = jnp.dot(m0, wl_ref[...], preferred_element_type=jnp.float32)
      z1 = jnp.dot(m1, wl_ref[...], preferred_element_type=jnp.float32)
      diff = (z0 + bl_ref[...]) - (z1 + bl_ref[...]) + 1e-6
      o_ref[...] = jnp.sqrt(jnp.sum(diff * diff, axis=1))[None]

  return pl.pallas_call(
      body,
      grid=(grid,),
      in_specs=[
          pl.BlockSpec((BLK, D), lambda i: (i, 0)),
          pl.BlockSpec((BLK, D), lambda i: (i, 0)),
          pl.BlockSpec((BLK, 16), lambda i: (i, 0)),
          pl.BlockSpec((1, D), lambda i: (0, 0)),
          pl.BlockSpec((BLK, 1), lambda i: (i, 0)),
          pl.BlockSpec((D, DOUT), lambda i: (0, 0)),
          pl.BlockSpec((1, DOUT), lambda i: (0, 0)),
      ],
      out_specs=pl.BlockSpec((1, GNUM), lambda i: (0, 0)),
      out_shape=jax.ShapeDtypeStruct((1, GNUM), jnp.float32),
      scratch_shapes=[
          pltpu.VMEM((NC, GNUM, D), jnp.float32),
          pltpu.VMEM((NC, GNUM, D), jnp.float32),
      ],
  )(s, g, deg16, b3, batch2d, wl, bl)


def kernel(x1, edge_index1, batch1, x2, edge_index2, batch2,
           W1, b1, W2, b2, W3, b3, Wl, bl):
  e = edge_index1.shape[1]
  chunks = -(-e // (NS * K))
  chunks = -(-chunks // 8) * 8
  ep = chunks * NS * K
  npad = ep - e

  pad_row = N + 4 + jnp.arange(npad, dtype=jnp.int32) % jnp.int32(TRASH - 8)
  zrow = jnp.zeros((TRASH, x1.shape[1]), x1.dtype)

  def prep_edges(ei, c):
    src = jnp.concatenate([ei[0], pad_row]) + jnp.int32(c * NG)
    dst = jnp.concatenate([ei[1], pad_row])
    return src.reshape(chunks * NS, K), dst.reshape(chunks * NS, K)

  s1, d1 = prep_edges(edge_index1, 0)
  s2, d2 = prep_edges(edge_index2, 1)
  src3 = jnp.stack([s1, s2])
  dst3 = jnp.stack([d1, d2])

  x = jnp.concatenate([x1, zrow, x2, zrow])
  padb = jnp.full((TRASH,), GNUM, jnp.int32)
  batch2d = jnp.concatenate([batch1, padb, batch2, padb]).reshape(NC * NG, 1)

  deg16 = _sc_degree(dst3).reshape(NC * NG, 16)

  g = _tc_layer1(x, W1, deg16)
  s = _sc_scatter(g, src3, dst3).reshape(NC * NG, D)
  g = _tc_layer_mid(s, g, deg16, b1.reshape(1, D), W2)
  s = _sc_scatter(g, src3, dst3).reshape(NC * NG, D)
  g = _tc_layer_mid(s, g, deg16, b2.reshape(1, D), W3)
  s = _sc_scatter(g, src3, dst3).reshape(NC * NG, D)

  dist = _tc_pool_dist(s, g, deg16, b3.reshape(1, D), batch2d,
                       Wl, bl.reshape(1, DOUT))
  return dist.reshape(GNUM)

# --- scband reference (transcript-rebuilt; emitter-appended) ---
"""Pipeline reference for scband-gcn-pairs-distance-82806969467502 (READ-ONLY COPY).

The authoritative reference and input builder live on the scoring server;
editing this copy changes nothing except your own understanding.
"""

import jax, jax.numpy as jnp
import numpy as np

N = 10000
E = 320000
G = 16
D_IN = 128
D_H = 128
D_OUT = 64


def gcn_conv(x, edge_index, W, b):
    n = x.shape[0]
    loop = jnp.arange(n, dtype=edge_index.dtype)
    src = jnp.concatenate([edge_index[0], loop])
    dst = jnp.concatenate([edge_index[1], loop])
    deg = jax.ops.segment_sum(jnp.ones_like(src, dtype=x.dtype), dst, num_segments=n)
    dinv = jnp.where(deg > 0, jax.lax.rsqrt(deg), 0.0)
    norm = dinv[src] * dinv[dst]
    h = x @ W
    msg = h[src] * norm[:, None]
    out = jax.ops.segment_sum(msg, dst, num_segments=n)
    return out + b


def global_mean_pool(x, batch, num_graphs):
    s = jax.ops.segment_sum(x, batch, num_segments=num_graphs)
    cnt = jax.ops.segment_sum(jnp.ones((x.shape[0],), dtype=x.dtype), batch, num_segments=num_graphs)
    return s / jnp.clip(cnt, 1.0, None)[:, None]


def setup_inputs(seed: int = 0) -> dict:
    key = jax.random.key(seed)
    ks = jax.random.split(key, 16)
    x1 = jax.random.normal(ks[0], (N, D_IN), dtype=jnp.float32)
    x2 = jax.random.normal(ks[1], (N, D_IN), dtype=jnp.float32)
    edge_index1 = jax.random.randint(ks[2], (2, E), 0, N, dtype=jnp.int32)
    edge_index2 = jax.random.randint(ks[3], (2, E), 0, N, dtype=jnp.int32)
    batch1 = jnp.sort(jax.random.randint(ks[4], (N,), 0, G, dtype=jnp.int32))
    batch2 = jnp.sort(jax.random.randint(ks[5], (N,), 0, G, dtype=jnp.int32))
    W1 = jax.random.normal(ks[6], (D_IN, D_H), dtype=jnp.float32) / np.sqrt(D_IN)
    b1 = jnp.zeros((D_H,), dtype=jnp.float32)
    W2 = jax.random.normal(ks[7], (D_H, D_H), dtype=jnp.float32) / np.sqrt(D_H)
    b2 = jnp.zeros((D_H,), dtype=jnp.float32)
    W3 = jax.random.normal(ks[8], (D_H, D_H), dtype=jnp.float32) / np.sqrt(D_H)
    b3 = jnp.zeros((D_H,), dtype=jnp.float32)
    Wl = jax.random.normal(ks[9], (D_H, D_OUT), dtype=jnp.float32) / np.sqrt(D_H)
    bl = jnp.zeros((D_OUT,), dtype=jnp.float32)
    return {"x1": x1, "edge_index1": edge_index1, "batch1": batch1,
            "x2": x2, "edge_index2": edge_index2, "batch2": batch2,
            "W1": W1, "b1": b1, "W2": W2, "b2": b2, "W3": W3, "b3": b3,
            "Wl": Wl, "bl": bl}


def reference(x1, edge_index1, batch1, x2, edge_index2, batch2,
              W1, b1, W2, b2, W3, b3, Wl, bl):
    def embed(x, ei, batch):
        h = gcn_conv(x, ei, W1, b1)
        h = jax.nn.relu(h)
        h = gcn_conv(h, ei, W2, b2)
        h = jax.nn.relu(h)
        h = gcn_conv(h, ei, W3, b3)
        h = global_mean_pool(h, batch, G)
        # dropout p=0.5 is identity in eval mode
        return h @ Wl + bl

    z1 = embed(x1, edge_index1, batch1)
    z2 = embed(x2, edge_index2, batch2)
    eps = 1e-6
    diff = z1 - z2 + eps
    dist = jnp.power(jnp.sum(jnp.power(jnp.abs(diff), 2.0), axis=1), 0.5)
    return dist

if __name__ == "__main__":
    import jax
    _d = setup_inputs()
    print(jax.jit(kernel)(*tuple(_d.values())))

</pallas_src>

<mosaic_0001>
#map = affine_map<(d0, d1) -> (0, 0, 0)>
module attributes {stable_mosaic.version = 14 : i64} {
  func.func @kern(%arg0: i32, %arg1: i32, %arg2: memref<2x2560x128xi32, #tpu.memory_space<hbm>>, %arg3: memref<2x10240x16xf32, #tpu.memory_space<hbm>>, %arg4: memref<10240x16xf32, #tpu.memory_space<vmem_shared>>, %arg5: memref<160x128xi32, #tpu.memory_space<vmem>>, %arg6: memref<128x16xf32, #tpu.memory_space<vmem>>, %arg7: memref<640x16xf32, #tpu.memory_space<vmem>>) attributes {dimension_semantics = [#tpu.dimension_semantics<core_parallel>, #tpu.dimension_semantics<subcore_parallel>], iteration_bounds = array<i64: 2, 16>, scalar_prefetch = 0 : i64, scratch_operands = 4 : i64, tpu.core_type = #tpu.core_type<sc_vector_subcore>, window_params = [{transform_indices = #map}, {transform_indices = #map}]} {
    %scan3A = arith.constant 0 : i32
    %scan3A_0 = arith.constant 0 : i32
    %scan3A_1 = arith.constant 128 : i32
    %scan3A_2 = arith.addi %scan3A_0, %scan3A_1 : i32
    %scan3A_3 = arith.constant 1 : i32
    %scan3A_4 = scf.for %scan3A_28 = %scan3A_0 to %scan3A_2 step %scan3A_3 iter_args(%scan3A_29 = %scan3A) -> (i32)  : i32 {
      %broadcast_in_dim3A = arith.constant 1.000000e+00 : f32
      %broadcast_in_dim3A_30 = vector.broadcast %broadcast_in_dim3A : f32 to vector<16xf32>
      %swap3A = arith.index_cast %scan3A_28 : i32 to index
      %swap3A_31 = arith.constant 0 : index
      %swap3A_32 = tpu.vector_load %arg6[%swap3A, %swap3A_31] {strides = array<i32>} : memref<128x16xf32, #tpu.memory_space<vmem>>, vector<1x16xf32>,
      %swap3A_33 = vector.shape_cast %swap3A_32 : vector<1x16xf32> to vector<16xf32>
      %swap3A_34 = vector.shape_cast %broadcast_in_dim3A_30 : vector<16xf32> to vector<1x16xf32>
      tpu.vector_store %arg6[%swap3A, %swap3A_31], %swap3A_34 {strides = array<i32>} : memref<128x16xf32, #tpu.memory_space<vmem>>, vector<1x16xf32>,
      %scan3A_35 = arith.constant 0 : i32
      scf.yield %scan3A_35 : i32
    }
    %scan3A_5 = arith.constant 128 : i32
    %scan3A_6 = arith.constant 0 : i32
    %scan3A_7 = arith.constant 0 : i32
    %scan3A_8 = arith.constant 640 : i32
    %scan3A_9 = arith.addi %scan3A_7, %scan3A_8 : i32
    %scan3A_10 = arith.constant 1 : i32
    %scan3A_11 = scf.for %scan3A_28 = %scan3A_7 to %scan3A_9 step %scan3A_10 iter_args(%scan3A_29 = %scan3A_6) -> (i32)  : i32 {
      %broadcast_in_dim3A = arith.constant 0.000000e+00 : f32
      %broadcast_in_dim3A_30 = vector.broadcast %broadcast_in_dim3A : f32 to vector<16xf32>
      %swap3A = arith.index_cast %scan3A_28 : i32 to index
      %swap3A_31 = arith.constant 0 : index
      %swap3A_32 = tpu.vector_load %arg7[%swap3A, %swap3A_31] {strides = array<i32>} : memref<640x16xf32, #tpu.memory_space<vmem>>, vector<1x16xf32>,
      %swap3A_33 = vector.shape_cast %swap3A_32 : vector<1x16xf32> to vector<16xf32>
      %swap3A_34 = vector.shape_cast %broadcast_in_dim3A_30 : vector<16xf32> to vector<1x16xf32>
      tpu.vector_store %arg7[%swap3A, %swap3A_31], %swap3A_34 {strides = array<i32>} : memref<640x16xf32, #tpu.memory_space<vmem>>, vector<1x16xf32>,
      %scan3A_35 = arith.constant 0 : i32
      scf.yield %scan3A_35 : i32
    }
    %scan3A_12 = arith.constant 640 : i32
    %mul3A = arith.constant 640 : i32
    %mul3A_13 = arith.muli %arg1, %mul3A : i32
    "tpu.region"() ({
      %run_scoped3A = tpu.sem_alloc : memref<!tpu.dma_semaphore, #tpu.memory_space<semaphore_mem>>
      %dma_start3A = arith.constant 0 : i32
      %dma_start3A_28 = tpu.memref_slice %arg4[%mul3A_13, %dma_start3A] : memref<10240x16xf32, #tpu.memory_space<vmem_shared>> -> memref<640x16xf32, #tpu.memory_space<vmem_shared>>
      %dma_start3A_29 = arith.constant 0 : i32
      %dma_start3A_30 = tpu.memref_slice %arg4[%mul3A_13, %dma_start3A_29] : memref<10240x16xf32, #tpu.memory_space<vmem_shared>> -> memref<640x16xf32, #tpu.memory_space<vmem_shared>>
      tpu.enqueue_dma source(%arg7 : memref<640x16xf32, #tpu.memory_space<vmem>>) target(%dma_start3A_30 : memref<640x16xf32, #tpu.memory_space<vmem_shared>>) target_semaphore(%run_scoped3A : memref<!tpu.dma_semaphore, #tpu.memory_space<semaphore_mem>>)
      %dma_wait3A = arith.constant 0 : i32
      %dma_wait3A_31 = tpu.memref_slice %arg4[%mul3A_13, %dma_wait3A] : memref<10240x16xf32, #tpu.memory_space<vmem_shared>> -> memref<640x16xf32, #tpu.memory_space<vmem_shared>>
      %dma_wait3A_32 = arith.constant 0 : i32
      %dma_wait3A_33 = tpu.memref_slice %arg4[%mul3A_13, %dma_wait3A_32] : memref<10240x16xf32, #tpu.memory_space<vmem_shared>> -> memref<640x16xf32, #tpu.memory_space<vmem_shared>>
      tpu.wait_dma2 semaphore(%run_scoped3A : memref<!tpu.dma_semaphore, #tpu.memory_space<semaphore_mem>>) src(%arg7 : memref<640x16xf32, #tpu.memory_space<vmem>>) dst(%dma_wait3A_33 : memref<640x16xf32, #tpu.memory_space<vmem_shared>>)
      tpu.yield
    }) : () -> ()
    %mul3A_14 = arith.constant 160 : i32
    %mul3A_15 = arith.muli %arg1, %mul3A_14 : i32
    "tpu.region"() ({
      %run_scoped3A = tpu.sem_alloc : memref<!tpu.dma_semaphore, #tpu.memory_space<semaphore_mem>>
      %dma_start3A = arith.constant 0 : i32
      %dma_start3A_28 = tpu.memref_slice %arg2[%arg0, %mul3A_15, %dma_start3A] : memref<2x2560x128xi32, #tpu.memory_space<hbm>> -> memref<1x160x128xi32, #tpu.memory_space<hbm>>
      %dma_start3A_29 = tpu.memref_squeeze %dma_start3A_28 : memref<1x160x128xi32, #tpu.memory_space<hbm>> -> memref<160x128xi32, #tpu.memory_space<hbm>>
      %dma_start3A_30 = arith.constant 0 : i32
      %dma_start3A_31 = tpu.memref_slice %arg2[%arg0, %mul3A_15, %dma_start3A_30] : memref<2x2560x128xi32, #tpu.memory_space<hbm>> -> memref<1x160x128xi32, #tpu.memory_space<hbm>>
      %dma_start3A_32 = tpu.memref_squeeze %dma_start3A_31 : memref<1x160x128xi32, #tpu.memory_space<hbm>> -> memref<160x128xi32, #tpu.memory_space<hbm>>
      tpu.enqueue_dma source(%dma_start3A_32 : memref<160x128xi32, #tpu.memory_space<hbm>>) target(%arg5 : memref<160x128xi32, #tpu.memory_space<vmem>>) target_semaphore(%run_scoped3A : memref<!tpu.dma_semaphore, #tpu.memory_space<semaphore_mem>>)
      %dma_wait3A = arith.constant 0 : i32
      %dma_wait3A_33 = tpu.memref_slice %arg2[%arg0, %mul3A_15, %dma_wait3A] : memref<2x2560x128xi32, #tpu.memory_space<hbm>> -> memref<1x160x128xi32, #tpu.memory_space<hbm>>
      %dma_wait3A_34 = tpu.memref_squeeze %dma_wait3A_33 : memref<1x160x128xi32, #tpu.memory_space<hbm>> -> memref<160x128xi32, #tpu.memory_space<hbm>>
      %dma_wait3A_35 = arith.constant 0 : i32
      %dma_wait3A_36 = tpu.memref_slice %arg2[%arg0, %mul3A_15, %dma_wait3A_35] : memref<2x2560x128xi32, #tpu.memory_space<hbm>> -> memref<1x160x128xi32, #tpu.memory_space<hbm>>
      %dma_wait3A_37 = tpu.memref_squeeze %dma_wait3A_36 : memref<1x160x128xi32, #tpu.memory_space<hbm>> -> memref<160x128xi32, #tpu.memory_space<hbm>>
      tpu.wait_dma2 semaphore(%run_scoped3A : memref<!tpu.dma_semaphore, #tpu.memory_space<semaphore_mem>>) src(%dma_wait3A_37 : memref<160x128xi32, #tpu.memory_space<hbm>>) dst(%arg5 : memref<160x128xi32, #tpu.memory_space<vmem>>)
      tpu.yield
    }) : () -> ()
    %barrier3A = arith.constant 0 : index
    tpu.barrier barrier_id(%barrier3A)
    %scan3A_16 = arith.constant 0 : i32
    %scan3A_17 = arith.constant 0 : i32
    %scan3A_18 = arith.constant 160 : i32
    %scan3A_19 = arith.addi %scan3A_17, %scan3A_18 : i32
    %scan3A_20 = arith.constant 1 : i32
    %scan3A_21 = scf.for %scan3A_28 = %scan3A_17 to %scan3A_19 step %scan3A_20 iter_args(%scan3A_29 = %scan3A_16) -> (i32)  : i32 {
      "tpu.region"() ({
        %run_scoped3A = tpu.sem_alloc : memref<!tpu.dma_semaphore, #tpu.memory_space<semaphore_mem>>
        %dma_start3A = arith.constant 0 : i32
        %dma_start3A_31 = tpu.memref_slice %arg5[%scan3A_28, %dma_start3A] : memref<160x128xi32, #tpu.memory_space<vmem>> -> memref<1x128xi32, #tpu.memory_space<vmem>>
        %dma_start3A_32 = tpu.memref_squeeze %dma_start3A_31 : memref<1x128xi32, #tpu.memory_space<vmem>> -> memref<128xi32, #tpu.memory_space<vmem>>
        %dma_start3A_33 = arith.constant 0 : i32
        %dma_start3A_34 = arith.constant 0 : i32
        %dma_start3A_35 = tpu.memref_slice %arg4[%dma_start3A_33, %dma_start3A_34] : memref<10240x16xf32, #tpu.memory_space<vmem_shared>> -> memref<10240x16xf32, #tpu.memory_space<vmem_shared>>
        tpu.enqueue_indirect_dma source(%arg6 : memref<128x16xf32, #tpu.memory_space<vmem>>) target(%dma_start3A_35 : memref<10240x16xf32, #tpu.memory_space<vmem_shared>>) offsets(%dma_start3A_32 : memref<128xi32, #tpu.memory_space<vmem>>) semaphore(%run_scoped3A : memref<!tpu.dma_semaphore, #tpu.memory_space<semaphore_mem>>) {add = true}
        %dma_wait3A = arith.constant 0 : i32
        %dma_wait3A_36 = tpu.memref_slice %arg5[%scan3A_28, %dma_wait3A] : memref<160x128xi32, #tpu.memory_space<vmem>> -> memref<1x128xi32, #tpu.memory_space<vmem>>
        %dma_wait3A_37 = tpu.memref_squeeze %dma_wait3A_36 : memref<1x128xi32, #tpu.memory_space<vmem>> -> memref<128xi32, #tpu.memory_space<vmem>>
        %dma_wait3A_38 = arith.constant 0 : i32
        %dma_wait3A_39 = arith.constant 0 : i32
        %dma_wait3A_40 = tpu.memref_slice %arg4[%dma_wait3A_38, %dma_wait3A_39] : memref<10240x16xf32, #tpu.memory_space<vmem_shared>> -> memref<10240x16xf32, #tpu.memory_space<vmem_shared>>
        tpu.wait_indirect_dma semaphore(%run_scoped3A : memref<!tpu.dma_semaphore, #tpu.memory_space<semaphore_mem>>) src(%arg6 : memref<128x16xf32, #tpu.memory_space<vmem>>) dst(%dma_wait3A_40 : memref<10240x16xf32, #tpu.memory_space<vmem_shared>>)
        tpu.yield
      }) : () -> ()
      %scan3A_30 = arith.constant 0 : i32
      scf.yield %scan3A_30 : i32
    }
    %scan3A_22 = arith.constant 160 : i32
    %barrier3A_23 = arith.constant 0 : index
    tpu.barrier barrier_id(%barrier3A_23)
    %mul3A_24 = arith.constant 640 : i32
    %mul3A_25 = arith.muli %arg1, %mul3A_24 : i32
    %mul3A_26 = arith.constant 640 : i32
    %mul3A_27 = arith.muli %arg1, %mul3A_26 : i32
    "tpu.region"() ({
      %run_scoped3A = tpu.sem_alloc : memref<!tpu.dma_semaphore, #tpu.memory_space<semaphore_mem>>
      %dma_start3A = arith.constant 0 : i32
      %dma_start3A_28 = tpu.memref_slice %arg3[%arg0, %mul3A_27, %dma_start3A] : memref<2x10240x16xf32, #tpu.memory_space<hbm>> -> memref<1x640x16xf32, #tpu.memory_space<hbm>>
      %dma_start3A_29 = tpu.memref_squeeze %dma_start3A_28 : memref<1x640x16xf32, #tpu.memory_space<hbm>> -> memref<640x16xf32, #tpu.memory_space<hbm>>
      %dma_start3A_30 = arith.constant 0 : i32
      %dma_start3A_31 = tpu.memref_slice %arg4[%mul3A_25, %dma_start3A_30] : memref<10240x16xf32, #tpu.memory_space<vmem_shared>> -> memref<640x16xf32, #tpu.memory_space<vmem_shared>>
      tpu.enqueue_dma source(%dma_start3A_31 : memref<640x16xf32, #tpu.memory_space<vmem_shared>>) target(%dma_start3A_29 : memref<640x16xf32, #tpu.memory_space<hbm>>) target_semaphore(%run_scoped3A : memref<!tpu.dma_semaphore, #tpu.memory_space<semaphore_mem>>)
      %dma_wait3A = arith.constant 0 : i32
      %dma_wait3A_32 = tpu.memref_slice %arg3[%arg0, %mul3A_27, %dma_wait3A] : memref<2x10240x16xf32, #tpu.memory_space<hbm>> -> memref<1x640x16xf32, #tpu.memory_space<hbm>>
      %dma_wait3A_33 = tpu.memref_squeeze %dma_wait3A_32 : memref<1x640x16xf32, #tpu.memory_space<hbm>> -> memref<640x16xf32, #tpu.memory_space<hbm>>
      %dma_wait3A_34 = arith.constant 0 : i32
      %dma_wait3A_35 = tpu.memref_slice %arg4[%mul3A_25, %dma_wait3A_34] : memref<10240x16xf32, #tpu.memory_space<vmem_shared>> -> memref<640x16xf32, #tpu.memory_space<vmem_shared>>
      tpu.wait_dma2 semaphore(%run_scoped3A : memref<!tpu.dma_semaphore, #tpu.memory_space<semaphore_mem>>) src(%dma_wait3A_35 : memref<640x16xf32, #tpu.memory_space<vmem_shared>>) dst(%dma_wait3A_33 : memref<640x16xf32, #tpu.memory_space<hbm>>)
      tpu.yield
    }) : () -> ()
    return
  }
}

#map = affine_map<(d0, d1) -> (0, 0)>
#map1 = affine_map<(d0, d1) -> (0, 0, 0)>
module attributes {stable_mosaic.version = 14 : i64} {
  func.func @kern(%arg0: i32, %arg1: i32, %arg2: memref<20480x128xf32, #tpu.memory_space<hbm>>, %arg3: memref<2x2560x128xi32, #tpu.memory_space<hbm>>, %arg4: memref<2x2560x128xi32, #tpu.memory_space<hbm>>, %arg5: memref<2x10240x128xf32, #tpu.memory_space<hbm>>, %arg6: memref<10240x128xf32, #tpu.memory_space<vmem_shared>>, %arg7: memref<16x128xi32, #tpu.memory_space<vmem>>, %arg8: memref<16x128xi32, #tpu.memory_space<vmem>>, %arg9: memref<16x128xi32, #tpu.memory_space<vmem>>, %arg10: memref<16x128xi32, #tpu.memory_space<vmem>>, %arg11: memref<2x128x128xf32, #tpu.memory_space<vmem>>, %arg12: memref<!tpu.dma_semaphore, #tpu.memory_space<semaphore_mem>>, %arg13: memref<!tpu.dma_semaphore, #tpu.memory_space<semaphore_mem>>, %arg14: memref<!tpu.dma_semaphore, #tpu.memory_space<semaphore_mem>>) attributes {dimension_semantics = [#tpu.dimension_semantics<core_parallel>, #tpu.dimension_semantics<subcore_parallel>], iteration_bounds = array<i64: 2, 16>, scalar_prefetch = 0 : i64, scratch_operands = 9 : i64, tpu.core_type = #tpu.core_type<sc_vector_subcore>, window_params = [{transform_indices = #map}, {transform_indices = #map1}, {transform_indices = #map1}, {transform_indices = #map1}]} {
    %scan3A = arith.constant 0 : i32
    %scan3A_0 = arith.constant 0 : i32
    %scan3A_1 = arith.constant 1024 : i32
    %scan3A_2 = arith.addi %scan3A_0, %scan3A_1 : i32
    %scan3A_3 = arith.constant 1 : i32
    %scan3A_4 = scf.for %scan3A_39 = %scan3A_0 to %scan3A_2 step %scan3A_3 iter_args(%scan3A_40 = %scan3A) -> (i32)  : i32 {
      %broadcast_in_dim3A = arith.constant 0.000000e+00 : f32
      %broadcast_in_dim3A_41 = vector.broadcast %broadcast_in_dim3A : f32 to vector<16xf32>
      %jit3A = arith.constant 8 : i32
      %div3A = arith.divsi %scan3A_39, %jit3A : i32
      %sign3A = arith.constant 0 : i32
      %sign3A_42 = arith.cmpi sgt, %scan3A_39, %sign3A : i32
      %sign3A_43 = arith.extui %sign3A_42 : i1 to i32
      %sign3A_44 = arith.constant 0 : i32
      %sign3A_45 = arith.cmpi slt, %scan3A_39, %sign3A_44 : i32
      %sign3A_46 = arith.extui %sign3A_45 : i1 to i32
      %sign3A_47 = arith.subi %sign3A_43, %sign3A_46 : i32
      %sign3A_48 = arith.constant 0 : i32
      %sign3A_49 = arith.cmpi sgt, %jit3A, %sign3A_48 : i32
      %sign3A_50 = arith.extui %sign3A_49 : i1 to i32
      %sign3A_51 = arith.constant 0 : i32
      %sign3A_52 = arith.cmpi slt, %jit3A, %sign3A_51 : i32
      %sign3A_53 = arith.extui %sign3A_52 : i1 to i32
      %sign3A_54 = arith.subi %sign3A_50, %sign3A_53 : i32
      %ne3A = arith.cmpi ne, %sign3A_47, %sign3A_54 : i32
      %rem3A = arith.remsi %scan3A_39, %jit3A : i32
      %ne3A_55 = arith.constant 0 : i32
      %ne3A_56 = arith.cmpi ne, %rem3A, %ne3A_55 : i32
      %and3A = arith.andi %ne3A, %ne3A_56 : i1
      %sub3A = arith.constant 1 : i32
      %sub3A_57 = arith.subi %div3A, %sub3A : i32
      %select_n3A = arith.select %and3A, %sub3A_57, %div3A : i32
      %jit3A_58 = arith.constant 8 : i32
      %eq3A = arith.constant 0 : i32
      %eq3A_59 = arith.cmpi eq, %jit3A_58, %eq3A : i32
      %jit3A_60 = arith.constant 1 : i32
      %select_n3A_61 = arith.select %eq3A_59, %jit3A_60, %jit3A_58 : i32
      %rem3A_62 = arith.remsi %scan3A_39, %select_n3A_61 : i32
      %ne3A_63 = arith.constant 0 : i32
      %ne3A_64 = arith.cmpi ne, %rem3A_62, %ne3A_63 : i32
      %lt3A = arith.constant 0 : i32
      %lt3A_65 = arith.cmpi slt, %rem3A_62, %lt3A : i32
      %lt3A_66 = arith.constant 0 : i32
      %lt3A_67 = arith.cmpi slt, %select_n3A_61, %lt3A_66 : i32
      %ne3A_68 = arith.xori %lt3A_65, %lt3A_67 : i1
      %and3A_69 = arith.andi %ne3A_68, %ne3A_64 : i1
      %add3A = arith.addi %rem3A_62, %select_n3A_61 : i32
      %select_n3A_70 = arith.select %and3A_69, %add3A, %rem3A_62 : i32
      %mul3A_71 = arith.constant 16 : i32
      %mul3A_72 = arith.muli %select_n3A_70, %mul3A_71 : i32
      %swap3A = arith.constant 0 : i32
      %swap3A_73 = arith.index_cast %swap3A : i32 to index
      %swap3A_74 = arith.index_cast %select_n3A : i32 to index
      %swap3A_75 = arith.index_cast %mul3A_72 : i32 to index
      %swap3A_76 = tpu.vector_load %arg11[%swap3A_73, %swap3A_74, %swap3A_75] {strides = array<i32>} : memref<2x128x128xf32, #tpu.memory_space<vmem>>, vector<1x1x16xf32>,
      %swap3A_77 = vector.shape_cast %swap3A_76 : vector<1x1x16xf32> to vector<16xf32>
      %swap3A_78 = vector.shape_cast %broadcast_in_dim3A_41 : vector<16xf32> to vector<1x1x16xf32>
      tpu.vector_store %arg11[%swap3A_73, %swap3A_74, %swap3A_75], %swap3A_78 {strides = array<i32>} : memref<2x128x128xf32, #tpu.memory_space<vmem>>, vector<1x1x16xf32>,
      %scan3A_79 = arith.constant 0 : i32
      scf.yield %scan3A_79 : i32
    }
    %scan3A_5 = arith.constant 1024 : i32
    %scan3A_6 = arith.constant 0 : i32
    %scan3A_7 = arith.constant 0 : i32
    %scan3A_8 = arith.constant 5 : i32
    %scan3A_9 = arith.addi %scan3A_7, %scan3A_8 : i32
    %scan3A_10 = arith.constant 1 : i32
    %scan3A_11 = scf.for %scan3A_39 = %scan3A_7 to %scan3A_9 step %scan3A_10 iter_args(%scan3A_40 = %scan3A_6) -> (i32)  : i32 {
      %mul3A_41 = arith.constant 640 : i32
      %mul3A_42 = arith.muli %arg1, %mul3A_41 : i32
      %mul3A_43 = arith.constant 128 : i32
      %mul3A_44 = arith.muli %scan3A_39, %mul3A_43 : i32
      %add3A = arith.addi %mul3A_42, %mul3A_44 : i32
      %run_scoped3A = arith.constant 0 : i32
      "tpu.region"() ({
        %run_scoped3A_46 = tpu.sem_alloc : memref<!tpu.dma_semaphore, #tpu.memory_space<semaphore_mem>>
        %dma_start3A_47 = arith.constant 0 : i32
        %dma_start3A_48 = arith.constant 0 : i32
        %dma_start3A_49 = tpu.memref_slice %arg11[%run_scoped3A, %dma_start3A_47, %dma_start3A_48] : memref<2x128x128xf32, #tpu.memory_space<vmem>> -> memref<1x128x128xf32, #tpu.memory_space<vmem>>
        %dma_start3A_50 = tpu.memref_squeeze %dma_start3A_49 : memref<1x128x128xf32, #tpu.memory_space<vmem>> -> memref<128x128xf32, #tpu.memory_space<vmem>>
        %dma_start3A_51 = arith.constant 0 : i32
        %dma_start3A_52 = tpu.memref_slice %arg6[%add3A, %dma_start3A_51] : memref<10240x128xf32, #tpu.memory_space<vmem_shared>> -> memref<128x128xf32, #tpu.memory_space<vmem_shared>>
        %dma_start3A_53 = arith.constant 0 : i32
        %dma_start3A_54 = tpu.memref_slice %arg6[%add3A, %dma_start3A_53] : memref<10240x128xf32, #tpu.memory_space<vmem_shared>> -> memref<128x128xf32, #tpu.memory_space<vmem_shared>>
        %dma_start3A_55 = arith.constant 0 : i32
        %dma_start3A_56 = arith.constant 0 : i32
        %dma_start3A_57 = tpu.memref_slice %arg11[%run_scoped3A, %dma_start3A_55, %dma_start3A_56] : memref<2x128x128xf32, #tpu.memory_space<vmem>> -> memref<1x128x128xf32, #tpu.memory_space<vmem>>
        %dma_start3A_58 = tpu.memref_squeeze %dma_start3A_57 : memref<1x128x128xf32, #tpu.memory_space<vmem>> -> memref<128x128xf32, #tpu.memory_space<vmem>>
        tpu.enqueue_dma source(%dma_start3A_58 : memref<128x128xf32, #tpu.memory_space<vmem>>) target(%dma_start3A_54 : memref<128x128xf32, #tpu.memory_space<vmem_shared>>) target_semaphore(%run_scoped3A_46 : memref<!tpu.dma_semaphore, #tpu.memory_space<semaphore_mem>>)
        %dma_wait3A = arith.constant 0 : i32
        %dma_wait3A_59 = arith.constant 0 : i32
        %dma_wait3A_60 = tpu.memref_slice %arg11[%run_scoped3A, %dma_wait3A, %dma_wait3A_59] : memref<2x128x128xf32, #tpu.memory_space<vmem>> -> memref<1x128x128xf32, #tpu.memory_space<vmem>>
        %dma_wait3A_61 = tpu.memref_squeeze %dma_wait3A_60 : memref<1x128x128xf32, #tpu.memory_space<vmem>> -> memref<128x128xf32, #tpu.memory_space<vmem>>
        %dma_wait3A_62 = arith.constant 0 : i32
        %dma_wait3A_63 = tpu.memref_slice %arg6[%add3A, %dma_wait3A_62] : memref<10240x128xf32, #tpu.memory_space<vmem_shared>> -> memref<128x128xf32, #tpu.memory_space<vmem_shared>>
        %dma_wait3A_64 = arith.constant 0 : i32
        %dma_wait3A_65 = tpu.memref_slice %arg6[%add3A, %dma_wait3A_64] : memref<10240x128xf32, #tpu.memory_space<vmem_shared>> -> memref<128x128xf32, #tpu.memory_space<vmem_shared>>
        %dma_wait3A_66 = arith.constant 0 : i32
        %dma_wait3A_67 = arith.constant 0 : i32
        %dma_wait3A_68 = tpu.memref_slice %arg11[%run_scoped3A, %dma_wait3A_66, %dma_wait3A_67] : memref<2x128x128xf32, #tpu.memory_space<vmem>> -> memref<1x128x128xf32, #tpu.memory_space<vmem>>
        %dma_wait3A_69 = tpu.memref_squeeze %dma_wait3A_68 : memref<1x128x128xf32, #tpu.memory_space<vmem>> -> memref<128x128xf32, #tpu.memory_space<vmem>>
        tpu.wait_dma2 semaphore(%run_scoped3A_46 : memref<!tpu.dma_semaphore, #tpu.memory_space<semaphore_mem>>) src(%dma_wait3A_69 : memref<128x128xf32, #tpu.memory_space<vmem>>) dst(%dma_wait3A_65 : memref<128x128xf32, #tpu.memory_space<vmem_shared>>)
        tpu.yield
      }) : () -> ()
      %scan3A_45 = arith.constant 0 : i32
      scf.yield %scan3A_45 : i32
    }
    %scan3A_12 = arith.constant 5 : i32
    %mul3A = arith.constant 160 : i32
    %mul3A_13 = arith.muli %arg1, %mul3A : i32
    "tpu.region"() ({
      %run_scoped3A = tpu.sem_alloc : memref<!tpu.dma_semaphore, #tpu.memory_space<semaphore_mem>>
      %dma_start3A_39 = arith.constant 0 : i32
      %dma_start3A_40 = tpu.memref_slice %arg3[%arg0, %mul3A_13, %dma_start3A_39] : memref<2x2560x128xi32, #tpu.memory_space<hbm>> -> memref<1x16x128xi32, #tpu.memory_space<hbm>>
      %dma_start3A_41 = tpu.memref_squeeze %dma_start3A_40 : memref<1x16x128xi32, #tpu.memory_space<hbm>> -> memref<16x128xi32, #tpu.memory_space<hbm>>
      %dma_start3A_42 = arith.constant 0 : i32
      %dma_start3A_43 = tpu.memref_slice %arg3[%arg0, %mul3A_13, %dma_start3A_42] : memref<2x2560x128xi32, #tpu.memory_space<hbm>> -> memref<1x16x128xi32, #tpu.memory_space<hbm>>
      %dma_start3A_44 = tpu.memref_squeeze %dma_start3A_43 : memref<1x16x128xi32, #tpu.memory_space<hbm>> -> memref<16x128xi32, #tpu.memory_space<hbm>>
      tpu.enqueue_dma source(%dma_start3A_44 : memref<16x128xi32, #tpu.memory_space<hbm>>) target(%arg7 : memref<16x128xi32, #tpu.memory_space<vmem>>) target_semaphore(%run_scoped3A : memref<!tpu.dma_semaphore, #tpu.memory_space<semaphore_mem>>)
      %dma_wait3A = arith.constant 0 : i32
      %dma_wait3A_45 = tpu.memref_slice %arg3[%arg0, %mul3A_13, %dma_wait3A] : memref<2x2560x128xi32, #tpu.memory_space<hbm>> -> memref<1x16x128xi32, #tpu.memory_space<hbm>>
      %dma_wait3A_46 = tpu.memref_squeeze %dma_wait3A_45 : memref<1x16x128xi32, #tpu.memory_space<hbm>> -> memref<16x128xi32, #tpu.memory_space<hbm>>
      %dma_wait3A_47 = arith.constant 0 : i32
      %dma_wait3A_48 = tpu.memref_slice %arg3[%arg0, %mul3A_13, %dma_wait3A_47] : memref<2x2560x128xi32, #tpu.memory_space<hbm>> -> memref<1x16x128xi32, #tpu.memory_space<hbm>>
      %dma_wait3A_49 = tpu.memref_squeeze %dma_wait3A_48 : memref<1x16x128xi32, #tpu.memory_space<hbm>> -> memref<16x128xi32, #tpu.memory_space<hbm>>
      tpu.wait_dma2 semaphore(%run_scoped3A : memref<!tpu.dma_semaphore, #tpu.memory_space<semaphore_mem>>) src(%dma_wait3A_49 : memref<16x128xi32, #tpu.memory_space<hbm>>) dst(%arg7 : memref<16x128xi32, #tpu.memory_space<vmem>>)
      tpu.yield
    }) : () -> ()
    %mul3A_14 = arith.constant 160 : i32
    %mul3A_15 = arith.muli %arg1, %mul3A_14 : i32
    "tpu.region"() ({
      %run_scoped3A = tpu.sem_alloc : memref<!tpu.dma_semaphore, #tpu.memory_space<semaphore_mem>>
      %dma_start3A_39 = arith.constant 0 : i32
      %dma_start3A_40 = tpu.memref_slice %arg4[%arg0, %mul3A_15, %dma_start3A_39] : memref<2x2560x128xi32, #tpu.memory_space<hbm>> -> memref<1x16x128xi32, #tpu.memory_space<hbm>>
      %dma_start3A_41 = tpu.memref_squeeze %dma_start3A_40 : memref<1x16x128xi32, #tpu.memory_space<hbm>> -> memref<16x128xi32, #tpu.memory_space<hbm>>
      %dma_start3A_42 = arith.constant 0 : i32
      %dma_start3A_43 = tpu.memref_slice %arg4[%arg0, %mul3A_15, %dma_start3A_42] : memref<2x2560x128xi32, #tpu.memory_space<hbm>> -> memref<1x16x128xi32, #tpu.memory_space<hbm>>
      %dma_start3A_44 = tpu.memref_squeeze %dma_start3A_43 : memref<1x16x128xi32, #tpu.memory_space<hbm>> -> memref<16x128xi32, #tpu.memory_space<hbm>>
      tpu.enqueue_dma source(%dma_start3A_44 : memref<16x128xi32, #tpu.memory_space<hbm>>) target(%arg9 : memref<16x128xi32, #tpu.memory_space<vmem>>) target_semaphore(%run_scoped3A : memref<!tpu.dma_semaphore, #tpu.memory_space<semaphore_mem>>)
      %dma_wait3A = arith.constant 0 : i32
      %dma_wait3A_45 = tpu.memref_slice %arg4[%arg0, %mul3A_15, %dma_wait3A] : memref<2x2560x128xi32, #tpu.memory_space<hbm>> -> memref<1x16x128xi32, #tpu.memory_space<hbm>>
      %dma_wait3A_46 = tpu.memref_squeeze %dma_wait3A_45 : memref<1x16x128xi32, #tpu.memory_space<hbm>> -> memref<16x128xi32, #tpu.memory_space<hbm>>
      %dma_wait3A_47 = arith.constant 0 : i32
      %dma_wait3A_48 = tpu.memref_slice %arg4[%arg0, %mul3A_15, %dma_wait3A_47] : memref<2x2560x128xi32, #tpu.memory_space<hbm>> -> memref<1x16x128xi32, #tpu.memory_space<hbm>>
      %dma_wait3A_49 = tpu.memref_squeeze %dma_wait3A_48 : memref<1x16x128xi32, #tpu.memory_space<hbm>> -> memref<16x128xi32, #tpu.memory_space<hbm>>
      tpu.wait_dma2 semaphore(%run_scoped3A : memref<!tpu.dma_semaphore, #tpu.memory_space<semaphore_mem>>) src(%dma_wait3A_49 : memref<16x128xi32, #tpu.memory_space<hbm>>) dst(%arg9 : memref<16x128xi32, #tpu.memory_space<vmem>>)
      tpu.yield
    }) : () -> ()
    %dma_start3A = arith.constant 0 : i32
    %dma_start3A_16 = arith.constant 0 : i32
    %dma_start3A_17 = arith.constant 0 : i32
    %dma_start3A_18 = arith.constant 0 : i32
    %dma_start3A_19 = tpu.memref_slice %arg11[%dma_start3A_16, %dma_start3A_17, %dma_start3A_18] : memref<2x128x128xf32, #tpu.memory_space<vmem>> -> memref<1x128x128xf32, #tpu.memory_space<vmem>>
    %dma_start3A_20 = tpu.memref_squeeze %dma_start3A_19 : memref<1x128x128xf32, #tpu.memory_space<vmem>> -> memref<128x128xf32, #tpu.memory_space<vmem>>
    %dma_start3A_21 = arith.constant 0 : i32
    %dma_start3A_22 = tpu.memref_slice %arg7[%dma_start3A, %dma_start3A_21] : memref<16x128xi32, #tpu.memory_space<vmem>> -> memref<1x128xi32, #tpu.memory_space<vmem>>
    %dma_start3A_23 = tpu.memref_squeeze %dma_start3A_22 : memref<1x128xi32, #tpu.memory_space<vmem>> -> memref<128xi32, #tpu.memory_space<vmem>>
    %dma_start3A_24 = arith.constant 0 : i32
    %dma_start3A_25 = arith.constant 0 : i32
    %dma_start3A_26 = tpu.memref_slice %arg2[%dma_start3A_24, %dma_start3A_25] : memref<20480x128xf32, #tpu.memory_space<hbm>> -> memref<20480x128xf32, #tpu.memory_space<hbm>>
    tpu.enqueue_indirect_dma source(%dma_start3A_26 : memref<20480x128xf32, #tpu.memory_space<hbm>>) target(%dma_start3A_20 : memref<128x128xf32, #tpu.memory_space<vmem>>) offsets(%dma_start3A_23 : memref<128xi32, #tpu.memory_space<vmem>>) semaphore(%arg12 : memref<!tpu.dma_semaphore, #tpu.memory_space<semaphore_mem>>)
    %barrier3A = arith.constant 0 : index
    tpu.barrier barrier_id(%barrier3A)
    %scan3A_27 = arith.constant 0 : i32
    %scan3A_28 = arith.constant 0 : i32
    %scan3A_29 = arith.constant 160 : i32
    %scan3A_30 = arith.addi %scan3A_28, %scan3A_29 : i32
    %scan3A_31 = arith.constant 1 : i32
    %scan3A_32 = scf.for %scan3A_39 = %scan3A_28 to %scan3A_30 step %scan3A_31 iter_args(%scan3A_40 = %scan3A_27) -> (i32)  : i32 {
      %jit3A = arith.constant 16 : i32
      %div3A = arith.divsi %scan3A_39, %jit3A : i32
      %sign3A = arith.constant 0 : i32
      %sign3A_41 = arith.cmpi sgt, %scan3A_39, %sign3A : i32
      %sign3A_42 = arith.extui %sign3A_41 : i1 to i32
      %sign3A_43 = arith.constant 0 : i32
      %sign3A_44 = arith.cmpi slt, %scan3A_39, %sign3A_43 : i32
      %sign3A_45 = arith.extui %sign3A_44 : i1 to i32
      %sign3A_46 = arith.subi %sign3A_42, %sign3A_45 : i32
      %sign3A_47 = arith.constant 0 : i32
      %sign3A_48 = arith.cmpi sgt, %jit3A, %sign3A_47 : i32
      %sign3A_49 = arith.extui %sign3A_48 : i1 to i32
      %sign3A_50 = arith.constant 0 : i32
      %sign3A_51 = arith.cmpi slt, %jit3A, %sign3A_50 : i32
      %sign3A_52 = arith.extui %sign3A_51 : i1 to i32
      %sign3A_53 = arith.subi %sign3A_49, %sign3A_52 : i32
      %ne3A = arith.cmpi ne, %sign3A_46, %sign3A_53 : i32
      %rem3A = arith.remsi %scan3A_39, %jit3A : i32
      %ne3A_54 = arith.constant 0 : i32
      %ne3A_55 = arith.cmpi ne, %rem3A, %ne3A_54 : i32
      %and3A = arith.andi %ne3A, %ne3A_55 : i1
      %sub3A = arith.constant 1 : i32
      %sub3A_56 = arith.subi %div3A, %sub3A : i32
      %select_n3A = arith.select %and3A, %sub3A_56, %div3A : i32
      %jit3A_57 = arith.constant 2 : i32
      %eq3A = arith.constant 0 : i32
      %eq3A_58 = arith.cmpi eq, %jit3A_57, %eq3A : i32
      %jit3A_59 = arith.constant 1 : i32
      %select_n3A_60 = arith.select %eq3A_58, %jit3A_59, %jit3A_57 : i32
      %rem3A_61 = arith.remsi %select_n3A, %select_n3A_60 : i32
      %ne3A_62 = arith.constant 0 : i32
      %ne3A_63 = arith.cmpi ne, %rem3A_61, %ne3A_62 : i32
      %lt3A = arith.constant 0 : i32
      %lt3A_64 = arith.cmpi slt, %rem3A_61, %lt3A : i32
      %lt3A_65 = arith.constant 0 : i32
      %lt3A_66 = arith.cmpi slt, %select_n3A_60, %lt3A_65 : i32
      %ne3A_67 = arith.xori %lt3A_64, %lt3A_66 : i1
      %and3A_68 = arith.andi %ne3A_67, %ne3A_63 : i1
      %add3A = arith.addi %rem3A_61, %select_n3A_60 : i32
      %select_n3A_69 = arith.select %and3A_68, %add3A, %rem3A_61 : i32
      %add3A_70 = arith.constant 1 : i32
      %add3A_71 = arith.addi %scan3A_39, %add3A_70 : i32
      %jit3A_72 = arith.constant 16 : i32
      %div3A_73 = arith.divsi %add3A_71, %jit3A_72 : i32
      %sign3A_74 = arith.constant 0 : i32
      %sign3A_75 = arith.cmpi sgt, %add3A_71, %sign3A_74 : i32
      %sign3A_76 = arith.extui %sign3A_75 : i1 to i32
      %sign3A_77 = arith.constant 0 : i32
      %sign3A_78 = arith.cmpi slt, %add3A_71, %sign3A_77 : i32
      %sign3A_79 = arith.extui %sign3A_78 : i1 to i32
      %sign3A_80 = arith.subi %sign3A_76, %sign3A_79 : i32
      %sign3A_81 = arith.constant 0 : i32
      %sign3A_82 = arith.cmpi sgt, %jit3A_72, %sign3A_81 : i32
      %sign3A_83 = arith.extui %sign3A_82 : i1 to i32
      %sign3A_84 = arith.constant 0 : i32
      %sign3A_85 = arith.cmpi slt, %jit3A_72, %sign3A_84 : i32
      %sign3A_86 = arith.extui %sign3A_85 : i1 to i32
      %sign3A_87 = arith.subi %sign3A_83, %sign3A_86 : i32
      %ne3A_88 = arith.cmpi ne, %sign3A_80, %sign3A_87 : i32
      %rem3A_89 = arith.remsi %add3A_71, %jit3A_72 : i32
      %ne3A_90 = arith.constant 0 : i32
      %ne3A_91 = arith.cmpi ne, %rem3A_89, %ne3A_90 : i32
      %and3A_92 = arith.andi %ne3A_88, %ne3A_91 : i1
      %sub3A_93 = arith.constant 1 : i32
      %sub3A_94 = arith.subi %div3A_73, %sub3A_93 : i32
      %select_n3A_95 = arith.select %and3A_92, %sub3A_94, %div3A_73 : i32
      %jit3A_96 = arith.constant 2 : i32
      %eq3A_97 = arith.constant 0 : i32
      %eq3A_98 = arith.cmpi eq, %jit3A_96, %eq3A_97 : i32
      %jit3A_99 = arith.constant 1 : i32
      %select_n3A_100 = arith.select %eq3A_98, %jit3A_99, %jit3A_96 : i32
      %rem3A_101 = arith.remsi %select_n3A_95, %select_n3A_100 : i32
      %ne3A_102 = arith.constant 0 : i32
      %ne3A_103 = arith.cmpi ne, %rem3A_101, %ne3A_102 : i32
      %lt3A_104 = arith.constant 0 : i32
      %lt3A_105 = arith.cmpi slt, %rem3A_101, %lt3A_104 : i32
      %lt3A_106 = arith.constant 0 : i32
      %lt3A_107 = arith.cmpi slt, %select_n3A_100, %lt3A_106 : i32
      %ne3A_108 = arith.xori %lt3A_105, %lt3A_107 : i1
      %and3A_109 = arith.andi %ne3A_108, %ne3A_103 : i1
      %add3A_110 = arith.addi %rem3A_101, %select_n3A_100 : i32
      %select_n3A_111 = arith.select %and3A_109, %add3A_110, %rem3A_101 : i32
      %jit3A_112 = arith.constant 16 : i32
      %eq3A_113 = arith.constant 0 : i32
      %eq3A_114 = arith.cmpi eq, %jit3A_112, %eq3A_113 : i32
      %jit3A_115 = arith.constant 1 : i32
      %select_n3A_116 = arith.select %eq3A_114, %jit3A_115, %jit3A_112 : i32
      %rem3A_117 = arith.remsi %scan3A_39, %select_n3A_116 : i32
      %ne3A_118 = arith.constant 0 : i32
      %ne3A_119 = arith.cmpi ne, %rem3A_117, %ne3A_118 : i32
      %lt3A_120 = arith.constant 0 : i32
      %lt3A_121 = arith.cmpi slt, %rem3A_117, %lt3A_120 : i32
      %lt3A_122 = arith.constant 0 : i32
      %lt3A_123 = arith.cmpi slt, %select_n3A_116, %lt3A_122 : i32
      %ne3A_124 = arith.xori %lt3A_121, %lt3A_123 : i1
      %and3A_125 = arith.andi %ne3A_124, %ne3A_119 : i1
      %add3A_126 = arith.addi %rem3A_117, %select_n3A_116 : i32
      %select_n3A_127 = arith.select %and3A_125, %add3A_126, %rem3A_117 : i32
      %jit3A_128 = arith.constant 16 : i32
      %eq3A_129 = arith.constant 0 : i32
      %eq3A_130 = arith.cmpi eq, %jit3A_128, %eq3A_129 : i32
      %jit3A_131 = arith.constant 1 : i32
      %select_n3A_132 = arith.select %eq3A_130, %jit3A_131, %jit3A_128 : i32
      %rem3A_133 = arith.remsi %add3A_71, %select_n3A_132 : i32
      %ne3A_134 = arith.constant 0 : i32
      %ne3A_135 = arith.cmpi ne, %rem3A_133, %ne3A_134 : i32
      %lt3A_136 = arith.constant 0 : i32
      %lt3A_137 = arith.cmpi slt, %rem3A_133, %lt3A_136 : i32
      %lt3A_138 = arith.constant 0 : i32
      %lt3A_139 = arith.cmpi slt, %select_n3A_132, %lt3A_138 : i32
      %ne3A_140 = arith.xori %lt3A_137, %lt3A_139 : i1
      %and3A_141 = arith.andi %ne3A_140, %ne3A_135 : i1
      %add3A_142 = arith.addi %rem3A_133, %select_n3A_132 : i32
      %select_n3A_143 = arith.select %and3A_141, %add3A_142, %rem3A_133 : i32
      %jit3A_144 = arith.constant 2 : i32
      %eq3A_145 = arith.constant 0 : i32
      %eq3A_146 = arith.cmpi eq, %jit3A_144, %eq3A_145 : i32
      %jit3A_147 = arith.constant 1 : i32
      %select_n3A_148 = arith.select %eq3A_146, %jit3A_147, %jit3A_144 : i32
      %rem3A_149 = arith.remsi %scan3A_39, %select_n3A_148 : i32
      %ne3A_150 = arith.constant 0 : i32
      %ne3A_151 = arith.cmpi ne, %rem3A_149, %ne3A_150 : i32
      %lt3A_152 = arith.constant 0 : i32
      %lt3A_153 = arith.cmpi slt, %rem3A_149, %lt3A_152 : i32
      %lt3A_154 = arith.constant 0 : i32
      %lt3A_155 = arith.cmpi slt, %select_n3A_148, %lt3A_154 : i32
      %ne3A_156 = arith.xori %lt3A_153, %lt3A_155 : i1
      %and3A_157 = arith.andi %ne3A_156, %ne3A_151 : i1
      %add3A_158 = arith.addi %rem3A_149, %select_n3A_148 : i32
      %select_n3A_159 = arith.select %and3A_157, %add3A_158, %rem3A_149 : i32
      %eq3A_160 = arith.constant 0 : i32
      %eq3A_161 = arith.cmpi eq, %select_n3A_159, %eq3A_160 : i32
      %convert_element_type3A = arith.extui %eq3A_161 : i1 to i32
      %cond3A = arith.constant 0 : i32
      %cond3A_162 = arith.cmpi ne, %convert_element_type3A, %cond3A : i32
      scf.if %cond3A_162 {
        %dma_wait3A = arith.constant 0 : i32
        %dma_wait3A_218 = arith.constant 0 : i32
        %dma_wait3A_219 = arith.constant 0 : i32
        %dma_wait3A_220 = arith.constant 0 : i32
        %dma_wait3A_221 = tpu.memref_slice %arg11[%dma_wait3A_218, %dma_wait3A_219, %dma_wait3A_220] : memref<2x128x128xf32, #tpu.memory_space<vmem>> -> memref<1x128x128xf32, #tpu.memory_space<vmem>>
        %dma_wait3A_222 = tpu.memref_squeeze %dma_wait3A_221 : memref<1x128x128xf32, #tpu.memory_space<vmem>> -> memref<128x128xf32, #tpu.memory_space<vmem>>
        %dma_wait3A_223 = arith.constant 0 : i32
        %dma_wait3A_224 = tpu.memref_slice %arg7[%dma_wait3A, %dma_wait3A_223] : memref<16x128xi32, #tpu.memory_space<vmem>> -> memref<1x128xi32, #tpu.memory_space<vmem>>
        %dma_wait3A_225 = tpu.memref_squeeze %dma_wait3A_224 : memref<1x128xi32, #tpu.memory_space<vmem>> -> memref<128xi32, #tpu.memory_space<vmem>>
        %dma_wait3A_226 = arith.constant 0 : i32
        %dma_wait3A_227 = arith.constant 0 : i32
        %dma_wait3A_228 = tpu.memref_slice %arg2[%dma_wait3A_226, %dma_wait3A_227] : memref<20480x128xf32, #tpu.memory_space<hbm>> -> memref<20480x128xf32, #tpu.memory_space<hbm>>
        tpu.wait_indirect_dma semaphore(%arg12 : memref<!tpu.dma_semaphore, #tpu.memory_space<semaphore_mem>>) src(%dma_wait3A_228 : memref<20480x128xf32, #tpu.memory_space<hbm>>) dst(%dma_wait3A_222 : memref<128x128xf32, #tpu.memory_space<vmem>>)
      } else {
      }
      %jit3A_163 = arith.constant 2 : i32
      %eq3A_164 = arith.constant 0 : i32
      %eq3A_165 = arith.cmpi eq, %jit3A_163, %eq3A_164 : i32
      %jit3A_166 = arith.constant 1 : i32
      %select_n3A_167 = arith.select %eq3A_165, %jit3A_166, %jit3A_163 : i32
      %rem3A_168 = arith.remsi %scan3A_39, %select_n3A_167 : i32
      %ne3A_169 = arith.constant 0 : i32
      %ne3A_170 = arith.cmpi ne, %rem3A_168, %ne3A_169 : i32
      %lt3A_171 = arith.constant 0 : i32
      %lt3A_172 = arith.cmpi slt, %rem3A_168, %lt3A_171 : i32
      %lt3A_173 = arith.constant 0 : i32
      %lt3A_174 = arith.cmpi slt, %select_n3A_167, %lt3A_173 : i32
      %ne3A_175 = arith.xori %lt3A_172, %lt3A_174 : i1
      %and3A_176 = arith.andi %ne3A_175, %ne3A_170 : i1
      %add3A_177 = arith.addi %rem3A_168, %select_n3A_167 : i32
      %select_n3A_178 = arith.select %and3A_176, %add3A_177, %rem3A_168 : i32
      %eq3A_179 = arith.constant 1 : i32
      %eq3A_180 = arith.cmpi eq, %select_n3A_178, %eq3A_179 : i32
      %convert_element_type3A_181 = arith.extui %eq3A_180 : i1 to i32
      %cond3A_182 = arith.constant 0 : i32
      %cond3A_183 = arith.cmpi ne, %convert_element_type3A_181, %cond3A_182 : i32
      scf.if %cond3A_183 {
        %dma_wait3A = arith.constant 0 : i32
        %dma_wait3A_218 = arith.constant 1 : i32
        %dma_wait3A_219 = arith.constant 0 : i32
        %dma_wait3A_220 = arith.constant 0 : i32
        %dma_wait3A_221 = tpu.memref_slice %arg11[%dma_wait3A_218, %dma_wait3A_219, %dma_wait3A_220] : memref<2x128x128xf32, #tpu.memory_space<vmem>> -> memref<1x128x128xf32, #tpu.memory_space<vmem>>
        %dma_wait3A_222 = tpu.memref_squeeze %dma_wait3A_221 : memref<1x128x128xf32, #tpu.memory_space<vmem>> -> memref<128x128xf32, #tpu.memory_space<vmem>>
        %dma_wait3A_223 = arith.constant 0 : i32
        %dma_wait3A_224 = tpu.memref_slice %arg7[%dma_wait3A, %dma_wait3A_223] : memref<16x128xi32, #tpu.memory_space<vmem>> -> memref<1x128xi32, #tpu.memory_space<vmem>>
        %dma_wait3A_225 = tpu.memref_squeeze %dma_wait3A_224 : memref<1x128xi32, #tpu.memory_space<vmem>> -> memref<128xi32, #tpu.memory_space<vmem>>
        %dma_wait3A_226 = arith.constant 0 : i32
        %dma_wait3A_227 = arith.constant 0 : i32
        %dma_wait3A_228 = tpu.memref_slice %arg2[%dma_wait3A_226, %dma_wait3A_227] : memref<20480x128xf32, #tpu.memory_space<hbm>> -> memref<20480x128xf32, #tpu.memory_space<hbm>>
        tpu.wait_indirect_dma semaphore(%arg13 : memref<!tpu.dma_semaphore, #tpu.memory_space<semaphore_mem>>) src(%dma_wait3A_228 : memref<20480x128xf32, #tpu.memory_space<hbm>>) dst(%dma_wait3A_222 : memref<128x128xf32, #tpu.memory_space<vmem>>)
      } else {
      }
      %eq3A_184 = arith.constant 0 : i32
      %eq3A_185 = arith.cmpi eq, %select_n3A_127, %eq3A_184 : i32
      %add3A_186 = arith.constant 16 : i32
      %add3A_187 = arith.addi %scan3A_39, %add3A_186 : i32
      %lt3A_188 = arith.constant 160 : i32
      %lt3A_189 = arith.cmpi slt, %add3A_187, %lt3A_188 : i32
      %and3A_190 = arith.andi %eq3A_185, %lt3A_189 : i1
      %convert_element_type3A_191 = arith.extui %and3A_190 : i1 to i32
      %cond3A_192 = arith.constant 0 : i32
      %cond3A_193 = arith.cmpi ne, %convert_element_type3A_191, %cond3A_192 : i32
      scf.if %cond3A_193 {
        %mul3A_218 = arith.constant 160 : i32
        %mul3A_219 = arith.muli %arg1, %mul3A_218 : i32
        %jit3A_220 = arith.constant 16 : i32
        %div3A_221 = arith.divsi %scan3A_39, %jit3A_220 : i32
        %sign3A_222 = arith.constant 0 : i32
        %sign3A_223 = arith.cmpi sgt, %scan3A_39, %sign3A_222 : i32
        %sign3A_224 = arith.extui %sign3A_223 : i1 to i32
        %sign3A_225 = arith.constant 0 : i32
        %sign3A_226 = arith.cmpi slt, %scan3A_39, %sign3A_225 : i32
        %sign3A_227 = arith.extui %sign3A_226 : i1 to i32
        %sign3A_228 = arith.subi %sign3A_224, %sign3A_227 : i32
        %sign3A_229 = arith.constant 0 : i32
        %sign3A_230 = arith.cmpi sgt, %jit3A_220, %sign3A_229 : i32
        %sign3A_231 = arith.extui %sign3A_230 : i1 to i32
        %sign3A_232 = arith.constant 0 : i32
        %sign3A_233 = arith.cmpi slt, %jit3A_220, %sign3A_232 : i32
        %sign3A_234 = arith.extui %sign3A_233 : i1 to i32
        %sign3A_235 = arith.subi %sign3A_231, %sign3A_234 : i32
        %ne3A_236 = arith.cmpi ne, %sign3A_228, %sign3A_235 : i32
        %rem3A_237 = arith.remsi %scan3A_39, %jit3A_220 : i32
        %ne3A_238 = arith.constant 0 : i32
        %ne3A_239 = arith.cmpi ne, %rem3A_237, %ne3A_238 : i32
        %and3A_240 = arith.andi %ne3A_236, %ne3A_239 : i1
        %sub3A_241 = arith.constant 1 : i32
        %sub3A_242 = arith.subi %div3A_221, %sub3A_241 : i32
        %select_n3A_243 = arith.select %and3A_240, %sub3A_242, %div3A_221 : i32
        %add3A_244 = arith.constant 1 : i32
        %add3A_245 = arith.addi %select_n3A_243, %add3A_244 : i32
        %mul3A_246 = arith.constant 16 : i32
        %mul3A_247 = arith.muli %mul3A_246, %add3A_245 : i32
        %add3A_248 = arith.addi %mul3A_219, %mul3A_247 : i32
        %eq3A_249 = arith.constant 0 : i32
        %eq3A_250 = arith.cmpi eq, %select_n3A_69, %eq3A_249 : i32
        %convert_element_type3A_251 = arith.extui %eq3A_250 : i1 to i32
        %cond3A_252 = arith.constant 0 : i32
        %cond3A_253 = arith.cmpi ne, %convert_element_type3A_251, %cond3A_252 : i32
        scf.if %cond3A_253 {
          %dma_start3A_259 = arith.constant 0 : i32
          %dma_start3A_260 = tpu.memref_slice %arg3[%arg0, %add3A_248, %dma_start3A_259] : memref<2x2560x128xi32, #tpu.memory_space<hbm>> -> memref<1x16x128xi32, #tpu.memory_space<hbm>>
          %dma_start3A_261 = tpu.memref_squeeze %dma_start3A_260 : memref<1x16x128xi32, #tpu.memory_space<hbm>> -> memref<16x128xi32, #tpu.memory_space<hbm>>
          %dma_start3A_262 = arith.constant 0 : i32
          %dma_start3A_263 = tpu.memref_slice %arg3[%arg0, %add3A_248, %dma_start3A_262] : memref<2x2560x128xi32, #tpu.memory_space<hbm>> -> memref<1x16x128xi32, #tpu.memory_space<hbm>>
          %dma_start3A_264 = tpu.memref_squeeze %dma_start3A_263 : memref<1x16x128xi32, #tpu.memory_space<hbm>> -> memref<16x128xi32, #tpu.memory_space<hbm>>
          tpu.enqueue_dma source(%dma_start3A_264 : memref<16x128xi32, #tpu.memory_space<hbm>>) target(%arg8 : memref<16x128xi32, #tpu.memory_space<vmem>>) target_semaphore(%arg14 : memref<!tpu.dma_semaphore, #tpu.memory_space<semaphore_mem>>)
          %dma_start3A_265 = arith.constant 0 : i32
          %dma_start3A_266 = tpu.memref_slice %arg4[%arg0, %add3A_248, %dma_start3A_265] : memref<2x2560x128xi32, #tpu.memory_space<hbm>> -> memref<1x16x128xi32, #tpu.memory_space<hbm>>
          %dma_start3A_267 = tpu.memref_squeeze %dma_start3A_266 : memref<1x16x128xi32, #tpu.memory_space<hbm>> -> memref<16x128xi32, #tpu.memory_space<hbm>>
          %dma_start3A_268 = arith.constant 0 : i32
          %dma_start3A_269 = tpu.memref_slice %arg4[%arg0, %add3A_248, %dma_start3A_268] : memref<2x2560x128xi32, #tpu.memory_space<hbm>> -> memref<1x16x128xi32, #tpu.memory_space<hbm>>
          %dma_start3A_270 = tpu.memref_squeeze %dma_start3A_269 : memref<1x16x128xi32, #tpu.memory_space<hbm>> -> memref<16x128xi32, #tpu.memory_space<hbm>>
          tpu.enqueue_dma source(%dma_start3A_270 : memref<16x128xi32, #tpu.memory_space<hbm>>) target(%arg10 : memref<16x128xi32, #tpu.memory_space<vmem>>) target_semaphore(%arg14 : memref<!tpu.dma_semaphore, #tpu.memory_space<semaphore_mem>>)
        } else {
        }
        %eq3A_254 = arith.constant 1 : i32
        %eq3A_255 = arith.cmpi eq, %select_n3A_69, %eq3A_254 : i32
        %convert_element_type3A_256 = arith.extui %eq3A_255 : i1 to i32
        %cond3A_257 = arith.constant 0 : i32
        %cond3A_258 = arith.cmpi ne, %convert_element_type3A_256, %cond3A_257 : i32
        scf.if %cond3A_258 {
          %dma_start3A_259 = arith.constant 0 : i32
          %dma_start3A_260 = tpu.memref_slice %arg3[%arg0, %add3A_248, %dma_start3A_259] : memref<2x2560x128xi32, #tpu.memory_space<hbm>> -> memref<1x16x128xi32, #tpu.memory_space<hbm>>
          %dma_start3A_261 = tpu.memref_squeeze %dma_start3A_260 : memref<1x16x128xi32, #tpu.memory_space<hbm>> -> memref<16x128xi32, #tpu.memory_space<hbm>>
          %dma_start3A_262 = arith.constant 0 : i32
          %dma_start3A_263 = tpu.memref_slice %arg3[%arg0, %add3A_248, %dma_start3A_262] : memref<2x2560x128xi32, #tpu.memory_space<hbm>> -> memref<1x16x128xi32, #tpu.memory_space<hbm>>
          %dma_start3A_264 = tpu.memref_squeeze %dma_start3A_263 : memref<1x16x128xi32, #tpu.memory_space<hbm>> -> memref<16x128xi32, #tpu.memory_space<hbm>>
          tpu.enqueue_dma source(%dma_start3A_264 : memref<16x128xi32, #tpu.memory_space<hbm>>) target(%arg7 : memref<16x128xi32, #tpu.memory_space<vmem>>) target_semaphore(%arg14 : memref<!tpu.dma_semaphore, #tpu.memory_space<semaphore_mem>>)
          %dma_start3A_265 = arith.constant 0 : i32
          %dma_start3A_266 = tpu.memref_slice %arg4[%arg0, %add3A_248, %dma_start3A_265] : memref<2x2560x128xi32, #tpu.memory_space<hbm>> -> memref<1x16x128xi32, #tpu.memory_space<hbm>>
          %dma_start3A_267 = tpu.memref_squeeze %dma_start3A_266 : memref<1x16x128xi32, #tpu.memory_space<hbm>> -> memref<16x128xi32, #tpu.memory_space<hbm>>
          %dma_start3A_268 = arith.constant 0 : i32
          %dma_start3A_269 = tpu.memref_slice %arg4[%arg0, %add3A_248, %dma_start3A_268] : memref<2x2560x128xi32, #tpu.memory_space<hbm>> -> memref<1x16x128xi32, #tpu.memory_space<hbm>>
          %dma_start3A_270 = tpu.memref_squeeze %dma_start3A_269 : memref<1x16x128xi32, #tpu.memory_space<hbm>> -> memref<16x128xi32, #tpu.memory_space<hbm>>
          tpu.enqueue_dma source(%dma_start3A_270 : memref<16x128xi32, #tpu.memory_space<hbm>>) target(%arg9 : memref<16x128xi32, #tpu.memory_space<vmem>>) target_semaphore(%arg14 : memref<!tpu.dma_semaphore, #tpu.memory_space<semaphore_mem>>)
        } else {
        }
      } else {
      }
      %lt3A_194 = arith.constant 160 : i32
      %lt3A_195 = arith.cmpi slt, %add3A_71, %lt3A_194 : i32
      %eq3A_196 = arith.constant 0 : i32
      %eq3A_197 = arith.cmpi eq, %select_n3A_143, %eq3A_196 : i32
      %and3A_198 = arith.andi %lt3A_195, %eq3A_197 : i1
      %convert_element_type3A_199 = arith.extui %and3A_198 : i1 to i32
      %cond3A_200 = arith.constant 0 : i32
      %cond3A_201 = arith.cmpi ne, %convert_element_type3A_199, %cond3A_200 : i32
      scf.if %cond3A_201 {
        %mul3A_218 = arith.constant 160 : i32
        %mul3A_219 = arith.muli %arg1, %mul3A_218 : i32
        %dma_wait3A = arith.constant 0 : i32
        %dma_wait3A_220 = tpu.memref_slice %arg3[%arg0, %mul3A_219, %dma_wait3A] : memref<2x2560x128xi32, #tpu.memory_space<hbm>> -> memref<1x16x128xi32, #tpu.memory_space<hbm>>
        %dma_wait3A_221 = tpu.memref_squeeze %dma_wait3A_220 : memref<1x16x128xi32, #tpu.memory_space<hbm>> -> memref<16x128xi32, #tpu.memory_space<hbm>>
        %dma_wait3A_222 = arith.constant 0 : i32
        %dma_wait3A_223 = tpu.memref_slice %arg3[%arg0, %mul3A_219, %dma_wait3A_222] : memref<2x2560x128xi32, #tpu.memory_space<hbm>> -> memref<1x16x128xi32, #tpu.memory_space<hbm>>
        %dma_wait3A_224 = tpu.memref_squeeze %dma_wait3A_223 : memref<1x16x128xi32, #tpu.memory_space<hbm>> -> memref<16x128xi32, #tpu.memory_space<hbm>>
        tpu.wait_dma2 semaphore(%arg14 : memref<!tpu.dma_semaphore, #tpu.memory_space<semaphore_mem>>) src(%dma_wait3A_224 : memref<16x128xi32, #tpu.memory_space<hbm>>) dst(%arg7 : memref<16x128xi32, #tpu.memory_space<vmem>>)
        %mul3A_225 = arith.constant 160 : i32
        %mul3A_226 = arith.muli %arg1, %mul3A_225 : i32
        %dma_wait3A_227 = arith.constant 0 : i32
        %dma_wait3A_228 = tpu.memref_slice %arg4[%arg0, %mul3A_226, %dma_wait3A_227] : memref<2x2560x128xi32, #tpu.memory_space<hbm>> -> memref<1x16x128xi32, #tpu.memory_space<hbm>>
        %dma_wait3A_229 = tpu.memref_squeeze %dma_wait3A_228 : memref<1x16x128xi32, #tpu.memory_space<hbm>> -> memref<16x128xi32, #tpu.memory_space<hbm>>
        %dma_wait3A_230 = arith.constant 0 : i32
        %dma_wait3A_231 = tpu.memref_slice %arg4[%arg0, %mul3A_226, %dma_wait3A_230] : memref<2x2560x128xi32, #tpu.memory_space<hbm>> -> memref<1x16x128xi32, #tpu.memory_space<hbm>>
        %dma_wait3A_232 = tpu.memref_squeeze %dma_wait3A_231 : memref<1x16x128xi32, #tpu.memory_space<hbm>> -> memref<16x128xi32, #tpu.memory_space<hbm>>
        tpu.wait_dma2 semaphore(%arg14 : memref<!tpu.dma_semaphore, #tpu.memory_space<semaphore_mem>>) src(%dma_wait3A_232 : memref<16x128xi32, #tpu.memory_space<hbm>>) dst(%arg9 : memref<16x128xi32, #tpu.memory_space<vmem>>)
      } else {
      }
      %lt3A_202 = arith.constant 160 : i32
      %lt3A_203 = arith.cmpi slt, %add3A_71, %lt3A_202 : i32
      %convert_element_type3A_204 = arith.extui %lt3A_203 : i1 to i32
      %cond3A_205 = arith.constant 0 : i32
      %cond3A_206 = arith.cmpi ne, %convert_element_type3A_204, %cond3A_205 : i32
      scf.if %cond3A_206 {
        %jit3A_218 = arith.constant 2 : i32
        %eq3A_219 = arith.constant 0 : i32
        %eq3A_220 = arith.cmpi eq, %jit3A_218, %eq3A_219 : i32
        %jit3A_221 = arith.constant 1 : i32
        %select_n3A_222 = arith.select %eq3A_220, %jit3A_221, %jit3A_218 : i32
        %rem3A_223 = arith.remsi %add3A_71, %select_n3A_222 : i32
        %ne3A_224 = arith.constant 0 : i32
        %ne3A_225 = arith.cmpi ne, %rem3A_223, %ne3A_224 : i32
        %lt3A_226 = arith.constant 0 : i32
        %lt3A_227 = arith.cmpi slt, %rem3A_223, %lt3A_226 : i32
        %lt3A_228 = arith.constant 0 : i32
        %lt3A_229 = arith.cmpi slt, %select_n3A_222, %lt3A_228 : i32
        %ne3A_230 = arith.xori %lt3A_227, %lt3A_229 : i1
        %and3A_231 = arith.andi %ne3A_230, %ne3A_225 : i1
        %add3A_232 = arith.addi %rem3A_223, %select_n3A_222 : i32
        %select_n3A_233 = arith.select %and3A_231, %add3A_232, %rem3A_223 : i32
        %eq3A_234 = arith.constant 0 : i32
        %eq3A_235 = arith.cmpi eq, %select_n3A_233, %eq3A_234 : i32
        %eq3A_236 = arith.constant 0 : i32
        %eq3A_237 = arith.cmpi eq, %select_n3A_111, %eq3A_236 : i32
        %and3A_238 = arith.andi %eq3A_235, %eq3A_237 : i1
        %convert_element_type3A_239 = arith.extui %and3A_238 : i1 to i32
        %cond3A_240 = arith.constant 0 : i32
        %cond3A_241 = arith.cmpi ne, %convert_element_type3A_239, %cond3A_240 : i32
        scf.if %cond3A_241 {
          %dma_start3A_314 = arith.constant 0 : i32
          %dma_start3A_315 = arith.constant 0 : i32
          %dma_start3A_316 = arith.constant 0 : i32
          %dma_start3A_317 = tpu.memref_slice %arg11[%dma_start3A_314, %dma_start3A_315, %dma_start3A_316] : memref<2x128x128xf32, #tpu.memory_space<vmem>> -> memref<1x128x128xf32, #tpu.memory_space<vmem>>
          %dma_start3A_318 = tpu.memref_squeeze %dma_start3A_317 : memref<1x128x128xf32, #tpu.memory_space<vmem>> -> memref<128x128xf32, #tpu.memory_space<vmem>>
          %dma_start3A_319 = arith.constant 0 : i32
          %dma_start3A_320 = tpu.memref_slice %arg7[%select_n3A_143, %dma_start3A_319] : memref<16x128xi32, #tpu.memory_space<vmem>> -> memref<1x128xi32, #tpu.memory_space<vmem>>
          %dma_start3A_321 = tpu.memref_squeeze %dma_start3A_320 : memref<1x128xi32, #tpu.memory_space<vmem>> -> memref<128xi32, #tpu.memory_space<vmem>>
          %dma_start3A_322 = arith.constant 0 : i32
          %dma_start3A_323 = arith.constant 0 : i32
          %dma_start3A_324 = tpu.memref_slice %arg2[%dma_start3A_322, %dma_start3A_323] : memref<20480x128xf32, #tpu.memory_space<hbm>> -> memref<20480x128xf32, #tpu.memory_space<hbm>>
          tpu.enqueue_indirect_dma source(%dma_start3A_324 : memref<20480x128xf32, #tpu.memory_space<hbm>>) target(%dma_start3A_318 : memref<128x128xf32, #tpu.memory_space<vmem>>) offsets(%dma_start3A_321 : memref<128xi32, #tpu.memory_space<vmem>>) semaphore(%arg12 : memref<!tpu.dma_semaphore, #tpu.memory_space<semaphore_mem>>)
        } else {
        }
        %jit3A_242 = arith.constant 2 : i32
        %eq3A_243 = arith.constant 0 : i32
        %eq3A_244 = arith.cmpi eq, %jit3A_242, %eq3A_243 : i32
        %jit3A_245 = arith.constant 1 : i32
        %select_n3A_246 = arith.select %eq3A_244, %jit3A_245, %jit3A_242 : i32
        %rem3A_247 = arith.remsi %add3A_71, %select_n3A_246 : i32
        %ne3A_248 = arith.constant 0 : i32
        %ne3A_249 = arith.cmpi ne, %rem3A_247, %ne3A_248 : i32
        %lt3A_250 = arith.constant 0 : i32
        %lt3A_251 = arith.cmpi slt, %rem3A_247, %lt3A_250 : i32
        %lt3A_252 = arith.constant 0 : i32
        %lt3A_253 = arith.cmpi slt, %select_n3A_246, %lt3A_252 : i32
        %ne3A_254 = arith.xori %lt3A_251, %lt3A_253 : i1
        %and3A_255 = arith.andi %ne3A_254, %ne3A_249 : i1
        %add3A_256 = arith.addi %rem3A_247, %select_n3A_246 : i32
        %select_n3A_257 = arith.select %and3A_255, %add3A_256, %rem3A_247 : i32
        %eq3A_258 = arith.constant 0 : i32
        %eq3A_259 = arith.cmpi eq, %select_n3A_257, %eq3A_258 : i32
        %eq3A_260 = arith.constant 1 : i32
        %eq3A_261 = arith.cmpi eq, %select_n3A_111, %eq3A_260 : i32
        %and3A_262 = arith.andi %eq3A_259, %eq3A_261 : i1
        %convert_element_type3A_263 = arith.extui %and3A_262 : i1 to i32
        %cond3A_264 = arith.constant 0 : i32
        %cond3A_265 = arith.cmpi ne, %convert_element_type3A_263, %cond3A_264 : i32
        scf.if %cond3A_265 {
          %dma_start3A_314 = arith.constant 0 : i32
          %dma_start3A_315 = arith.constant 0 : i32
          %dma_start3A_316 = arith.constant 0 : i32
          %dma_start3A_317 = tpu.memref_slice %arg11[%dma_start3A_314, %dma_start3A_315, %dma_start3A_316] : memref<2x128x128xf32, #tpu.memory_space<vmem>> -> memref<1x128x128xf32, #tpu.memory_space<vmem>>
          %dma_start3A_318 = tpu.memref_squeeze %dma_start3A_317 : memref<1x128x128xf32, #tpu.memory_space<vmem>> -> memref<128x128xf32, #tpu.memory_space<vmem>>
          %dma_start3A_319 = arith.constant 0 : i32
          %dma_start3A_320 = tpu.memref_slice %arg8[%select_n3A_143, %dma_start3A_319] : memref<16x128xi32, #tpu.memory_space<vmem>> -> memref<1x128xi32, #tpu.memory_space<vmem>>
          %dma_start3A_321 = tpu.memref_squeeze %dma_start3A_320 : memref<1x128xi32, #tpu.memory_space<vmem>> -> memref<128xi32, #tpu.memory_space<vmem>>
          %dma_start3A_322 = arith.constant 0 : i32
          %dma_start3A_323 = arith.constant 0 : i32
          %dma_start3A_324 = tpu.memref_slice %arg2[%dma_start3A_322, %dma_start3A_323] : memref<20480x128xf32, #tpu.memory_space<hbm>> -> memref<20480x128xf32, #tpu.memory_space<hbm>>
          tpu.enqueue_indirect_dma source(%dma_start3A_324 : memref<20480x128xf32, #tpu.memory_space<hbm>>) target(%dma_start3A_318 : memref<128x128xf32, #tpu.memory_space<vmem>>) offsets(%dma_start3A_321 : memref<128xi32, #tpu.memory_space<vmem>>) semaphore(%arg12 : memref<!tpu.dma_semaphore, #tpu.memory_space<semaphore_mem>>)
        } else {
        }
        %jit3A_266 = arith.constant 2 : i32
        %eq3A_267 = arith.constant 0 : i32
        %eq3A_268 = arith.cmpi eq, %jit3A_266, %eq3A_267 : i32
        %jit3A_269 = arith.constant 1 : i32
        %select_n3A_270 = arith.select %eq3A_268, %jit3A_269, %jit3A_266 : i32
        %rem3A_271 = arith.remsi %add3A_71, %select_n3A_270 : i32
        %ne3A_272 = arith.constant 0 : i32
        %ne3A_273 = arith.cmpi ne, %rem3A_271, %ne3A_272 : i32
        %lt3A_274 = arith.constant 0 : i32
        %lt3A_275 = arith.cmpi slt, %rem3A_271, %lt3A_274 : i32
        %lt3A_276 = arith.constant 0 : i32
        %lt3A_277 = arith.cmpi slt, %select_n3A_270, %lt3A_276 : i32
        %ne3A_278 = arith.xori %lt3A_275, %lt3A_277 : i1
        %and3A_279 = arith.andi %ne3A_278, %ne3A_273 : i1
        %add3A_280 = arith.addi %rem3A_271, %select_n3A_270 : i32
        %select_n3A_281 = arith.select %and3A_279, %add3A_280, %rem3A_271 : i32
        %eq3A_282 = arith.constant 1 : i32
        %eq3A_283 = arith.cmpi eq, %select_n3A_281, %eq3A_282 : i32
        %eq3A_284 = arith.constant 0 : i32
        %eq3A_285 = arith.cmpi eq, %select_n3A_111, %eq3A_284 : i32
        %and3A_286 = arith.andi %eq3A_283, %eq3A_285 : i1
        %convert_element_type3A_287 = arith.extui %and3A_286 : i1 to i32
        %cond3A_288 = arith.constant 0 : i32
        %cond3A_289 = arith.cmpi ne, %convert_element_type3A_287, %cond3A_288 : i32
        scf.if %cond3A_289 {
          %dma_start3A_314 = arith.constant 1 : i32
          %dma_start3A_315 = arith.constant 0 : i32
          %dma_start3A_316 = arith.constant 0 : i32
          %dma_start3A_317 = tpu.memref_slice %arg11[%dma_start3A_314, %dma_start3A_315, %dma_start3A_316] : memref<2x128x128xf32, #tpu.memory_space<vmem>> -> memref<1x128x128xf32, #tpu.memory_space<vmem>>
          %dma_start3A_318 = tpu.memref_squeeze %dma_start3A_317 : memref<1x128x128xf32, #tpu.memory_space<vmem>> -> memref<128x128xf32, #tpu.memory_space<vmem>>
          %dma_start3A_319 = arith.constant 0 : i32
          %dma_start3A_320 = tpu.memref_slice %arg7[%select_n3A_143, %dma_start3A_319] : memref<16x128xi32, #tpu.memory_space<vmem>> -> memref<1x128xi32, #tpu.memory_space<vmem>>
          %dma_start3A_321 = tpu.memref_squeeze %dma_start3A_320 : memref<1x128xi32, #tpu.memory_space<vmem>> -> memref<128xi32, #tpu.memory_space<vmem>>
          %dma_start3A_322 = arith.constant 0 : i32
          %dma_start3A_323 = arith.constant 0 : i32
          %dma_start3A_324 = tpu.memref_slice %arg2[%dma_start3A_322, %dma_start3A_323] : memref<20480x128xf32, #tpu.memory_space<hbm>> -> memref<20480x128xf32, #tpu.memory_space<hbm>>
          tpu.enqueue_indirect_dma source(%dma_start3A_324 : memref<20480x128xf32, #tpu.memory_space<hbm>>) target(%dma_start3A_318 : memref<128x128xf32, #tpu.memory_space<vmem>>) offsets(%dma_start3A_321 : memref<128xi32, #tpu.memory_space<vmem>>) semaphore(%arg13 : memref<!tpu.dma_semaphore, #tpu.memory_space<semaphore_mem>>)
        } else {
        }
        %jit3A_290 = arith.constant 2 : i32
        %eq3A_291 = arith.constant 0 : i32
        %eq3A_292 = arith.cmpi eq, %jit3A_290, %eq3A_291 : i32
        %jit3A_293 = arith.constant 1 : i32
        %select_n3A_294 = arith.select %eq3A_292, %jit3A_293, %jit3A_290 : i32
        %rem3A_295 = arith.remsi %add3A_71, %select_n3A_294 : i32
        %ne3A_296 = arith.constant 0 : i32
        %ne3A_297 = arith.cmpi ne, %rem3A_295, %ne3A_296 : i32
        %lt3A_298 = arith.constant 0 : i32
        %lt3A_299 = arith.cmpi slt, %rem3A_295, %lt3A_298 : i32
        %lt3A_300 = arith.constant 0 : i32
        %lt3A_301 = arith.cmpi slt, %select_n3A_294, %lt3A_300 : i32
        %ne3A_302 = arith.xori %lt3A_299, %lt3A_301 : i1
        %and3A_303 = arith.andi %ne3A_302, %ne3A_297 : i1
        %add3A_304 = arith.addi %rem3A_295, %select_n3A_294 : i32
        %select_n3A_305 = arith.select %and3A_303, %add3A_304, %rem3A_295 : i32
        %eq3A_306 = arith.constant 1 : i32
        %eq3A_307 = arith.cmpi eq, %select_n3A_305, %eq3A_306 : i32
        %eq3A_308 = arith.constant 1 : i32
        %eq3A_309 = arith.cmpi eq, %select_n3A_111, %eq3A_308 : i32
        %and3A_310 = arith.andi %eq3A_307, %eq3A_309 : i1
        %convert_element_type3A_311 = arith.extui %and3A_310 : i1 to i32
        %cond3A_312 = arith.constant 0 : i32
        %cond3A_313 = arith.cmpi ne, %convert_element_type3A_311, %cond3A_312 : i32
        scf.if %cond3A_313 {
          %dma_start3A_314 = arith.constant 1 : i32
          %dma_start3A_315 = arith.constant 0 : i32
          %dma_start3A_316 = arith.constant 0 : i32
          %dma_start3A_317 = tpu.memref_slice %arg11[%dma_start3A_314, %dma_start3A_315, %dma_start3A_316] : memref<2x128x128xf32, #tpu.memory_space<vmem>> -> memref<1x128x128xf32, #tpu.memory_space<vmem>>
          %dma_start3A_318 = tpu.memref_squeeze %dma_start3A_317 : memref<1x128x128xf32, #tpu.memory_space<vmem>> -> memref<128x128xf32, #tpu.memory_space<vmem>>
          %dma_start3A_319 = arith.constant 0 : i32
          %dma_start3A_320 = tpu.memref_slice %arg8[%select_n3A_143, %dma_start3A_319] : memref<16x128xi32, #tpu.memory_space<vmem>> -> memref<1x128xi32, #tpu.memory_space<vmem>>
          %dma_start3A_321 = tpu.memref_squeeze %dma_start3A_320 : memref<1x128xi32, #tpu.memory_space<vmem>> -> memref<128xi32, #tpu.memory_space<vmem>>
          %dma_start3A_322 = arith.constant 0 : i32
          %dma_start3A_323 = arith.constant 0 : i32
          %dma_start3A_324 = tpu.memref_slice %arg2[%dma_start3A_322, %dma_start3A_323] : memref<20480x128xf32, #tpu.memory_space<hbm>> -> memref<20480x128xf32, #tpu.memory_space<hbm>>
          tpu.enqueue_indirect_dma source(%dma_start3A_324 : memref<20480x128xf32, #tpu.memory_space<hbm>>) target(%dma_start3A_318 : memref<128x128xf32, #tpu.memory_space<vmem>>) offsets(%dma_start3A_321 : memref<128xi32, #tpu.memory_space<vmem>>) semaphore(%arg13 : memref<!tpu.dma_semaphore, #tpu.memory_space<semaphore_mem>>)
        } else {
        }
      } else {
      }
      %eq3A_207 = arith.constant 0 : i32
      %eq3A_208 = arith.cmpi eq, %select_n3A_69, %eq3A_207 : i32
      %convert_element_type3A_209 = arith.extui %eq3A_208 : i1 to i32
      %cond3A_210 = arith.constant 0 : i32
      %cond3A_211 = arith.cmpi ne, %convert_element_type3A_209, %cond3A_210 : i32
      scf.if %cond3A_211 {
        %jit3A_218 = arith.constant 2 : i32
        %eq3A_219 = arith.constant 0 : i32
        %eq3A_220 = arith.cmpi eq, %jit3A_218, %eq3A_219 : i32
        %jit3A_221 = arith.constant 1 : i32
        %select_n3A_222 = arith.select %eq3A_220, %jit3A_221, %jit3A_218 : i32
        %rem3A_223 = arith.remsi %scan3A_39, %select_n3A_222 : i32
        %ne3A_224 = arith.constant 0 : i32
        %ne3A_225 = arith.cmpi ne, %rem3A_223, %ne3A_224 : i32
        %lt3A_226 = arith.constant 0 : i32
        %lt3A_227 = arith.cmpi slt, %rem3A_223, %lt3A_226 : i32
        %lt3A_228 = arith.constant 0 : i32
        %lt3A_229 = arith.cmpi slt, %select_n3A_222, %lt3A_228 : i32
        %ne3A_230 = arith.xori %lt3A_227, %lt3A_229 : i1
        %and3A_231 = arith.andi %ne3A_230, %ne3A_225 : i1
        %add3A_232 = arith.addi %rem3A_223, %select_n3A_222 : i32
        %select_n3A_233 = arith.select %and3A_231, %add3A_232, %rem3A_223 : i32
        "tpu.region"() ({
          %run_scoped3A = tpu.sem_alloc : memref<!tpu.dma_semaphore, #tpu.memory_space<semaphore_mem>>
          %dma_start3A_234 = arith.constant 0 : i32
          %dma_start3A_235 = arith.constant 0 : i32
          %dma_start3A_236 = tpu.memref_slice %arg11[%select_n3A_233, %dma_start3A_234, %dma_start3A_235] : memref<2x128x128xf32, #tpu.memory_space<vmem>> -> memref<1x128x128xf32, #tpu.memory_space<vmem>>
          %dma_start3A_237 = tpu.memref_squeeze %dma_start3A_236 : memref<1x128x128xf32, #tpu.memory_space<vmem>> -> memref<128x128xf32, #tpu.memory_space<vmem>>
          %dma_start3A_238 = arith.constant 0 : i32
          %dma_start3A_239 = tpu.memref_slice %arg9[%select_n3A_127, %dma_start3A_238] : memref<16x128xi32, #tpu.memory_space<vmem>> -> memref<1x128xi32, #tpu.memory_space<vmem>>
          %dma_start3A_240 = tpu.memref_squeeze %dma_start3A_239 : memref<1x128xi32, #tpu.memory_space<vmem>> -> memref<128xi32, #tpu.memory_space<vmem>>
          %dma_start3A_241 = arith.constant 0 : i32
          %dma_start3A_242 = arith.constant 0 : i32
          %dma_start3A_243 = tpu.memref_slice %arg6[%dma_start3A_241, %dma_start3A_242] : memref<10240x128xf32, #tpu.memory_space<vmem_shared>> -> memref<10240x128xf32, #tpu.memory_space<vmem_shared>>
          tpu.enqueue_indirect_dma source(%dma_start3A_237 : memref<128x128xf32, #tpu.memory_space<vmem>>) target(%dma_start3A_243 : memref<10240x128xf32, #tpu.memory_space<vmem_shared>>) offsets(%dma_start3A_240 : memref<128xi32, #tpu.memory_space<vmem>>) semaphore(%run_scoped3A : memref<!tpu.dma_semaphore, #tpu.memory_space<semaphore_mem>>) {add = true}
          %dma_wait3A = arith.constant 0 : i32
          %dma_wait3A_244 = arith.constant 0 : i32
          %dma_wait3A_245 = tpu.memref_slice %arg11[%select_n3A_233, %dma_wait3A, %dma_wait3A_244] : memref<2x128x128xf32, #tpu.memory_space<vmem>> -> memref<1x128x128xf32, #tpu.memory_space<vmem>>
          %dma_wait3A_246 = tpu.memref_squeeze %dma_wait3A_245 : memref<1x128x128xf32, #tpu.memory_space<vmem>> -> memref<128x128xf32, #tpu.memory_space<vmem>>
          %dma_wait3A_247 = arith.constant 0 : i32
          %dma_wait3A_248 = tpu.memref_slice %arg9[%select_n3A_127, %dma_wait3A_247] : memref<16x128xi32, #tpu.memory_space<vmem>> -> memref<1x128xi32, #tpu.memory_space<vmem>>
          %dma_wait3A_249 = tpu.memref_squeeze %dma_wait3A_248 : memref<1x128xi32, #tpu.memory_space<vmem>> -> memref<128xi32, #tpu.memory_space<vmem>>
          %dma_wait3A_250 = arith.constant 0 : i32
          %dma_wait3A_251 = arith.constant 0 : i32
          %dma_wait3A_252 = tpu.memref_slice %arg6[%dma_wait3A_250, %dma_wait3A_251] : memref<10240x128xf32, #tpu.memory_space<vmem_shared>> -> memref<10240x128xf32, #tpu.memory_space<vmem_shared>>
          tpu.wait_indirect_dma semaphore(%run_scoped3A : memref<!tpu.dma_semaphore, #tpu.memory_space<semaphore_mem>>) src(%dma_wait3A_246 : memref<128x128xf32, #tpu.memory_space<vmem>>) dst(%dma_wait3A_252 : memref<10240x128xf32, #tpu.memory_space<vmem_shared>>)
          tpu.yield
        }) : () -> ()
      } else {
      }
      %eq3A_212 = arith.constant 1 : i32
      %eq3A_213 = arith.cmpi eq, %select_n3A_69, %eq3A_212 : i32
      %convert_element_type3A_214 = arith.extui %eq3A_213 : i1 to i32
      %cond3A_215 = arith.constant 0 : i32
      %cond3A_216 = arith.cmpi ne, %convert_element_type3A_214, %cond3A_215 : i32
      scf.if %cond3A_216 {
        %jit3A_218 = arith.constant 2 : i32
        %eq3A_219 = arith.constant 0 : i32
        %eq3A_220 = arith.cmpi eq, %jit3A_218, %eq3A_219 : i32
        %jit3A_221 = arith.constant 1 : i32
        %select_n3A_222 = arith.select %eq3A_220, %jit3A_221, %jit3A_218 : i32
        %rem3A_223 = arith.remsi %scan3A_39, %select_n3A_222 : i32
        %ne3A_224 = arith.constant 0 : i32
        %ne3A_225 = arith.cmpi ne, %rem3A_223, %ne3A_224 : i32
        %lt3A_226 = arith.constant 0 : i32
        %lt3A_227 = arith.cmpi slt, %rem3A_223, %lt3A_226 : i32
        %lt3A_228 = arith.constant 0 : i32
        %lt3A_229 = arith.cmpi slt, %select_n3A_222, %lt3A_228 : i32
        %ne3A_230 = arith.xori %lt3A_227, %lt3A_229 : i1
        %and3A_231 = arith.andi %ne3A_230, %ne3A_225 : i1
        %add3A_232 = arith.addi %rem3A_223, %select_n3A_222 : i32
        %select_n3A_233 = arith.select %and3A_231, %add3A_232, %rem3A_223 : i32
        "tpu.region"() ({
          %run_scoped3A = tpu.sem_alloc : memref<!tpu.dma_semaphore, #tpu.memory_space<semaphore_mem>>
          %dma_start3A_234 = arith.constant 0 : i32
          %dma_start3A_235 = arith.constant 0 : i32
          %dma_start3A_236 = tpu.memref_slice %arg11[%select_n3A_233, %dma_start3A_234, %dma_start3A_235] : memref<2x128x128xf32, #tpu.memory_space<vmem>> -> memref<1x128x128xf32, #tpu.memory_space<vmem>>
          %dma_start3A_237 = tpu.memref_squeeze %dma_start3A_236 : memref<1x128x128xf32, #tpu.memory_space<vmem>> -> memref<128x128xf32, #tpu.memory_space<vmem>>
          %dma_start3A_238 = arith.constant 0 : i32
          %dma_start3A_239 = tpu.memref_slice %arg10[%select_n3A_127, %dma_start3A_238] : memref<16x128xi32, #tpu.memory_space<vmem>> -> memref<1x128xi32, #tpu.memory_space<vmem>>
          %dma_start3A_240 = tpu.memref_squeeze %dma_start3A_239 : memref<1x128xi32, #tpu.memory_space<vmem>> -> memref<128xi32, #tpu.memory_space<vmem>>
          %dma_start3A_241 = arith.constant 0 : i32
          %dma_start3A_242 = arith.constant 0 : i32
          %dma_start3A_243 = tpu.memref_slice %arg6[%dma_start3A_241, %dma_start3A_242] : memref<10240x128xf32, #tpu.memory_space<vmem_shared>> -> memref<10240x128xf32, #tpu.memory_space<vmem_shared>>
          tpu.enqueue_indirect_dma source(%dma_start3A_237 : memref<128x128xf32, #tpu.memory_space<vmem>>) target(%dma_start3A_243 : memref<10240x128xf32, #tpu.memory_space<vmem_shared>>) offsets(%dma_start3A_240 : memref<128xi32, #tpu.memory_space<vmem>>) semaphore(%run_scoped3A : memref<!tpu.dma_semaphore, #tpu.memory_space<semaphore_mem>>) {add = true}
          %dma_wait3A = arith.constant 0 : i32
          %dma_wait3A_244 = arith.constant 0 : i32
          %dma_wait3A_245 = tpu.memref_slice %arg11[%select_n3A_233, %dma_wait3A, %dma_wait3A_244] : memref<2x128x128xf32, #tpu.memory_space<vmem>> -> memref<1x128x128xf32, #tpu.memory_space<vmem>>
          %dma_wait3A_246 = tpu.memref_squeeze %dma_wait3A_245 : memref<1x128x128xf32, #tpu.memory_space<vmem>> -> memref<128x128xf32, #tpu.memory_space<vmem>>
          %dma_wait3A_247 = arith.constant 0 : i32
          %dma_wait3A_248 = tpu.memref_slice %arg10[%select_n3A_127, %dma_wait3A_247] : memref<16x128xi32, #tpu.memory_space<vmem>> -> memref<1x128xi32, #tpu.memory_space<vmem>>
          %dma_wait3A_249 = tpu.memref_squeeze %dma_wait3A_248 : memref<1x128xi32, #tpu.memory_space<vmem>> -> memref<128xi32, #tpu.memory_space<vmem>>
          %dma_wait3A_250 = arith.constant 0 : i32
          %dma_wait3A_251 = arith.constant 0 : i32
          %dma_wait3A_252 = tpu.memref_slice %arg6[%dma_wait3A_250, %dma_wait3A_251] : memref<10240x128xf32, #tpu.memory_space<vmem_shared>> -> memref<10240x128xf32, #tpu.memory_space<vmem_shared>>
          tpu.wait_indirect_dma semaphore(%run_scoped3A : memref<!tpu.dma_semaphore, #tpu.memory_space<semaphore_mem>>) src(%dma_wait3A_246 : memref<128x128xf32, #tpu.memory_space<vmem>>) dst(%dma_wait3A_252 : memref<10240x128xf32, #tpu.memory_space<vmem_shared>>)
          tpu.yield
        }) : () -> ()
      } else {
      }
      %scan3A_217 = arith.constant 0 : i32
      scf.yield %scan3A_217 : i32
    }
    %scan3A_33 = arith.constant 160 : i32
    %barrier3A_34 = arith.constant 0 : index
    tpu.barrier barrier_id(%barrier3A_34)
    %mul3A_35 = arith.constant 640 : i32
    %mul3A_36 = arith.muli %arg1, %mul3A_35 : i32
    %mul3A_37 = arith.constant 640 : i32
    %mul3A_38 = arith.muli %arg1, %mul3A_37 : i32
    "tpu.region"() ({
      %run_scoped3A = tpu.sem_alloc : memref<!tpu.dma_semaphore, #tpu.memory_space<semaphore_mem>>
      %dma_start3A_39 = arith.constant 0 : i32
      %dma_start3A_40 = tpu.memref_slice %arg5[%arg0, %mul3A_38, %dma_start3A_39] : memref<2x10240x128xf32, #tpu.memory_space<hbm>> -> memref<1x640x128xf32, #tpu.memory_space<hbm>>
      %dma_start3A_41 = tpu.memref_squeeze %dma_start3A_40 : memref<1x640x128xf32, #tpu.memory_space<hbm>> -> memref<640x128xf32, #tpu.memory_space<hbm>>
      %dma_start3A_42 = arith.constant 0 : i32
      %dma_start3A_43 = tpu.memref_slice %arg6[%mul3A_36, %dma_start3A_42] : memref<10240x128xf32, #tpu.memory_space<vmem_shared>> -> memref<640x128xf32, #tpu.memory_space<vmem_shared>>
      tpu.enqueue_dma source(%dma_start3A_43 : memref<640x128xf32, #tpu.memory_space<vmem_shared>>) target(%dma_start3A_41 : memref<640x128xf32, #tpu.memory_space<hbm>>) target_semaphore(%run_scoped3A : memref<!tpu.dma_semaphore, #tpu.memory_space<semaphore_mem>>)
      %dma_wait3A = arith.constant 0 : i32
      %dma_wait3A_44 = tpu.memref_slice %arg5[%arg0, %mul3A_38, %dma_wait3A] : memref<2x10240x128xf32, #tpu.memory_space<hbm>> -> memref<1x640x128xf32, #tpu.memory_space<hbm>>
      %dma_wait3A_45 = tpu.memref_squeeze %dma_wait3A_44 : memref<1x640x128xf32, #tpu.memory_space<hbm>> -> memref<640x128xf32, #tpu.memory_space<hbm>>
      %dma_wait3A_46 = arith.constant 0 : i32
      %dma_wait3A_47 = tpu.memref_slice %arg6[%mul3A_36, %dma_wait3A_46] : memref<10240x128xf32, #tpu.memory_space<vmem_shared>> -> memref<640x128xf32, #tpu.memory_space<vmem_shared>>
      tpu.wait_dma2 semaphore(%run_scoped3A : memref<!tpu.dma_semaphore, #tpu.memory_space<semaphore_mem>>) src(%dma_wait3A_47 : memref<640x128xf32, #tpu.memory_space<vmem_shared>>) dst(%dma_wait3A_45 : memref<640x128xf32, #tpu.memory_space<hbm>>)
      tpu.yield
    }) : () -> ()
    return
  }
}

#map = affine_map<(d0, d1) -> (0, 0)>
#map1 = affine_map<(d0, d1) -> (0, 0, 0)>
module attributes {stable_mosaic.version = 14 : i64} {
  func.func @kern(%arg0: i32, %arg1: i32, %arg2: memref<20480x128xf32, #tpu.memory_space<hbm>>, %arg3: memref<2x2560x128xi32, #tpu.memory_space<hbm>>, %arg4: memref<2x2560x128xi32, #tpu.memory_space<hbm>>, %arg5: memref<2x10240x128xf32, #tpu.memory_space<hbm>>, %arg6: memref<10240x128xf32, #tpu.memory_space<vmem_shared>>, %arg7: memref<16x128xi32, #tpu.memory_space<vmem>>, %arg8: memref<16x128xi32, #tpu.memory_space<vmem>>, %arg9: memref<16x128xi32, #tpu.memory_space<vmem>>, %arg10: memref<16x128xi32, #tpu.memory_space<vmem>>, %arg11: memref<2x128x128xf32, #tpu.memory_space<vmem>>, %arg12: memref<!tpu.dma_semaphore, #tpu.memory_space<semaphore_mem>>, %arg13: memref<!tpu.dma_semaphore, #tpu.memory_space<semaphore_mem>>, %arg14: memref<!tpu.dma_semaphore, #tpu.memory_space<semaphore_mem>>) attributes {dimension_semantics = [#tpu.dimension_semantics<core_parallel>, #tpu.dimension_semantics<subcore_parallel>], iteration_bounds = array<i64: 2, 16>, scalar_prefetch = 0 : i64, scratch_operands = 9 : i64, tpu.core_type = #tpu.core_type<sc_vector_subcore>, window_params = [{transform_indices = #map}, {transform_indices = #map1}, {transform_indices = #map1}, {transform_indices = #map1}]} {
    %scan3A = arith.constant 0 : i32
    %scan3A_0 = arith.constant 0 : i32
    %scan3A_1 = arith.constant 1024 : i32
    %scan3A_2 = arith.addi %scan3A_0, %scan3A_1 : i32
    %scan3A_3 = arith.constant 1 : i32
    %scan3A_4 = scf.for %scan3A_39 = %scan3A_0 to %scan3A_2 step %scan3A_3 iter_args(%scan3A_40 = %scan3A) -> (i32)  : i32 {
      %broadcast_in_dim3A = arith.constant 0.000000e+00 : f32
      %broadcast_in_dim3A_41 = vector.broadcast %broadcast_in_dim3A : f32 to vector<16xf32>
      %jit3A = arith.constant 8 : i32
      %div3A = arith.divsi %scan3A_39, %jit3A : i32
      %sign3A = arith.constant 0 : i32
      %sign3A_42 = arith.cmpi sgt, %scan3A_39, %sign3A : i32
      %sign3A_43 = arith.extui %sign3A_42 : i1 to i32
      %sign3A_44 = arith.constant 0 : i32
      %sign3A_45 = arith.cmpi slt, %scan3A_39, %sign3A_44 : i32
      %sign3A_46 = arith.extui %sign3A_45 : i1 to i32
      %sign3A_47 = arith.subi %sign3A_43, %sign3A_46 : i32
      %sign3A_48 = arith.constant 0 : i32
      %sign3A_49 = arith.cmpi sgt, %jit3A, %sign3A_48 : i32
      %sign3A_50 = arith.extui %sign3A_49 : i1 to i32
      %sign3A_51 = arith.constant 0 : i32
      %sign3A_52 = arith.cmpi slt, %jit3A, %sign3A_51 : i32
      %sign3A_53 = arith.extui %sign3A_52 : i1 to i32
      %sign3A_54 = arith.subi %sign3A_50, %sign3A_53 : i32
      %ne3A = arith.cmpi ne, %sign3A_47, %sign3A_54 : i32
      %rem3A = arith.remsi %scan3A_39, %jit3A : i32
      %ne3A_55 = arith.constant 0 : i32
      %ne3A_56 = arith.cmpi ne, %rem3A, %ne3A_55 : i32
      %and3A = arith.andi %ne3A, %ne3A_56 : i1
      %sub3A = arith.constant 1 : i32
      %sub3A_57 = arith.subi %div3A, %sub3A : i32
      %select_n3A = arith.select %and3A, %sub3A_57, %div3A : i32
      %jit3A_58 = arith.constant 8 : i32
      %eq3A = arith.constant 0 : i32
      %eq3A_59 = arith.cmpi eq, %jit3A_58, %eq3A : i32
      %jit3A_60 = arith.constant 1 : i32
      %select_n3A_61 = arith.select %eq3A_59, %jit3A_60, %jit3A_58 : i32
      %rem3A_62 = arith.remsi %scan3A_39, %select_n3A_61 : i32
      %ne3A_63 = arith.constant 0 : i32
      %ne3A_64 = arith.cmpi ne, %rem3A_62, %ne3A_63 : i32
      %lt3A = arith.constant 0 : i32
      %lt3A_65 = arith.cmpi slt, %rem3A_62, %lt3A : i32
      %lt3A_66 = arith.constant 0 : i32
      %lt3A_67 = arith.cmpi slt, %select_n3A_61, %lt3A_66 : i32
      %ne3A_68 = arith.xori %lt3A_65, %lt3A_67 : i1
      %and3A_69 = arith.andi %ne3A_68, %ne3A_64 : i1
      %add3A = arith.addi %rem3A_62, %select_n3A_61 : i32
      %select_n3A_70 = arith.select %and3A_69, %add3A, %rem3A_62 : i32
      %mul3A_71 = arith.constant 16 : i32
      %mul3A_72 = arith.muli %select_n3A_70, %mul3A_71 : i32
      %swap3A = arith.constant 0 : i32
      %swap3A_73 = arith.index_cast %swap3A : i32 to index
      %swap3A_74 = arith.index_cast %select_n3A : i32 to index
      %swap3A_75 = arith.index_cast %mul3A_72 : i32 to index
      %swap3A_76 = tpu.vector_load %arg11[%swap3A_73, %swap3A_74, %swap3A_75] {strides = array<i32>} : memref<2x128x128xf32, #tpu.memory_space<vmem>>, vector<1x1x16xf32>,
      %swap3A_77 = vector.shape_cast %swap3A_76 : vector<1x1x16xf32> to vector<16xf32>
      %swap3A_78 = vector.shape_cast %broadcast_in_dim3A_41 : vector<16xf32> to vector<1x1x16xf32>
      tpu.vector_store %arg11[%swap3A_73, %swap3A_74, %swap3A_75], %swap3A_78 {strides = array<i32>} : memref<2x128x128xf32, #tpu.memory_space<vmem>>, vector<1x1x16xf32>,
      %scan3A_79 = arith.constant 0 : i32
      scf.yield %scan3A_79 : i32
    }
    %scan3A_5 = arith.constant 1024 : i32
    %scan3A_6 = arith.constant 0 : i32
    %scan3A_7 = arith.constant 0 : i32
    %scan3A_8 = arith.constant 5 : i32
    %scan3A_9 = arith.addi %scan3A_7, %scan3A_8 : i32
    %scan3A_10 = arith.constant 1 : i32
    %scan3A_11 = scf.for %scan3A_39 = %scan3A_7 to %scan3A_9 step %scan3A_10 iter_args(%scan3A_40 = %scan3A_6) -> (i32)  : i32 {
      %mul3A_41 = arith.constant 640 : i32
      %mul3A_42 = arith.muli %arg1, %mul3A_41 : i32
      %mul3A_43 = arith.constant 128 : i32
      %mul3A_44 = arith.muli %scan3A_39, %mul3A_43 : i32
      %add3A = arith.addi %mul3A_42, %mul3A_44 : i32
      %run_scoped3A = arith.constant 0 : i32
      "tpu.region"() ({
        %run_scoped3A_46 = tpu.sem_alloc : memref<!tpu.dma_semaphore, #tpu.memory_space<semaphore_mem>>
        %dma_start3A_47 = arith.constant 0 : i32
        %dma_start3A_48 = arith.constant 0 : i32
        %dma_start3A_49 = tpu.memref_slice %arg11[%run_scoped3A, %dma_start3A_47, %dma_start3A_48] : memref<2x128x128xf32, #tpu.memory_space<vmem>> -> memref<1x128x128xf32, #tpu.memory_space<vmem>>
        %dma_start3A_50 = tpu.memref_squeeze %dma_start3A_49 : memref<1x128x128xf32, #tpu.memory_space<vmem>> -> memref<128x128xf32, #tpu.memory_space<vmem>>
        %dma_start3A_51 = arith.constant 0 : i32
        %dma_start3A_52 = tpu.memref_slice %arg6[%add3A, %dma_start3A_51] : memref<10240x128xf32, #tpu.memory_space<vmem_shared>> -> memref<128x128xf32, #tpu.memory_space<vmem_shared>>
        %dma_start3A_53 = arith.constant 0 : i32
        %dma_start3A_54 = tpu.memref_slice %arg6[%add3A, %dma_start3A_53] : memref<10240x128xf32, #tpu.memory_space<vmem_shared>> -> memref<128x128xf32, #tpu.memory_space<vmem_shared>>
        %dma_start3A_55 = arith.constant 0 : i32
        %dma_start3A_56 = arith.constant 0 : i32
        %dma_start3A_57 = tpu.memref_slice %arg11[%run_scoped3A, %dma_start3A_55, %dma_start3A_56] : memref<2x128x128xf32, #tpu.memory_space<vmem>> -> memref<1x128x128xf32, #tpu.memory_space<vmem>>
        %dma_start3A_58 = tpu.memref_squeeze %dma_start3A_57 : memref<1x128x128xf32, #tpu.memory_space<vmem>> -> memref<128x128xf32, #tpu.memory_space<vmem>>
        tpu.enqueue_dma source(%dma_start3A_58 : memref<128x128xf32, #tpu.memory_space<vmem>>) target(%dma_start3A_54 : memref<128x128xf32, #tpu.memory_space<vmem_shared>>) target_semaphore(%run_scoped3A_46 : memref<!tpu.dma_semaphore, #tpu.memory_space<semaphore_mem>>)
        %dma_wait3A = arith.constant 0 : i32
        %dma_wait3A_59 = arith.constant 0 : i32
        %dma_wait3A_60 = tpu.memref_slice %arg11[%run_scoped3A, %dma_wait3A, %dma_wait3A_59] : memref<2x128x128xf32, #tpu.memory_space<vmem>> -> memref<1x128x128xf32, #tpu.memory_space<vmem>>
        %dma_wait3A_61 = tpu.memref_squeeze %dma_wait3A_60 : memref<1x128x128xf32, #tpu.memory_space<vmem>> -> memref<128x128xf32, #tpu.memory_space<vmem>>
        %dma_wait3A_62 = arith.constant 0 : i32
        %dma_wait3A_63 = tpu.memref_slice %arg6[%add3A, %dma_wait3A_62] : memref<10240x128xf32, #tpu.memory_space<vmem_shared>> -> memref<128x128xf32, #tpu.memory_space<vmem_shared>>
        %dma_wait3A_64 = arith.constant 0 : i32
        %dma_wait3A_65 = tpu.memref_slice %arg6[%add3A, %dma_wait3A_64] : memref<10240x128xf32, #tpu.memory_space<vmem_shared>> -> memref<128x128xf32, #tpu.memory_space<vmem_shared>>
        %dma_wait3A_66 = arith.constant 0 : i32
        %dma_wait3A_67 = arith.constant 0 : i32
        %dma_wait3A_68 = tpu.memref_slice %arg11[%run_scoped3A, %dma_wait3A_66, %dma_wait3A_67] : memref<2x128x128xf32, #tpu.memory_space<vmem>> -> memref<1x128x128xf32, #tpu.memory_space<vmem>>
        %dma_wait3A_69 = tpu.memref_squeeze %dma_wait3A_68 : memref<1x128x128xf32, #tpu.memory_space<vmem>> -> memref<128x128xf32, #tpu.memory_space<vmem>>
        tpu.wait_dma2 semaphore(%run_scoped3A_46 : memref<!tpu.dma_semaphore, #tpu.memory_space<semaphore_mem>>) src(%dma_wait3A_69 : memref<128x128xf32, #tpu.memory_space<vmem>>) dst(%dma_wait3A_65 : memref<128x128xf32, #tpu.memory_space<vmem_shared>>)
        tpu.yield
      }) : () -> ()
      %scan3A_45 = arith.constant 0 : i32
      scf.yield %scan3A_45 : i32
    }
    %scan3A_12 = arith.constant 5 : i32
    %mul3A = arith.constant 160 : i32
    %mul3A_13 = arith.muli %arg1, %mul3A : i32
    "tpu.region"() ({
      %run_scoped3A = tpu.sem_alloc : memref<!tpu.dma_semaphore, #tpu.memory_space<semaphore_mem>>
      %dma_start3A_39 = arith.constant 0 : i32
      %dma_start3A_40 = tpu.memref_slice %arg3[%arg0, %mul3A_13, %dma_start3A_39] : memref<2x2560x128xi32, #tpu.memory_space<hbm>> -> memref<1x16x128xi32, #tpu.memory_space<hbm>>
      %dma_start3A_41 = tpu.memref_squeeze %dma_start3A_40 : memref<1x16x128xi32, #tpu.memory_space<hbm>> -> memref<16x128xi32, #tpu.memory_space<hbm>>
      %dma_start3A_42 = arith.constant 0 : i32
      %dma_start3A_43 = tpu.memref_slice %arg3[%arg0, %mul3A_13, %dma_start3A_42] : memref<2x2560x128xi32, #tpu.memory_space<hbm>> -> memref<1x16x128xi32, #tpu.memory_space<hbm>>
      %dma_start3A_44 = tpu.memref_squeeze %dma_start3A_43 : memref<1x16x128xi32, #tpu.memory_space<hbm>> -> memref<16x128xi32, #tpu.memory_space<hbm>>
      tpu.enqueue_dma source(%dma_start3A_44 : memref<16x128xi32, #tpu.memory_space<hbm>>) target(%arg7 : memref<16x128xi32, #tpu.memory_space<vmem>>) target_semaphore(%run_scoped3A : memref<!tpu.dma_semaphore, #tpu.memory_space<semaphore_mem>>)
      %dma_wait3A = arith.constant 0 : i32
      %dma_wait3A_45 = tpu.memref_slice %arg3[%arg0, %mul3A_13, %dma_wait3A] : memref<2x2560x128xi32, #tpu.memory_space<hbm>> -> memref<1x16x128xi32, #tpu.memory_space<hbm>>
      %dma_wait3A_46 = tpu.memref_squeeze %dma_wait3A_45 : memref<1x16x128xi32, #tpu.memory_space<hbm>> -> memref<16x128xi32, #tpu.memory_space<hbm>>
      %dma_wait3A_47 = arith.constant 0 : i32
      %dma_wait3A_48 = tpu.memref_slice %arg3[%arg0, %mul3A_13, %dma_wait3A_47] : memref<2x2560x128xi32, #tpu.memory_space<hbm>> -> memref<1x16x128xi32, #tpu.memory_space<hbm>>
      %dma_wait3A_49 = tpu.memref_squeeze %dma_wait3A_48 : memref<1x16x128xi32, #tpu.memory_space<hbm>> -> memref<16x128xi32, #tpu.memory_space<hbm>>
      tpu.wait_dma2 semaphore(%run_scoped3A : memref<!tpu.dma_semaphore, #tpu.memory_space<semaphore_mem>>) src(%dma_wait3A_49 : memref<16x128xi32, #tpu.memory_space<hbm>>) dst(%arg7 : memref<16x128xi32, #tpu.memory_space<vmem>>)
      tpu.yield
    }) : () -> ()
    %mul3A_14 = arith.constant 160 : i32
    %mul3A_15 = arith.muli %arg1, %mul3A_14 : i32
    "tpu.region"() ({
      %run_scoped3A = tpu.sem_alloc : memref<!tpu.dma_semaphore, #tpu.memory_space<semaphore_mem>>
      %dma_start3A_39 = arith.constant 0 : i32
      %dma_start3A_40 = tpu.memref_slice %arg4[%arg0, %mul3A_15, %dma_start3A_39] : memref<2x2560x128xi32, #tpu.memory_space<hbm>> -> memref<1x16x128xi32, #tpu.memory_space<hbm>>
      %dma_start3A_41 = tpu.memref_squeeze %dma_start3A_40 : memref<1x16x128xi32, #tpu.memory_space<hbm>> -> memref<16x128xi32, #tpu.memory_space<hbm>>
      %dma_start3A_42 = arith.constant 0 : i32
      %dma_start3A_43 = tpu.memref_slice %arg4[%arg0, %mul3A_15, %dma_start3A_42] : memref<2x2560x128xi32, #tpu.memory_space<hbm>> -> memref<1x16x128xi32, #tpu.memory_space<hbm>>
      %dma_start3A_44 = tpu.memref_squeeze %dma_start3A_43 : memref<1x16x128xi32, #tpu.memory_space<hbm>> -> memref<16x128xi32, #tpu.memory_space<hbm>>
      tpu.enqueue_dma source(%dma_start3A_44 : memref<16x128xi32, #tpu.memory_space<hbm>>) target(%arg9 : memref<16x128xi32, #tpu.memory_space<vmem>>) target_semaphore(%run_scoped3A : memref<!tpu.dma_semaphore, #tpu.memory_space<semaphore_mem>>)
      %dma_wait3A = arith.constant 0 : i32
      %dma_wait3A_45 = tpu.memref_slice %arg4[%arg0, %mul3A_15, %dma_wait3A] : memref<2x2560x128xi32, #tpu.memory_space<hbm>> -> memref<1x16x128xi32, #tpu.memory_space<hbm>>
      %dma_wait3A_46 = tpu.memref_squeeze %dma_wait3A_45 : memref<1x16x128xi32, #tpu.memory_space<hbm>> -> memref<16x128xi32, #tpu.memory_space<hbm>>
      %dma_wait3A_47 = arith.constant 0 : i32
      %dma_wait3A_48 = tpu.memref_slice %arg4[%arg0, %mul3A_15, %dma_wait3A_47] : memref<2x2560x128xi32, #tpu.memory_space<hbm>> -> memref<1x16x128xi32, #tpu.memory_space<hbm>>
      %dma_wait3A_49 = tpu.memref_squeeze %dma_wait3A_48 : memref<1x16x128xi32, #tpu.memory_space<hbm>> -> memref<16x128xi32, #tpu.memory_space<hbm>>
      tpu.wait_dma2 semaphore(%run_scoped3A : memref<!tpu.dma_semaphore, #tpu.memory_space<semaphore_mem>>) src(%dma_wait3A_49 : memref<16x128xi32, #tpu.memory_space<hbm>>) dst(%arg9 : memref<16x128xi32, #tpu.memory_space<vmem>>)
      tpu.yield
    }) : () -> ()
    %dma_start3A = arith.constant 0 : i32
    %dma_start3A_16 = arith.constant 0 : i32
    %dma_start3A_17 = arith.constant 0 : i32
    %dma_start3A_18 = arith.constant 0 : i32
    %dma_start3A_19 = tpu.memref_slice %arg11[%dma_start3A_16, %dma_start3A_17, %dma_start3A_18] : memref<2x128x128xf32, #tpu.memory_space<vmem>> -> memref<1x128x128xf32, #tpu.memory_space<vmem>>
    %dma_start3A_20 = tpu.memref_squeeze %dma_start3A_19 : memref<1x128x128xf32, #tpu.memory_space<vmem>> -> memref<128x128xf32, #tpu.memory_space<vmem>>
    %dma_start3A_21 = arith.constant 0 : i32
    %dma_start3A_22 = tpu.memref_slice %arg7[%dma_start3A, %dma_start3A_21] : memref<16x128xi32, #tpu.memory_space<vmem>> -> memref<1x128xi32, #tpu.memory_space<vmem>>
    %dma_start3A_23 = tpu.memref_squeeze %dma_start3A_22 : memref<1x128xi32, #tpu.memory_space<vmem>> -> memref<128xi32, #tpu.memory_space<vmem>>
    %dma_start3A_24 = arith.constant 0 : i32
    %dma_start3A_25 = arith.constant 0 : i32
    %dma_start3A_26 = tpu.memref_slice %arg2[%dma_start3A_24, %dma_start3A_25] : memref<20480x128xf32, #tpu.memory_space<hbm>> -> memref<20480x128xf32, #tpu.memory_space<hbm>>
    tpu.enqueue_indirect_dma source(%dma_start3A_26 : memref<20480x128xf32, #tpu.memory_space<hbm>>) target(%dma_start3A_20 : memref<128x128xf32, #tpu.memory_space<vmem>>) offsets(%dma_start3A_23 : memref<128xi32, #tpu.memory_space<vmem>>) semaphore(%arg12 : memref<!tpu.dma_semaphore, #tpu.memory_space<semaphore_mem>>)
    %barrier3A = arith.constant 0 : index
    tpu.barrier barrier_id(%barrier3A)
    %scan3A_27 = arith.constant 0 : i32
    %scan3A_28 = arith.constant 0 : i32
    %scan3A_29 = arith.constant 160 : i32
    %scan3A_30 = arith.addi %scan3A_28, %scan3A_29 : i32
    %scan3A_31 = arith.constant 1 : i32
    %scan3A_32 = scf.for %scan3A_39 = %scan3A_28 to %scan3A_30 step %scan3A_31 iter_args(%scan3A_40 = %scan3A_27) -> (i32)  : i32 {
      %jit3A = arith.constant 16 : i32
      %div3A = arith.divsi %scan3A_39, %jit3A : i32
      %sign3A = arith.constant 0 : i32
      %sign3A_41 = arith.cmpi sgt, %scan3A_39, %sign3A : i32
      %sign3A_42 = arith.extui %sign3A_41 : i1 to i32
      %sign3A_43 = arith.constant 0 : i32
      %sign3A_44 = arith.cmpi slt, %scan3A_39, %sign3A_43 : i32
      %sign3A_45 = arith.extui %sign3A_44 : i1 to i32
      %sign3A_46 = arith.subi %sign3A_42, %sign3A_45 : i32
      %sign3A_47 = arith.constant 0 : i32
      %sign3A_48 = arith.cmpi sgt, %jit3A, %sign3A_47 : i32
      %sign3A_49 = arith.extui %sign3A_48 : i1 to i32
      %sign3A_50 = arith.constant 0 : i32
      %sign3A_51 = arith.cmpi slt, %jit3A, %sign3A_50 : i32
      %sign3A_52 = arith.extui %sign3A_51 : i1 to i32
      %sign3A_53 = arith.subi %sign3A_49, %sign3A_52 : i32
      %ne3A = arith.cmpi ne, %sign3A_46, %sign3A_53 : i32
      %rem3A = arith.remsi %scan3A_39, %jit3A : i32
      %ne3A_54 = arith.constant 0 : i32
      %ne3A_55 = arith.cmpi ne, %rem3A, %ne3A_54 : i32
      %and3A = arith.andi %ne3A, %ne3A_55 : i1
      %sub3A = arith.constant 1 : i32
      %sub3A_56 = arith.subi %div3A, %sub3A : i32
      %select_n3A = arith.select %and3A, %sub3A_56, %div3A : i32
      %jit3A_57 = arith.constant 2 : i32
      %eq3A = arith.constant 0 : i32
      %eq3A_58 = arith.cmpi eq, %jit3A_57, %eq3A : i32
      %jit3A_59 = arith.constant 1 : i32
      %select_n3A_60 = arith.select %eq3A_58, %jit3A_59, %jit3A_57 : i32
      %rem3A_61 = arith.remsi %select_n3A, %select_n3A_60 : i32
      %ne3A_62 = arith.constant 0 : i32
      %ne3A_63 = arith.cmpi ne, %rem3A_61, %ne3A_62 : i32
      %lt3A = arith.constant 0 : i32
      %lt3A_64 = arith.cmpi slt, %rem3A_61, %lt3A : i32
      %lt3A_65 = arith.constant 0 : i32
      %lt3A_66 = arith.cmpi slt, %select_n3A_60, %lt3A_65 : i32
      %ne3A_67 = arith.xori %lt3A_64, %lt3A_66 : i1
      %and3A_68 = arith.andi %ne3A_67, %ne3A_63 : i1
      %add3A = arith.addi %rem3A_61, %select_n3A_60 : i32
      %select_n3A_69 = arith.select %and3A_68, %add3A, %rem3A_61 : i32
      %add3A_70 = arith.constant 1 : i32
      %add3A_71 = arith.addi %scan3A_39, %add3A_70 : i32
      %jit3A_72 = arith.constant 16 : i32
      %div3A_73 = arith.divsi %add3A_71, %jit3A_72 : i32
      %sign3A_74 = arith.constant 0 : i32
      %sign3A_75 = arith.cmpi sgt, %add3A_71, %sign3A_74 : i32
      %sign3A_76 = arith.extui %sign3A_75 : i1 to i32
      %sign3A_77 = arith.constant 0 : i32
      %sign3A_78 = arith.cmpi slt, %add3A_71, %sign3A_77 : i32
      %sign3A_79 = arith.extui %sign3A_78 : i1 to i32
      %sign3A_80 = arith.subi %sign3A_76, %sign3A_79 : i32
      %sign3A_81 = arith.constant 0 : i32
      %sign3A_82 = arith.cmpi sgt, %jit3A_72, %sign3A_81 : i32
      %sign3A_83 = arith.extui %sign3A_82 : i1 to i32
      %sign3A_84 = arith.constant 0 : i32
      %sign3A_85 = arith.cmpi slt, %jit3A_72, %sign3A_84 : i32
      %sign3A_86 = arith.extui %sign3A_85 : i1 to i32
      %sign3A_87 = arith.subi %sign3A_83, %sign3A_86 : i32
      %ne3A_88 = arith.cmpi ne, %sign3A_80, %sign3A_87 : i32
      %rem3A_89 = arith.remsi %add3A_71, %jit3A_72 : i32
      %ne3A_90 = arith.constant 0 : i32
      %ne3A_91 = arith.cmpi ne, %rem3A_89, %ne3A_90 : i32
      %and3A_92 = arith.andi %ne3A_88, %ne3A_91 : i1
      %sub3A_93 = arith.constant 1 : i32
      %sub3A_94 = arith.subi %div3A_73, %sub3A_93 : i32
      %select_n3A_95 = arith.select %and3A_92, %sub3A_94, %div3A_73 : i32
      %jit3A_96 = arith.constant 2 : i32
      %eq3A_97 = arith.constant 0 : i32
      %eq3A_98 = arith.cmpi eq, %jit3A_96, %eq3A_97 : i32
      %jit3A_99 = arith.constant 1 : i32
      %select_n3A_100 = arith.select %eq3A_98, %jit3A_99, %jit3A_96 : i32
      %rem3A_101 = arith.remsi %select_n3A_95, %select_n3A_100 : i32
      %ne3A_102 = arith.constant 0 : i32
      %ne3A_103 = arith.cmpi ne, %rem3A_101, %ne3A_102 : i32
      %lt3A_104 = arith.constant 0 : i32
      %lt3A_105 = arith.cmpi slt, %rem3A_101, %lt3A_104 : i32
      %lt3A_106 = arith.constant 0 : i32
      %lt3A_107 = arith.cmpi slt, %select_n3A_100, %lt3A_106 : i32
      %ne3A_108 = arith.xori %lt3A_105, %lt3A_107 : i1
      %and3A_109 = arith.andi %ne3A_108, %ne3A_103 : i1
      %add3A_110 = arith.addi %rem3A_101, %select_n3A_100 : i32
      %select_n3A_111 = arith.select %and3A_109, %add3A_110, %rem3A_101 : i32
      %jit3A_112 = arith.constant 16 : i32
      %eq3A_113 = arith.constant 0 : i32
      %eq3A_114 = arith.cmpi eq, %jit3A_112, %eq3A_113 : i32
      %jit3A_115 = arith.constant 1 : i32
      %select_n3A_116 = arith.select %eq3A_114, %jit3A_115, %jit3A_112 : i32
      %rem3A_117 = arith.remsi %scan3A_39, %select_n3A_116 : i32
      %ne3A_118 = arith.constant 0 : i32
      %ne3A_119 = arith.cmpi ne, %rem3A_117, %ne3A_118 : i32
      %lt3A_120 = arith.constant 0 : i32
      %lt3A_121 = arith.cmpi slt, %rem3A_117, %lt3A_120 : i32
      %lt3A_122 = arith.constant 0 : i32
      %lt3A_123 = arith.cmpi slt, %select_n3A_116, %lt3A_122 : i32
      %ne3A_124 = arith.xori %lt3A_121, %lt3A_123 : i1
      %and3A_125 = arith.andi %ne3A_124, %ne3A_119 : i1
      %add3A_126 = arith.addi %rem3A_117, %select_n3A_116 : i32
      %select_n3A_127 = arith.select %and3A_125, %add3A_126, %rem3A_117 : i32
      %jit3A_128 = arith.constant 16 : i32
      %eq3A_129 = arith.constant 0 : i32
      %eq3A_130 = arith.cmpi eq, %jit3A_128, %eq3A_129 : i32
      %jit3A_131 = arith.constant 1 : i32
      %select_n3A_132 = arith.select %eq3A_130, %jit3A_131, %jit3A_128 : i32
      %rem3A_133 = arith.remsi %add3A_71, %select_n3A_132 : i32
      %ne3A_134 = arith.constant 0 : i32
      %ne3A_135 = arith.cmpi ne, %rem3A_133, %ne3A_134 : i32
      %lt3A_136 = arith.constant 0 : i32
      %lt3A_137 = arith.cmpi slt, %rem3A_133, %lt3A_136 : i32
      %lt3A_138 = arith.constant 0 : i32
      %lt3A_139 = arith.cmpi slt, %select_n3A_132, %lt3A_138 : i32
      %ne3A_140 = arith.xori %lt3A_137, %lt3A_139 : i1
      %and3A_141 = arith.andi %ne3A_140, %ne3A_135 : i1
      %add3A_142 = arith.addi %rem3A_133, %select_n3A_132 : i32
      %select_n3A_143 = arith.select %and3A_141, %add3A_142, %rem3A_133 : i32
      %jit3A_144 = arith.constant 2 : i32
      %eq3A_145 = arith.constant 0 : i32
      %eq3A_146 = arith.cmpi eq, %jit3A_144, %eq3A_145 : i32
      %jit3A_147 = arith.constant 1 : i32
      %select_n3A_148 = arith.select %eq3A_146, %jit3A_147, %jit3A_144 : i32
      %rem3A_149 = arith.remsi %scan3A_39, %select_n3A_148 : i32
      %ne3A_150 = arith.constant 0 : i32
      %ne3A_151 = arith.cmpi ne, %rem3A_149, %ne3A_150 : i32
      %lt3A_152 = arith.constant 0 : i32
      %lt3A_153 = arith.cmpi slt, %rem3A_149, %lt3A_152 : i32
      %lt3A_154 = arith.constant 0 : i32
      %lt3A_155 = arith.cmpi slt, %select_n3A_148, %lt3A_154 : i32
      %ne3A_156 = arith.xori %lt3A_153, %lt3A_155 : i1
      %and3A_157 = arith.andi %ne3A_156, %ne3A_151 : i1
      %add3A_158 = arith.addi %rem3A_149, %select_n3A_148 : i32
      %select_n3A_159 = arith.select %and3A_157, %add3A_158, %rem3A_149 : i32
      %eq3A_160 = arith.constant 0 : i32
      %eq3A_161 = arith.cmpi eq, %select_n3A_159, %eq3A_160 : i32
      %convert_element_type3A = arith.extui %eq3A_161 : i1 to i32
      %cond3A = arith.constant 0 : i32
      %cond3A_162 = arith.cmpi ne, %convert_element_type3A, %cond3A : i32
      scf.if %cond3A_162 {
        %dma_wait3A = arith.constant 0 : i32
        %dma_wait3A_218 = arith.constant 0 : i32
        %dma_wait3A_219 = arith.constant 0 : i32
        %dma_wait3A_220 = arith.constant 0 : i32
        %dma_wait3A_221 = tpu.memref_slice %arg11[%dma_wait3A_218, %dma_wait3A_219, %dma_wait3A_220] : memref<2x128x128xf32, #tpu.memory_space<vmem>> -> memref<1x128x128xf32, #tpu.memory_space<vmem>>
        %dma_wait3A_222 = tpu.memref_squeeze %dma_wait3A_221 : memref<1x128x128xf32, #tpu.memory_space<vmem>> -> memref<128x128xf32, #tpu.memory_space<vmem>>
        %dma_wait3A_223 = arith.constant 0 : i32
        %dma_wait3A_224 = tpu.memref_slice %arg7[%dma_wait3A, %dma_wait3A_223] : memref<16x128xi32, #tpu.memory_space<vmem>> -> memref<1x128xi32, #tpu.memory_space<vmem>>
        %dma_wait3A_225 = tpu.memref_squeeze %dma_wait3A_224 : memref<1x128xi32, #tpu.memory_space<vmem>> -> memref<128xi32, #tpu.memory_space<vmem>>
        %dma_wait3A_226 = arith.constant 0 : i32
        %dma_wait3A_227 = arith.constant 0 : i32
        %dma_wait3A_228 = tpu.memref_slice %arg2[%dma_wait3A_226, %dma_wait3A_227] : memref<20480x128xf32, #tpu.memory_space<hbm>> -> memref<20480x128xf32, #tpu.memory_space<hbm>>
        tpu.wait_indirect_dma semaphore(%arg12 : memref<!tpu.dma_semaphore, #tpu.memory_space<semaphore_mem>>) src(%dma_wait3A_228 : memref<20480x128xf32, #tpu.memory_space<hbm>>) dst(%dma_wait3A_222 : memref<128x128xf32, #tpu.memory_space<vmem>>)
      } else {
      }
      %jit3A_163 = arith.constant 2 : i32
      %eq3A_164 = arith.constant 0 : i32
      %eq3A_165 = arith.cmpi eq, %jit3A_163, %eq3A_164 : i32
      %jit3A_166 = arith.constant 1 : i32
      %select_n3A_167 = arith.select %eq3A_165, %jit3A_166, %jit3A_163 : i32
      %rem3A_168 = arith.remsi %scan3A_39, %select_n3A_167 : i32
      %ne3A_169 = arith.constant 0 : i32
      %ne3A_170 = arith.cmpi ne, %rem3A_168, %ne3A_169 : i32
      %lt3A_171 = arith.constant 0 : i32
      %lt3A_172 = arith.cmpi slt, %rem3A_168, %lt3A_171 : i32
      %lt3A_173 = arith.constant 0 : i32
      %lt3A_174 = arith.cmpi slt, %select_n3A_167, %lt3A_173 : i32
      %ne3A_175 = arith.xori %lt3A_172, %lt3A_174 : i1
      %and3A_176 = arith.andi %ne3A_175, %ne3A_170 : i1
      %add3A_177 = arith.addi %rem3A_168, %select_n3A_167 : i32
      %select_n3A_178 = arith.select %and3A_176, %add3A_177, %rem3A_168 : i32
      %eq3A_179 = arith.constant 1 : i32
      %eq3A_180 = arith.cmpi eq, %select_n3A_178, %eq3A_179 : i32
      %convert_element_type3A_181 = arith.extui %eq3A_180 : i1 to i32
      %cond3A_182 = arith.constant 0 : i32
      %cond3A_183 = arith.cmpi ne, %convert_element_type3A_181, %cond3A_182 : i32
      scf.if %cond3A_183 {
        %dma_wait3A = arith.constant 0 : i32
        %dma_wait3A_218 = arith.constant 1 : i32
        %dma_wait3A_219 = arith.constant 0 : i32
        %dma_wait3A_220 = arith.constant 0 : i32
        %dma_wait3A_221 = tpu.memref_slice %arg11[%dma_wait3A_218, %dma_wait3A_219, %dma_wait3A_220] : memref<2x128x128xf32, #tpu.memory_space<vmem>> -> memref<1x128x128xf32, #tpu.memory_space<vmem>>
        %dma_wait3A_222 = tpu.memref_squeeze %dma_wait3A_221 : memref<1x128x128xf32, #tpu.memory_space<vmem>> -> memref<128x128xf32, #tpu.memory_space<vmem>>
        %dma_wait3A_223 = arith.constant 0 : i32
        %dma_wait3A_224 = tpu.memref_slice %arg7[%dma_wait3A, %dma_wait3A_223] : memref<16x128xi32, #tpu.memory_space<vmem>> -> memref<1x128xi32, #tpu.memory_space<vmem>>
        %dma_wait3A_225 = tpu.memref_squeeze %dma_wait3A_224 : memref<1x128xi32, #tpu.memory_space<vmem>> -> memref<128xi32, #tpu.memory_space<vmem>>
        %dma_wait3A_226 = arith.constant 0 : i32
        %dma_wait3A_227 = arith.constant 0 : i32
        %dma_wait3A_228 = tpu.memref_slice %arg2[%dma_wait3A_226, %dma_wait3A_227] : memref<20480x128xf32, #tpu.memory_space<hbm>> -> memref<20480x128xf32, #tpu.memory_space<hbm>>
        tpu.wait_indirect_dma semaphore(%arg13 : memref<!tpu.dma_semaphore, #tpu.memory_space<semaphore_mem>>) src(%dma_wait3A_228 : memref<20480x128xf32, #tpu.memory_space<hbm>>) dst(%dma_wait3A_222 : memref<128x128xf32, #tpu.memory_space<vmem>>)
      } else {
      }
      %eq3A_184 = arith.constant 0 : i32
      %eq3A_185 = arith.cmpi eq, %select_n3A_127, %eq3A_184 : i32
      %add3A_186 = arith.constant 16 : i32
      %add3A_187 = arith.addi %scan3A_39, %add3A_186 : i32
      %lt3A_188 = arith.constant 160 : i32
      %lt3A_189 = arith.cmpi slt, %add3A_187, %lt3A_188 : i32
      %and3A_190 = arith.andi %eq3A_185, %lt3A_189 : i1
      %convert_element_type3A_191 = arith.extui %and3A_190 : i1 to i32
      %cond3A_192 = arith.constant 0 : i32
      %cond3A_193 = arith.cmpi ne, %convert_element_type3A_191, %cond3A_192 : i32
      scf.if %cond3A_193 {
        %mul3A_218 = arith.constant 160 : i32
        %mul3A_219 = arith.muli %arg1, %mul3A_218 : i32
        %jit3A_220 = arith.constant 16 : i32
        %div3A_221 = arith.divsi %scan3A_39, %jit3A_220 : i32
        %sign3A_222 = arith.constant 0 : i32
        %sign3A_223 = arith.cmpi sgt, %scan3A_39, %sign3A_222 : i32
        %sign3A_224 = arith.extui %sign3A_223 : i1 to i32
        %sign3A_225 = arith.constant 0 : i32
        %sign3A_226 = arith.cmpi slt, %scan3A_39, %sign3A_225 : i32
        %sign3A_227 = arith.extui %sign3A_226 : i1 to i32
        %sign3A_228 = arith.subi %sign3A_224, %sign3A_227 : i32
        %sign3A_229 = arith.constant 0 : i32
        %sign3A_230 = arith.cmpi sgt, %jit3A_220, %sign3A_229 : i32
        %sign3A_231 = arith.extui %sign3A_230 : i1 to i32
        %sign3A_232 = arith.constant 0 : i32
        %sign3A_233 = arith.cmpi slt, %jit3A_220, %sign3A_232 : i32
        %sign3A_234 = arith.extui %sign3A_233 : i1 to i32
        %sign3A_235 = arith.subi %sign3A_231, %sign3A_234 : i32
        %ne3A_236 = arith.cmpi ne, %sign3A_228, %sign3A_235 : i32
        %rem3A_237 = arith.remsi %scan3A_39, %jit3A_220 : i32
        %ne3A_238 = arith.constant 0 : i32
        %ne3A_239 = arith.cmpi ne, %rem3A_237, %ne3A_238 : i32
        %and3A_240 = arith.andi %ne3A_236, %ne3A_239 : i1
        %sub3A_241 = arith.constant 1 : i32
        %sub3A_242 = arith.subi %div3A_221, %sub3A_241 : i32
        %select_n3A_243 = arith.select %and3A_240, %sub3A_242, %div3A_221 : i32
        %add3A_244 = arith.constant 1 : i32
        %add3A_245 = arith.addi %select_n3A_243, %add3A_244 : i32
        %mul3A_246 = arith.constant 16 : i32
        %mul3A_247 = arith.muli %mul3A_246, %add3A_245 : i32
        %add3A_248 = arith.addi %mul3A_219, %mul3A_247 : i32
        %eq3A_249 = arith.constant 0 : i32
        %eq3A_250 = arith.cmpi eq, %select_n3A_69, %eq3A_249 : i32
        %convert_element_type3A_251 = arith.extui %eq3A_250 : i1 to i32
        %cond3A_252 = arith.constant 0 : i32
        %cond3A_253 = arith.cmpi ne, %convert_element_type3A_251, %cond3A_252 : i32
        scf.if %cond3A_253 {
          %dma_start3A_259 = arith.constant 0 : i32
          %dma_start3A_260 = tpu.memref_slice %arg3[%arg0, %add3A_248, %dma_start3A_259] : memref<2x2560x128xi32, #tpu.memory_space<hbm>> -> memref<1x16x128xi32, #tpu.memory_space<hbm>>
          %dma_start3A_261 = tpu.memref_squeeze %dma_start3A_260 : memref<1x16x128xi32, #tpu.memory_space<hbm>> -> memref<16x128xi32, #tpu.memory_space<hbm>>
          %dma_start3A_262 = arith.constant 0 : i32
          %dma_start3A_263 = tpu.memref_slice %arg3[%arg0, %add3A_248, %dma_start3A_262] : memref<2x2560x128xi32, #tpu.memory_space<hbm>> -> memref<1x16x128xi32, #tpu.memory_space<hbm>>
          %dma_start3A_264 = tpu.memref_squeeze %dma_start3A_263 : memref<1x16x128xi32, #tpu.memory_space<hbm>> -> memref<16x128xi32, #tpu.memory_space<hbm>>
          tpu.enqueue_dma source(%dma_start3A_264 : memref<16x128xi32, #tpu.memory_space<hbm>>) target(%arg8 : memref<16x128xi32, #tpu.memory_space<vmem>>) target_semaphore(%arg14 : memref<!tpu.dma_semaphore, #tpu.memory_space<semaphore_mem>>)
          %dma_start3A_265 = arith.constant 0 : i32
          %dma_start3A_266 = tpu.memref_slice %arg4[%arg0, %add3A_248, %dma_start3A_265] : memref<2x2560x128xi32, #tpu.memory_space<hbm>> -> memref<1x16x128xi32, #tpu.memory_space<hbm>>
          %dma_start3A_267 = tpu.memref_squeeze %dma_start3A_266 : memref<1x16x128xi32, #tpu.memory_space<hbm>> -> memref<16x128xi32, #tpu.memory_space<hbm>>
          %dma_start3A_268 = arith.constant 0 : i32
          %dma_start3A_269 = tpu.memref_slice %arg4[%arg0, %add3A_248, %dma_start3A_268] : memref<2x2560x128xi32, #tpu.memory_space<hbm>> -> memref<1x16x128xi32, #tpu.memory_space<hbm>>
          %dma_start3A_270 = tpu.memref_squeeze %dma_start3A_269 : memref<1x16x128xi32, #tpu.memory_space<hbm>> -> memref<16x128xi32, #tpu.memory_space<hbm>>
          tpu.enqueue_dma source(%dma_start3A_270 : memref<16x128xi32, #tpu.memory_space<hbm>>) target(%arg10 : memref<16x128xi32, #tpu.memory_space<vmem>>) target_semaphore(%arg14 : memref<!tpu.dma_semaphore, #tpu.memory_space<semaphore_mem>>)
        } else {
        }
        %eq3A_254 = arith.constant 1 : i32
        %eq3A_255 = arith.cmpi eq, %select_n3A_69, %eq3A_254 : i32
        %convert_element_type3A_256 = arith.extui %eq3A_255 : i1 to i32
        %cond3A_257 = arith.constant 0 : i32
        %cond3A_258 = arith.cmpi ne, %convert_element_type3A_256, %cond3A_257 : i32
        scf.if %cond3A_258 {
          %dma_start3A_259 = arith.constant 0 : i32
          %dma_start3A_260 = tpu.memref_slice %arg3[%arg0, %add3A_248, %dma_start3A_259] : memref<2x2560x128xi32, #tpu.memory_space<hbm>> -> memref<1x16x128xi32, #tpu.memory_space<hbm>>
          %dma_start3A_261 = tpu.memref_squeeze %dma_start3A_260 : memref<1x16x128xi32, #tpu.memory_space<hbm>> -> memref<16x128xi32, #tpu.memory_space<hbm>>
          %dma_start3A_262 = arith.constant 0 : i32
          %dma_start3A_263 = tpu.memref_slice %arg3[%arg0, %add3A_248, %dma_start3A_262] : memref<2x2560x128xi32, #tpu.memory_space<hbm>> -> memref<1x16x128xi32, #tpu.memory_space<hbm>>
          %dma_start3A_264 = tpu.memref_squeeze %dma_start3A_263 : memref<1x16x128xi32, #tpu.memory_space<hbm>> -> memref<16x128xi32, #tpu.memory_space<hbm>>
          tpu.enqueue_dma source(%dma_start3A_264 : memref<16x128xi32, #tpu.memory_space<hbm>>) target(%arg7 : memref<16x128xi32, #tpu.memory_space<vmem>>) target_semaphore(%arg14 : memref<!tpu.dma_semaphore, #tpu.memory_space<semaphore_mem>>)
          %dma_start3A_265 = arith.constant 0 : i32
          %dma_start3A_266 = tpu.memref_slice %arg4[%arg0, %add3A_248, %dma_start3A_265] : memref<2x2560x128xi32, #tpu.memory_space<hbm>> -> memref<1x16x128xi32, #tpu.memory_space<hbm>>
          %dma_start3A_267 = tpu.memref_squeeze %dma_start3A_266 : memref<1x16x128xi32, #tpu.memory_space<hbm>> -> memref<16x128xi32, #tpu.memory_space<hbm>>
          %dma_start3A_268 = arith.constant 0 : i32
          %dma_start3A_269 = tpu.memref_slice %arg4[%arg0, %add3A_248, %dma_start3A_268] : memref<2x2560x128xi32, #tpu.memory_space<hbm>> -> memref<1x16x128xi32, #tpu.memory_space<hbm>>
          %dma_start3A_270 = tpu.memref_squeeze %dma_start3A_269 : memref<1x16x128xi32, #tpu.memory_space<hbm>> -> memref<16x128xi32, #tpu.memory_space<hbm>>
          tpu.enqueue_dma source(%dma_start3A_270 : memref<16x128xi32, #tpu.memory_space<hbm>>) target(%arg9 : memref<16x128xi32, #tpu.memory_space<vmem>>) target_semaphore(%arg14 : memref<!tpu.dma_semaphore, #tpu.memory_space<semaphore_mem>>)
        } else {
        }
      } else {
      }
      %lt3A_194 = arith.constant 160 : i32
      %lt3A_195 = arith.cmpi slt, %add3A_71, %lt3A_194 : i32
      %eq3A_196 = arith.constant 0 : i32
      %eq3A_197 = arith.cmpi eq, %select_n3A_143, %eq3A_196 : i32
      %and3A_198 = arith.andi %lt3A_195, %eq3A_197 : i1
      %convert_element_type3A_199 = arith.extui %and3A_198 : i1 to i32
      %cond3A_200 = arith.constant 0 : i32
      %cond3A_201 = arith.cmpi ne, %convert_element_type3A_199, %cond3A_200 : i32
      scf.if %cond3A_201 {
        %mul3A_218 = arith.constant 160 : i32
        %mul3A_219 = arith.muli %arg1, %mul3A_218 : i32
        %dma_wait3A = arith.constant 0 : i32
        %dma_wait3A_220 = tpu.memref_slice %arg3[%arg0, %mul3A_219, %dma_wait3A] : memref<2x2560x128xi32, #tpu.memory_space<hbm>> -> memref<1x16x128xi32, #tpu.memory_space<hbm>>
        %dma_wait3A_221 = tpu.memref_squeeze %dma_wait3A_220 : memref<1x16x128xi32, #tpu.memory_space<hbm>> -> memref<16x128xi32, #tpu.memory_space<hbm>>
        %dma_wait3A_222 = arith.constant 0 : i32
        %dma_wait3A_223 = tpu.memref_slice %arg3[%arg0, %mul3A_219, %dma_wait3A_222] : memref<2x2560x128xi32, #tpu.memory_space<hbm>> -> memref<1x16x128xi32, #tpu.memory_space<hbm>>
        %dma_wait3A_224 = tpu.memref_squeeze %dma_wait3A_223 : memref<1x16x128xi32, #tpu.memory_space<hbm>> -> memref<16x128xi32, #tpu.memory_space<hbm>>
        tpu.wait_dma2 semaphore(%arg14 : memref<!tpu.dma_semaphore, #tpu.memory_space<semaphore_mem>>) src(%dma_wait3A_224 : memref<16x128xi32, #tpu.memory_space<hbm>>) dst(%arg7 : memref<16x128xi32, #tpu.memory_space<vmem>>)
        %mul3A_225 = arith.constant 160 : i32
        %mul3A_226 = arith.muli %arg1, %mul3A_225 : i32
        %dma_wait3A_227 = arith.constant 0 : i32
        %dma_wait3A_228 = tpu.memref_slice %arg4[%arg0, %mul3A_226, %dma_wait3A_227] : memref<2x2560x128xi32, #tpu.memory_space<hbm>> -> memref<1x16x128xi32, #tpu.memory_space<hbm>>
        %dma_wait3A_229 = tpu.memref_squeeze %dma_wait3A_228 : memref<1x16x128xi32, #tpu.memory_space<hbm>> -> memref<16x128xi32, #tpu.memory_space<hbm>>
        %dma_wait3A_230 = arith.constant 0 : i32
        %dma_wait3A_231 = tpu.memref_slice %arg4[%arg0, %mul3A_226, %dma_wait3A_230] : memref<2x2560x128xi32, #tpu.memory_space<hbm>> -> memref<1x16x128xi32, #tpu.memory_space<hbm>>
        %dma_wait3A_232 = tpu.memref_squeeze %dma_wait3A_231 : memref<1x16x128xi32, #tpu.memory_space<hbm>> -> memref<16x128xi32, #tpu.memory_space<hbm>>
        tpu.wait_dma2 semaphore(%arg14 : memref<!tpu.dma_semaphore, #tpu.memory_space<semaphore_mem>>) src(%dma_wait3A_232 : memref<16x128xi32, #tpu.memory_space<hbm>>) dst(%arg9 : memref<16x128xi32, #tpu.memory_space<vmem>>)
      } else {
      }
      %lt3A_202 = arith.constant 160 : i32
      %lt3A_203 = arith.cmpi slt, %add3A_71, %lt3A_202 : i32
      %convert_element_type3A_204 = arith.extui %lt3A_203 : i1 to i32
      %cond3A_205 = arith.constant 0 : i32
      %cond3A_206 = arith.cmpi ne, %convert_element_type3A_204, %cond3A_205 : i32
      scf.if %cond3A_206 {
        %jit3A_218 = arith.constant 2 : i32
        %eq3A_219 = arith.constant 0 : i32
        %eq3A_220 = arith.cmpi eq, %jit3A_218, %eq3A_219 : i32
        %jit3A_221 = arith.constant 1 : i32
        %select_n3A_222 = arith.select %eq3A_220, %jit3A_221, %jit3A_218 : i32
        %rem3A_223 = arith.remsi %add3A_71, %select_n3A_222 : i32
        %ne3A_224 = arith.constant 0 : i32
        %ne3A_225 = arith.cmpi ne, %rem3A_223, %ne3A_224 : i32
        %lt3A_226 = arith.constant 0 : i32
        %lt3A_227 = arith.cmpi slt, %rem3A_223, %lt3A_226 : i32
        %lt3A_228 = arith.constant 0 : i32
        %lt3A_229 = arith.cmpi slt, %select_n3A_222, %lt3A_228 : i32
        %ne3A_230 = arith.xori %lt3A_227, %lt3A_229 : i1
        %and3A_231 = arith.andi %ne3A_230, %ne3A_225 : i1
        %add3A_232 = arith.addi %rem3A_223, %select_n3A_222 : i32
        %select_n3A_233 = arith.select %and3A_231, %add3A_232, %rem3A_223 : i32
        %eq3A_234 = arith.constant 0 : i32
        %eq3A_235 = arith.cmpi eq, %select_n3A_233, %eq3A_234 : i32
        %eq3A_236 = arith.constant 0 : i32
        %eq3A_237 = arith.cmpi eq, %select_n3A_111, %eq3A_236 : i32
        %and3A_238 = arith.andi %eq3A_235, %eq3A_237 : i1
        %convert_element_type3A_239 = arith.extui %and3A_238 : i1 to i32
        %cond3A_240 = arith.constant 0 : i32
        %cond3A_241 = arith.cmpi ne, %convert_element_type3A_239, %cond3A_240 : i32
        scf.if %cond3A_241 {
          %dma_start3A_314 = arith.constant 0 : i32
          %dma_start3A_315 = arith.constant 0 : i32
          %dma_start3A_316 = arith.constant 0 : i32
          %dma_start3A_317 = tpu.memref_slice %arg11[%dma_start3A_314, %dma_start3A_315, %dma_start3A_316] : memref<2x128x128xf32, #tpu.memory_space<vmem>> -> memref<1x128x128xf32, #tpu.memory_space<vmem>>
          %dma_start3A_318 = tpu.memref_squeeze %dma_start3A_317 : memref<1x128x128xf32, #tpu.memory_space<vmem>> -> memref<128x128xf32, #tpu.memory_space<vmem>>
          %dma_start3A_319 = arith.constant 0 : i32
          %dma_start3A_320 = tpu.memref_slice %arg7[%select_n3A_143, %dma_start3A_319] : memref<16x128xi32, #tpu.memory_space<vmem>> -> memref<1x128xi32, #tpu.memory_space<vmem>>
          %dma_start3A_321 = tpu.memref_squeeze %dma_start3A_320 : memref<1x128xi32, #tpu.memory_space<vmem>> -> memref<128xi32, #tpu.memory_space<vmem>>
          %dma_start3A_322 = arith.constant 0 : i32
          %dma_start3A_323 = arith.constant 0 : i32
          %dma_start3A_324 = tpu.memref_slice %arg2[%dma_start3A_322, %dma_start3A_323] : memref<20480x128xf32, #tpu.memory_space<hbm>> -> memref<20480x128xf32, #tpu.memory_space<hbm>>
          tpu.enqueue_indirect_dma source(%dma_start3A_324 : memref<20480x128xf32, #tpu.memory_space<hbm>>) target(%dma_start3A_318 : memref<128x128xf32, #tpu.memory_space<vmem>>) offsets(%dma_start3A_321 : memref<128xi32, #tpu.memory_space<vmem>>) semaphore(%arg12 : memref<!tpu.dma_semaphore, #tpu.memory_space<semaphore_mem>>)
        } else {
        }
        %jit3A_242 = arith.constant 2 : i32
        %eq3A_243 = arith.constant 0 : i32
        %eq3A_244 = arith.cmpi eq, %jit3A_242, %eq3A_243 : i32
        %jit3A_245 = arith.constant 1 : i32
        %select_n3A_246 = arith.select %eq3A_244, %jit3A_245, %jit3A_242 : i32
        %rem3A_247 = arith.remsi %add3A_71, %select_n3A_246 : i32
        %ne3A_248 = arith.constant 0 : i32
        %ne3A_249 = arith.cmpi ne, %rem3A_247, %ne3A_248 : i32
        %lt3A_250 = arith.constant 0 : i32
        %lt3A_251 = arith.cmpi slt, %rem3A_247, %lt3A_250 : i32
        %lt3A_252 = arith.constant 0 : i32
        %lt3A_253 = arith.cmpi slt, %select_n3A_246, %lt3A_252 : i32
        %ne3A_254 = arith.xori %lt3A_251, %lt3A_253 : i1
        %and3A_255 = arith.andi %ne3A_254, %ne3A_249 : i1
        %add3A_256 = arith.addi %rem3A_247, %select_n3A_246 : i32
        %select_n3A_257 = arith.select %and3A_255, %add3A_256, %rem3A_247 : i32
        %eq3A_258 = arith.constant 0 : i32
        %eq3A_259 = arith.cmpi eq, %select_n3A_257, %eq3A_258 : i32
        %eq3A_260 = arith.constant 1 : i32
        %eq3A_261 = arith.cmpi eq, %select_n3A_111, %eq3A_260 : i32
        %and3A_262 = arith.andi %eq3A_259, %eq3A_261 : i1
        %convert_element_type3A_263 = arith.extui %and3A_262 : i1 to i32
        %cond3A_264 = arith.constant 0 : i32
        %cond3A_265 = arith.cmpi ne, %convert_element_type3A_263, %cond3A_264 : i32
        scf.if %cond3A_265 {
          %dma_start3A_314 = arith.constant 0 : i32
          %dma_start3A_315 = arith.constant 0 : i32
          %dma_start3A_316 = arith.constant 0 : i32
          %dma_start3A_317 = tpu.memref_slice %arg11[%dma_start3A_314, %dma_start3A_315, %dma_start3A_316] : memref<2x128x128xf32, #tpu.memory_space<vmem>> -> memref<1x128x128xf32, #tpu.memory_space<vmem>>
          %dma_start3A_318 = tpu.memref_squeeze %dma_start3A_317 : memref<1x128x128xf32, #tpu.memory_space<vmem>> -> memref<128x128xf32, #tpu.memory_space<vmem>>
          %dma_start3A_319 = arith.constant 0 : i32
          %dma_start3A_320 = tpu.memref_slice %arg8[%select_n3A_143, %dma_start3A_319] : memref<16x128xi32, #tpu.memory_space<vmem>> -> memref<1x128xi32, #tpu.memory_space<vmem>>
          %dma_start3A_321 = tpu.memref_squeeze %dma_start3A_320 : memref<1x128xi32, #tpu.memory_space<vmem>> -> memref<128xi32, #tpu.memory_space<vmem>>
          %dma_start3A_322 = arith.constant 0 : i32
          %dma_start3A_323 = arith.constant 0 : i32
          %dma_start3A_324 = tpu.memref_slice %arg2[%dma_start3A_322, %dma_start3A_323] : memref<20480x128xf32, #tpu.memory_space<hbm>> -> memref<20480x128xf32, #tpu.memory_space<hbm>>
          tpu.enqueue_indirect_dma source(%dma_start3A_324 : memref<20480x128xf32, #tpu.memory_space<hbm>>) target(%dma_start3A_318 : memref<128x128xf32, #tpu.memory_space<vmem>>) offsets(%dma_start3A_321 : memref<128xi32, #tpu.memory_space<vmem>>) semaphore(%arg12 : memref<!tpu.dma_semaphore, #tpu.memory_space<semaphore_mem>>)
        } else {
        }
        %jit3A_266 = arith.constant 2 : i32
        %eq3A_267 = arith.constant 0 : i32
        %eq3A_268 = arith.cmpi eq, %jit3A_266, %eq3A_267 : i32
        %jit3A_269 = arith.constant 1 : i32
        %select_n3A_270 = arith.select %eq3A_268, %jit3A_269, %jit3A_266 : i32
        %rem3A_271 = arith.remsi %add3A_71, %select_n3A_270 : i32
        %ne3A_272 = arith.constant 0 : i32
        %ne3A_273 = arith.cmpi ne, %rem3A_271, %ne3A_272 : i32
        %lt3A_274 = arith.constant 0 : i32
        %lt3A_275 = arith.cmpi slt, %rem3A_271, %lt3A_274 : i32
        %lt3A_276 = arith.constant 0 : i32
        %lt3A_277 = arith.cmpi slt, %select_n3A_270, %lt3A_276 : i32
        %ne3A_278 = arith.xori %lt3A_275, %lt3A_277 : i1
        %and3A_279 = arith.andi %ne3A_278, %ne3A_273 : i1
        %add3A_280 = arith.addi %rem3A_271, %select_n3A_270 : i32
        %select_n3A_281 = arith.select %and3A_279, %add3A_280, %rem3A_271 : i32
        %eq3A_282 = arith.constant 1 : i32
        %eq3A_283 = arith.cmpi eq, %select_n3A_281, %eq3A_282 : i32
        %eq3A_284 = arith.constant 0 : i32
        %eq3A_285 = arith.cmpi eq, %select_n3A_111, %eq3A_284 : i32
        %and3A_286 = arith.andi %eq3A_283, %eq3A_285 : i1
        %convert_element_type3A_287 = arith.extui %and3A_286 : i1 to i32
        %cond3A_288 = arith.constant 0 : i32
        %cond3A_289 = arith.cmpi ne, %convert_element_type3A_287, %cond3A_288 : i32
        scf.if %cond3A_289 {
          %dma_start3A_314 = arith.constant 1 : i32
          %dma_start3A_315 = arith.constant 0 : i32
          %dma_start3A_316 = arith.constant 0 : i32
          %dma_start3A_317 = tpu.memref_slice %arg11[%dma_start3A_314, %dma_start3A_315, %dma_start3A_316] : memref<2x128x128xf32, #tpu.memory_space<vmem>> -> memref<1x128x128xf32, #tpu.memory_space<vmem>>
          %dma_start3A_318 = tpu.memref_squeeze %dma_start3A_317 : memref<1x128x128xf32, #tpu.memory_space<vmem>> -> memref<128x128xf32, #tpu.memory_space<vmem>>
          %dma_start3A_319 = arith.constant 0 : i32
          %dma_start3A_320 = tpu.memref_slice %arg7[%select_n3A_143, %dma_start3A_319] : memref<16x128xi32, #tpu.memory_space<vmem>> -> memref<1x128xi32, #tpu.memory_space<vmem>>
          %dma_start3A_321 = tpu.memref_squeeze %dma_start3A_320 : memref<1x128xi32, #tpu.memory_space<vmem>> -> memref<128xi32, #tpu.memory_space<vmem>>
          %dma_start3A_322 = arith.constant 0 : i32
          %dma_start3A_323 = arith.constant 0 : i32
          %dma_start3A_324 = tpu.memref_slice %arg2[%dma_start3A_322, %dma_start3A_323] : memref<20480x128xf32, #tpu.memory_space<hbm>> -> memref<20480x128xf32, #tpu.memory_space<hbm>>
          tpu.enqueue_indirect_dma source(%dma_start3A_324 : memref<20480x128xf32, #tpu.memory_space<hbm>>) target(%dma_start3A_318 : memref<128x128xf32, #tpu.memory_space<vmem>>) offsets(%dma_start3A_321 : memref<128xi32, #tpu.memory_space<vmem>>) semaphore(%arg13 : memref<!tpu.dma_semaphore, #tpu.memory_space<semaphore_mem>>)
        } else {
        }
        %jit3A_290 = arith.constant 2 : i32
        %eq3A_291 = arith.constant 0 : i32
        %eq3A_292 = arith.cmpi eq, %jit3A_290, %eq3A_291 : i32
        %jit3A_293 = arith.constant 1 : i32
        %select_n3A_294 = arith.select %eq3A_292, %jit3A_293, %jit3A_290 : i32
        %rem3A_295 = arith.remsi %add3A_71, %select_n3A_294 : i32
        %ne3A_296 = arith.constant 0 : i32
        %ne3A_297 = arith.cmpi ne, %rem3A_295, %ne3A_296 : i32
        %lt3A_298 = arith.constant 0 : i32
        %lt3A_299 = arith.cmpi slt, %rem3A_295, %lt3A_298 : i32
        %lt3A_300 = arith.constant 0 : i32
        %lt3A_301 = arith.cmpi slt, %select_n3A_294, %lt3A_300 : i32
        %ne3A_302 = arith.xori %lt3A_299, %lt3A_301 : i1
        %and3A_303 = arith.andi %ne3A_302, %ne3A_297 : i1
        %add3A_304 = arith.addi %rem3A_295, %select_n3A_294 : i32
        %select_n3A_305 = arith.select %and3A_303, %add3A_304, %rem3A_295 : i32
        %eq3A_306 = arith.constant 1 : i32
        %eq3A_307 = arith.cmpi eq, %select_n3A_305, %eq3A_306 : i32
        %eq3A_308 = arith.constant 1 : i32
        %eq3A_309 = arith.cmpi eq, %select_n3A_111, %eq3A_308 : i32
        %and3A_310 = arith.andi %eq3A_307, %eq3A_309 : i1
        %convert_element_type3A_311 = arith.extui %and3A_310 : i1 to i32
        %cond3A_312 = arith.constant 0 : i32
        %cond3A_313 = arith.cmpi ne, %convert_element_type3A_311, %cond3A_312 : i32
        scf.if %cond3A_313 {
          %dma_start3A_314 = arith.constant 1 : i32
          %dma_start3A_315 = arith.constant 0 : i32
          %dma_start3A_316 = arith.constant 0 : i32
          %dma_start3A_317 = tpu.memref_slice %arg11[%dma_start3A_314, %dma_start3A_315, %dma_start3A_316] : memref<2x128x128xf32, #tpu.memory_space<vmem>> -> memref<1x128x128xf32, #tpu.memory_space<vmem>>
          %dma_start3A_318 = tpu.memref_squeeze %dma_start3A_317 : memref<1x128x128xf32, #tpu.memory_space<vmem>> -> memref<128x128xf32, #tpu.memory_space<vmem>>
          %dma_start3A_319 = arith.constant 0 : i32
          %dma_start3A_320 = tpu.memref_slice %arg8[%select_n3A_143, %dma_start3A_319] : memref<16x128xi32, #tpu.memory_space<vmem>> -> memref<1x128xi32, #tpu.memory_space<vmem>>
          %dma_start3A_321 = tpu.memref_squeeze %dma_start3A_320 : memref<1x128xi32, #tpu.memory_space<vmem>> -> memref<128xi32, #tpu.memory_space<vmem>>
          %dma_start3A_322 = arith.constant 0 : i32
          %dma_start3A_323 = arith.constant 0 : i32
          %dma_start3A_324 = tpu.memref_slice %arg2[%dma_start3A_322, %dma_start3A_323] : memref<20480x128xf32, #tpu.memory_space<hbm>> -> memref<20480x128xf32, #tpu.memory_space<hbm>>
          tpu.enqueue_indirect_dma source(%dma_start3A_324 : memref<20480x128xf32, #tpu.memory_space<hbm>>) target(%dma_start3A_318 : memref<128x128xf32, #tpu.memory_space<vmem>>) offsets(%dma_start3A_321 : memref<128xi32, #tpu.memory_space<vmem>>) semaphore(%arg13 : memref<!tpu.dma_semaphore, #tpu.memory_space<semaphore_mem>>)
        } else {
        }
      } else {
      }
      %eq3A_207 = arith.constant 0 : i32
      %eq3A_208 = arith.cmpi eq, %select_n3A_69, %eq3A_207 : i32
      %convert_element_type3A_209 = arith.extui %eq3A_208 : i1 to i32
      %cond3A_210 = arith.constant 0 : i32
      %cond3A_211 = arith.cmpi ne, %convert_element_type3A_209, %cond3A_210 : i32
      scf.if %cond3A_211 {
        %jit3A_218 = arith.constant 2 : i32
        %eq3A_219 = arith.constant 0 : i32
        %eq3A_220 = arith.cmpi eq, %jit3A_218, %eq3A_219 : i32
        %jit3A_221 = arith.constant 1 : i32
        %select_n3A_222 = arith.select %eq3A_220, %jit3A_221, %jit3A_218 : i32
        %rem3A_223 = arith.remsi %scan3A_39, %select_n3A_222 : i32
        %ne3A_224 = arith.constant 0 : i32
        %ne3A_225 = arith.cmpi ne, %rem3A_223, %ne3A_224 : i32
        %lt3A_226 = arith.constant 0 : i32
        %lt3A_227 = arith.cmpi slt, %rem3A_223, %lt3A_226 : i32
        %lt3A_228 = arith.constant 0 : i32
        %lt3A_229 = arith.cmpi slt, %select_n3A_222, %lt3A_228 : i32
        %ne3A_230 = arith.xori %lt3A_227, %lt3A_229 : i1
        %and3A_231 = arith.andi %ne3A_230, %ne3A_225 : i1
        %add3A_232 = arith.addi %rem3A_223, %select_n3A_222 : i32
        %select_n3A_233 = arith.select %and3A_231, %add3A_232, %rem3A_223 : i32
        "tpu.region"() ({
          %run_scoped3A = tpu.sem_alloc : memref<!tpu.dma_semaphore, #tpu.memory_space<semaphore_mem>>
          %dma_start3A_234 = arith.constant 0 : i32
          %dma_start3A_235 = arith.constant 0 : i32
          %dma_start3A_236 = tpu.memref_slice %arg11[%select_n3A_233, %dma_start3A_234, %dma_start3A_235] : memref<2x128x128xf32, #tpu.memory_space<vmem>> -> memref<1x128x128xf32, #tpu.memory_space<vmem>>
          %dma_start3A_237 = tpu.memref_squeeze %dma_start3A_236 : memref<1x128x128xf32, #tpu.memory_space<vmem>> -> memref<128x128xf32, #tpu.memory_space<vmem>>
          %dma_start3A_238 = arith.constant 0 : i32
          %dma_start3A_239 = tpu.memref_slice %arg9[%select_n3A_127, %dma_start3A_238] : memref<16x128xi32, #tpu.memory_space<vmem>> -> memref<1x128xi32, #tpu.memory_space<vmem>>
          %dma_start3A_240 = tpu.memref_squeeze %dma_start3A_239 : memref<1x128xi32, #tpu.memory_space<vmem>> -> memref<128xi32, #tpu.memory_space<vmem>>
          %dma_start3A_241 = arith.constant 0 : i32
          %dma_start3A_242 = arith.constant 0 : i32
          %dma_start3A_243 = tpu.memref_slice %arg6[%dma_start3A_241, %dma_start3A_242] : memref<10240x128xf32, #tpu.memory_space<vmem_shared>> -> memref<10240x128xf32, #tpu.memory_space<vmem_shared>>
          tpu.enqueue_indirect_dma source(%dma_start3A_237 : memref<128x128xf32, #tpu.memory_space<vmem>>) target(%dma_start3A_243 : memref<10240x128xf32, #tpu.memory_space<vmem_shared>>) offsets(%dma_start3A_240 : memref<128xi32, #tpu.memory_space<vmem>>) semaphore(%run_scoped3A : memref<!tpu.dma_semaphore, #tpu.memory_space<semaphore_mem>>) {add = true}
          %dma_wait3A = arith.constant 0 : i32
          %dma_wait3A_244 = arith.constant 0 : i32
          %dma_wait3A_245 = tpu.memref_slice %arg11[%select_n3A_233, %dma_wait3A, %dma_wait3A_244] : memref<2x128x128xf32, #tpu.memory_space<vmem>> -> memref<1x128x128xf32, #tpu.memory_space<vmem>>
          %dma_wait3A_246 = tpu.memref_squeeze %dma_wait3A_245 : memref<1x128x128xf32, #tpu.memory_space<vmem>> -> memref<128x128xf32, #tpu.memory_space<vmem>>
          %dma_wait3A_247 = arith.constant 0 : i32
          %dma_wait3A_248 = tpu.memref_slice %arg9[%select_n3A_127, %dma_wait3A_247] : memref<16x128xi32, #tpu.memory_space<vmem>> -> memref<1x128xi32, #tpu.memory_space<vmem>>
          %dma_wait3A_249 = tpu.memref_squeeze %dma_wait3A_248 : memref<1x128xi32, #tpu.memory_space<vmem>> -> memref<128xi32, #tpu.memory_space<vmem>>
          %dma_wait3A_250 = arith.constant 0 : i32
          %dma_wait3A_251 = arith.constant 0 : i32
          %dma_wait3A_252 = tpu.memref_slice %arg6[%dma_wait3A_250, %dma_wait3A_251] : memref<10240x128xf32, #tpu.memory_space<vmem_shared>> -> memref<10240x128xf32, #tpu.memory_space<vmem_shared>>
          tpu.wait_indirect_dma semaphore(%run_scoped3A : memref<!tpu.dma_semaphore, #tpu.memory_space<semaphore_mem>>) src(%dma_wait3A_246 : memref<128x128xf32, #tpu.memory_space<vmem>>) dst(%dma_wait3A_252 : memref<10240x128xf32, #tpu.memory_space<vmem_shared>>)
          tpu.yield
        }) : () -> ()
      } else {
      }
      %eq3A_212 = arith.constant 1 : i32
      %eq3A_213 = arith.cmpi eq, %select_n3A_69, %eq3A_212 : i32
      %convert_element_type3A_214 = arith.extui %eq3A_213 : i1 to i32
      %cond3A_215 = arith.constant 0 : i32
      %cond3A_216 = arith.cmpi ne, %convert_element_type3A_214, %cond3A_215 : i32
      scf.if %cond3A_216 {
        %jit3A_218 = arith.constant 2 : i32
        %eq3A_219 = arith.constant 0 : i32
        %eq3A_220 = arith.cmpi eq, %jit3A_218, %eq3A_219 : i32
        %jit3A_221 = arith.constant 1 : i32
        %select_n3A_222 = arith.select %eq3A_220, %jit3A_221, %jit3A_218 : i32
        %rem3A_223 = arith.remsi %scan3A_39, %select_n3A_222 : i32
        %ne3A_224 = arith.constant 0 : i32
        %ne3A_225 = arith.cmpi ne, %rem3A_223, %ne3A_224 : i32
        %lt3A_226 = arith.constant 0 : i32
        %lt3A_227 = arith.cmpi slt, %rem3A_223, %lt3A_226 : i32
        %lt3A_228 = arith.constant 0 : i32
        %lt3A_229 = arith.cmpi slt, %select_n3A_222, %lt3A_228 : i32
        %ne3A_230 = arith.xori %lt3A_227, %lt3A_229 : i1
        %and3A_231 = arith.andi %ne3A_230, %ne3A_225 : i1
        %add3A_232 = arith.addi %rem3A_223, %select_n3A_222 : i32
        %select_n3A_233 = arith.select %and3A_231, %add3A_232, %rem3A_223 : i32
        "tpu.region"() ({
          %run_scoped3A = tpu.sem_alloc : memref<!tpu.dma_semaphore, #tpu.memory_space<semaphore_mem>>
          %dma_start3A_234 = arith.constant 0 : i32
          %dma_start3A_235 = arith.constant 0 : i32
          %dma_start3A_236 = tpu.memref_slice %arg11[%select_n3A_233, %dma_start3A_234, %dma_start3A_235] : memref<2x128x128xf32, #tpu.memory_space<vmem>> -> memref<1x128x128xf32, #tpu.memory_space<vmem>>
          %dma_start3A_237 = tpu.memref_squeeze %dma_start3A_236 : memref<1x128x128xf32, #tpu.memory_space<vmem>> -> memref<128x128xf32, #tpu.memory_space<vmem>>
          %dma_start3A_238 = arith.constant 0 : i32
          %dma_start3A_239 = tpu.memref_slice %arg10[%select_n3A_127, %dma_start3A_238] : memref<16x128xi32, #tpu.memory_space<vmem>> -> memref<1x128xi32, #tpu.memory_space<vmem>>
          %dma_start3A_240 = tpu.memref_squeeze %dma_start3A_239 : memref<1x128xi32, #tpu.memory_space<vmem>> -> memref<128xi32, #tpu.memory_space<vmem>>
          %dma_start3A_241 = arith.constant 0 : i32
          %dma_start3A_242 = arith.constant 0 : i32
          %dma_start3A_243 = tpu.memref_slice %arg6[%dma_start3A_241, %dma_start3A_242] : memref<10240x128xf32, #tpu.memory_space<vmem_shared>> -> memref<10240x128xf32, #tpu.memory_space<vmem_shared>>
          tpu.enqueue_indirect_dma source(%dma_start3A_237 : memref<128x128xf32, #tpu.memory_space<vmem>>) target(%dma_start3A_243 : memref<10240x128xf32, #tpu.memory_space<vmem_shared>>) offsets(%dma_start3A_240 : memref<128xi32, #tpu.memory_space<vmem>>) semaphore(%run_scoped3A : memref<!tpu.dma_semaphore, #tpu.memory_space<semaphore_mem>>) {add = true}
          %dma_wait3A = arith.constant 0 : i32
          %dma_wait3A_244 = arith.constant 0 : i32
          %dma_wait3A_245 = tpu.memref_slice %arg11[%select_n3A_233, %dma_wait3A, %dma_wait3A_244] : memref<2x128x128xf32, #tpu.memory_space<vmem>> -> memref<1x128x128xf32, #tpu.memory_space<vmem>>
          %dma_wait3A_246 = tpu.memref_squeeze %dma_wait3A_245 : memref<1x128x128xf32, #tpu.memory_space<vmem>> -> memref<128x128xf32, #tpu.memory_space<vmem>>
          %dma_wait3A_247 = arith.constant 0 : i32
          %dma_wait3A_248 = tpu.memref_slice %arg10[%select_n3A_127, %dma_wait3A_247] : memref<16x128xi32, #tpu.memory_space<vmem>> -> memref<1x128xi32, #tpu.memory_space<vmem>>
          %dma_wait3A_249 = tpu.memref_squeeze %dma_wait3A_248 : memref<1x128xi32, #tpu.memory_space<vmem>> -> memref<128xi32, #tpu.memory_space<vmem>>
          %dma_wait3A_250 = arith.constant 0 : i32
          %dma_wait3A_251 = arith.constant 0 : i32
          %dma_wait3A_252 = tpu.memref_slice %arg6[%dma_wait3A_250, %dma_wait3A_251] : memref<10240x128xf32, #tpu.memory_space<vmem_shared>> -> memref<10240x128xf32, #tpu.memory_space<vmem_shared>>
          tpu.wait_indirect_dma semaphore(%run_scoped3A : memref<!tpu.dma_semaphore, #tpu.memory_space<semaphore_mem>>) src(%dma_wait3A_246 : memref<128x128xf32, #tpu.memory_space<vmem>>) dst(%dma_wait3A_252 : memref<10240x128xf32, #tpu.memory_space<vmem_shared>>)
          tpu.yield
        }) : () -> ()
      } else {
      }
      %scan3A_217 = arith.constant 0 : i32
      scf.yield %scan3A_217 : i32
    }
    %scan3A_33 = arith.constant 160 : i32
    %barrier3A_34 = arith.constant 0 : index
    tpu.barrier barrier_id(%barrier3A_34)
    %mul3A_35 = arith.constant 640 : i32
    %mul3A_36 = arith.muli %arg1, %mul3A_35 : i32
    %mul3A_37 = arith.constant 640 : i32
    %mul3A_38 = arith.muli %arg1, %mul3A_37 : i32
    "tpu.region"() ({
      %run_scoped3A = tpu.sem_alloc : memref<!tpu.dma_semaphore, #tpu.memory_space<semaphore_mem>>
      %dma_start3A_39 = arith.constant 0 : i32
      %dma_start3A_40 = tpu.memref_slice %arg5[%arg0, %mul3A_38, %dma_start3A_39] : memref<2x10240x128xf32, #tpu.memory_space<hbm>> -> memref<1x640x128xf32, #tpu.memory_space<hbm>>
      %dma_start3A_41 = tpu.memref_squeeze %dma_start3A_40 : memref<1x640x128xf32, #tpu.memory_space<hbm>> -> memref<640x128xf32, #tpu.memory_space<hbm>>
      %dma_start3A_42 = arith.constant 0 : i32
      %dma_start3A_43 = tpu.memref_slice %arg6[%mul3A_36, %dma_start3A_42] : memref<10240x128xf32, #tpu.memory_space<vmem_shared>> -> memref<640x128xf32, #tpu.memory_space<vmem_shared>>
      tpu.enqueue_dma source(%dma_start3A_43 : memref<640x128xf32, #tpu.memory_space<vmem_shared>>) target(%dma_start3A_41 : memref<640x128xf32, #tpu.memory_space<hbm>>) target_semaphore(%run_scoped3A : memref<!tpu.dma_semaphore, #tpu.memory_space<semaphore_mem>>)
      %dma_wait3A = arith.constant 0 : i32
      %dma_wait3A_44 = tpu.memref_slice %arg5[%arg0, %mul3A_38, %dma_wait3A] : memref<2x10240x128xf32, #tpu.memory_space<hbm>> -> memref<1x640x128xf32, #tpu.memory_space<hbm>>
      %dma_wait3A_45 = tpu.memref_squeeze %dma_wait3A_44 : memref<1x640x128xf32, #tpu.memory_space<hbm>> -> memref<640x128xf32, #tpu.memory_space<hbm>>
      %dma_wait3A_46 = arith.constant 0 : i32
      %dma_wait3A_47 = tpu.memref_slice %arg6[%mul3A_36, %dma_wait3A_46] : memref<10240x128xf32, #tpu.memory_space<vmem_shared>> -> memref<640x128xf32, #tpu.memory_space<vmem_shared>>
      tpu.wait_dma2 semaphore(%run_scoped3A : memref<!tpu.dma_semaphore, #tpu.memory_space<semaphore_mem>>) src(%dma_wait3A_47 : memref<640x128xf32, #tpu.memory_space<vmem_shared>>) dst(%dma_wait3A_45 : memref<640x128xf32, #tpu.memory_space<hbm>>)
      tpu.yield
    }) : () -> ()
    return
  }
}

#map = affine_map<(d0, d1) -> (0, 0)>
#map1 = affine_map<(d0, d1) -> (0, 0, 0)>
module attributes {stable_mosaic.version = 14 : i64} {
  func.func @kern(%arg0: i32, %arg1: i32, %arg2: memref<20480x128xf32, #tpu.memory_space<hbm>>, %arg3: memref<2x2560x128xi32, #tpu.memory_space<hbm>>, %arg4: memref<2x2560x128xi32, #tpu.memory_space<hbm>>, %arg5: memref<2x10240x128xf32, #tpu.memory_space<hbm>>, %arg6: memref<10240x128xf32, #tpu.memory_space<vmem_shared>>, %arg7: memref<16x128xi32, #tpu.memory_space<vmem>>, %arg8: memref<16x128xi32, #tpu.memory_space<vmem>>, %arg9: memref<16x128xi32, #tpu.memory_space<vmem>>, %arg10: memref<16x128xi32, #tpu.memory_space<vmem>>, %arg11: memref<2x128x128xf32, #tpu.memory_space<vmem>>, %arg12: memref<!tpu.dma_semaphore, #tpu.memory_space<semaphore_mem>>, %arg13: memref<!tpu.dma_semaphore, #tpu.memory_space<semaphore_mem>>, %arg14: memref<!tpu.dma_semaphore, #tpu.memory_space<semaphore_mem>>) attributes {dimension_semantics = [#tpu.dimension_semantics<core_parallel>, #tpu.dimension_semantics<subcore_parallel>], iteration_bounds = array<i64: 2, 16>, scalar_prefetch = 0 : i64, scratch_operands = 9 : i64, tpu.core_type = #tpu.core_type<sc_vector_subcore>, window_params = [{transform_indices = #map}, {transform_indices = #map1}, {transform_indices = #map1}, {transform_indices = #map1}]} {
    %scan3A = arith.constant 0 : i32
    %scan3A_0 = arith.constant 0 : i32
    %scan3A_1 = arith.constant 1024 : i32
    %scan3A_2 = arith.addi %scan3A_0, %scan3A_1 : i32
    %scan3A_3 = arith.constant 1 : i32
    %scan3A_4 = scf.for %scan3A_39 = %scan3A_0 to %scan3A_2 step %scan3A_3 iter_args(%scan3A_40 = %scan3A) -> (i32)  : i32 {
      %broadcast_in_dim3A = arith.constant 0.000000e+00 : f32
      %broadcast_in_dim3A_41 = vector.broadcast %broadcast_in_dim3A : f32 to vector<16xf32>
      %jit3A = arith.constant 8 : i32
      %div3A = arith.divsi %scan3A_39, %jit3A : i32
      %sign3A = arith.constant 0 : i32
      %sign3A_42 = arith.cmpi sgt, %scan3A_39, %sign3A : i32
      %sign3A_43 = arith.extui %sign3A_42 : i1 to i32
      %sign3A_44 = arith.constant 0 : i32
      %sign3A_45 = arith.cmpi slt, %scan3A_39, %sign3A_44 : i32
      %sign3A_46 = arith.extui %sign3A_45 : i1 to i32
      %sign3A_47 = arith.subi %sign3A_43, %sign3A_46 : i32
      %sign3A_48 = arith.constant 0 : i32
      %sign3A_49 = arith.cmpi sgt, %jit3A, %sign3A_48 : i32
      %sign3A_50 = arith.extui %sign3A_49 : i1 to i32
      %sign3A_51 = arith.constant 0 : i32
      %sign3A_52 = arith.cmpi slt, %jit3A, %sign3A_51 : i32
      %sign3A_53 = arith.extui %sign3A_52 : i1 to i32
      %sign3A_54 = arith.subi %sign3A_50, %sign3A_53 : i32
      %ne3A = arith.cmpi ne, %sign3A_47, %sign3A_54 : i32
      %rem3A = arith.remsi %scan3A_39, %jit3A : i32
      %ne3A_55 = arith.constant 0 : i32
      %ne3A_56 = arith.cmpi ne, %rem3A, %ne3A_55 : i32
      %and3A = arith.andi %ne3A, %ne3A_56 : i1
      %sub3A = arith.constant 1 : i32
      %sub3A_57 = arith.subi %div3A, %sub3A : i32
      %select_n3A = arith.select %and3A, %sub3A_57, %div3A : i32
      %jit3A_58 = arith.constant 8 : i32
      %eq3A = arith.constant 0 : i32
      %eq3A_59 = arith.cmpi eq, %jit3A_58, %eq3A : i32
      %jit3A_60 = arith.constant 1 : i32
      %select_n3A_61 = arith.select %eq3A_59, %jit3A_60, %jit3A_58 : i32
      %rem3A_62 = arith.remsi %scan3A_39, %select_n3A_61 : i32
      %ne3A_63 = arith.constant 0 : i32
      %ne3A_64 = arith.cmpi ne, %rem3A_62, %ne3A_63 : i32
      %lt3A = arith.constant 0 : i32
      %lt3A_65 = arith.cmpi slt, %rem3A_62, %lt3A : i32
      %lt3A_66 = arith.constant 0 : i32
      %lt3A_67 = arith.cmpi slt, %select_n3A_61, %lt3A_66 : i32
      %ne3A_68 = arith.xori %lt3A_65, %lt3A_67 : i1
      %and3A_69 = arith.andi %ne3A_68, %ne3A_64 : i1
      %add3A = arith.addi %rem3A_62, %select_n3A_61 : i32
      %select_n3A_70 = arith.select %and3A_69, %add3A, %rem3A_62 : i32
      %mul3A_71 = arith.constant 16 : i32
      %mul3A_72 = arith.muli %select_n3A_70, %mul3A_71 : i32
      %swap3A = arith.constant 0 : i32
      %swap3A_73 = arith.index_cast %swap3A : i32 to index
      %swap3A_74 = arith.index_cast %select_n3A : i32 to index
      %swap3A_75 = arith.index_cast %mul3A_72 : i32 to index
      %swap3A_76 = tpu.vector_load %arg11[%swap3A_73, %swap3A_74, %swap3A_75] {strides = array<i32>} : memref<2x128x128xf32, #tpu.memory_space<vmem>>, vector<1x1x16xf32>,
      %swap3A_77 = vector.shape_cast %swap3A_76 : vector<1x1x16xf32> to vector<16xf32>
      %swap3A_78 = vector.shape_cast %broadcast_in_dim3A_41 : vector<16xf32> to vector<1x1x16xf32>
      tpu.vector_store %arg11[%swap3A_73, %swap3A_74, %swap3A_75], %swap3A_78 {strides = array<i32>} : memref<2x128x128xf32, #tpu.memory_space<vmem>>, vector<1x1x16xf32>,
      %scan3A_79 = arith.constant 0 : i32
      scf.yield %scan3A_79 : i32
    }
    %scan3A_5 = arith.constant 1024 : i32
    %scan3A_6 = arith.constant 0 : i32
    %scan3A_7 = arith.constant 0 : i32
    %scan3A_8 = arith.constant 5 : i32
    %scan3A_9 = arith.addi %scan3A_7, %scan3A_8 : i32
    %scan3A_10 = arith.constant 1 : i32
    %scan3A_11 = scf.for %scan3A_39 = %scan3A_7 to %scan3A_9 step %scan3A_10 iter_args(%scan3A_40 = %scan3A_6) -> (i32)  : i32 {
      %mul3A_41 = arith.constant 640 : i32
      %mul3A_42 = arith.muli %arg1, %mul3A_41 : i32
      %mul3A_43 = arith.constant 128 : i32
      %mul3A_44 = arith.muli %scan3A_39, %mul3A_43 : i32
      %add3A = arith.addi %mul3A_42, %mul3A_44 : i32
      %run_scoped3A = arith.constant 0 : i32
      "tpu.region"() ({
        %run_scoped3A_46 = tpu.sem_alloc : memref<!tpu.dma_semaphore, #tpu.memory_space<semaphore_mem>>
        %dma_start3A_47 = arith.constant 0 : i32
        %dma_start3A_48 = arith.constant 0 : i32
        %dma_start3A_49 = tpu.memref_slice %arg11[%run_scoped3A, %dma_start3A_47, %dma_start3A_48] : memref<2x128x128xf32, #tpu.memory_space<vmem>> -> memref<1x128x128xf32, #tpu.memory_space<vmem>>
        %dma_start3A_50 = tpu.memref_squeeze %dma_start3A_49 : memref<1x128x128xf32, #tpu.memory_space<vmem>> -> memref<128x128xf32, #tpu.memory_space<vmem>>
        %dma_start3A_51 = arith.constant 0 : i32
        %dma_start3A_52 = tpu.memref_slice %arg6[%add3A, %dma_start3A_51] : memref<10240x128xf32, #tpu.memory_space<vmem_shared>> -> memref<128x128xf32, #tpu.memory_space<vmem_shared>>
        %dma_start3A_53 = arith.constant 0 : i32
        %dma_start3A_54 = tpu.memref_slice %arg6[%add3A, %dma_start3A_53] : memref<10240x128xf32, #tpu.memory_space<vmem_shared>> -> memref<128x128xf32, #tpu.memory_space<vmem_shared>>
        %dma_start3A_55 = arith.constant 0 : i32
        %dma_start3A_56 = arith.constant 0 : i32
        %dma_start3A_57 = tpu.memref_slice %arg11[%run_scoped3A, %dma_start3A_55, %dma_start3A_56] : memref<2x128x128xf32, #tpu.memory_space<vmem>> -> memref<1x128x128xf32, #tpu.memory_space<vmem>>
        %dma_start3A_58 = tpu.memref_squeeze %dma_start3A_57 : memref<1x128x128xf32, #tpu.memory_space<vmem>> -> memref<128x128xf32, #tpu.memory_space<vmem>>
        tpu.enqueue_dma source(%dma_start3A_58 : memref<128x128xf32, #tpu.memory_space<vmem>>) target(%dma_start3A_54 : memref<128x128xf32, #tpu.memory_space<vmem_shared>>) target_semaphore(%run_scoped3A_46 : memref<!tpu.dma_semaphore, #tpu.memory_space<semaphore_mem>>)
        %dma_wait3A = arith.constant 0 : i32
        %dma_wait3A_59 = arith.constant 0 : i32
        %dma_wait3A_60 = tpu.memref_slice %arg11[%run_scoped3A, %dma_wait3A, %dma_wait3A_59] : memref<2x128x128xf32, #tpu.memory_space<vmem>> -> memref<1x128x128xf32, #tpu.memory_space<vmem>>
        %dma_wait3A_61 = tpu.memref_squeeze %dma_wait3A_60 : memref<1x128x128xf32, #tpu.memory_space<vmem>> -> memref<128x128xf32, #tpu.memory_space<vmem>>
        %dma_wait3A_62 = arith.constant 0 : i32
        %dma_wait3A_63 = tpu.memref_slice %arg6[%add3A, %dma_wait3A_62] : memref<10240x128xf32, #tpu.memory_space<vmem_shared>> -> memref<128x128xf32, #tpu.memory_space<vmem_shared>>
        %dma_wait3A_64 = arith.constant 0 : i32
        %dma_wait3A_65 = tpu.memref_slice %arg6[%add3A, %dma_wait3A_64] : memref<10240x128xf32, #tpu.memory_space<vmem_shared>> -> memref<128x128xf32, #tpu.memory_space<vmem_shared>>
        %dma_wait3A_66 = arith.constant 0 : i32
        %dma_wait3A_67 = arith.constant 0 : i32
        %dma_wait3A_68 = tpu.memref_slice %arg11[%run_scoped3A, %dma_wait3A_66, %dma_wait3A_67] : memref<2x128x128xf32, #tpu.memory_space<vmem>> -> memref<1x128x128xf32, #tpu.memory_space<vmem>>
        %dma_wait3A_69 = tpu.memref_squeeze %dma_wait3A_68 : memref<1x128x128xf32, #tpu.memory_space<vmem>> -> memref<128x128xf32, #tpu.memory_space<vmem>>
        tpu.wait_dma2 semaphore(%run_scoped3A_46 : memref<!tpu.dma_semaphore, #tpu.memory_space<semaphore_mem>>) src(%dma_wait3A_69 : memref<128x128xf32, #tpu.memory_space<vmem>>) dst(%dma_wait3A_65 : memref<128x128xf32, #tpu.memory_space<vmem_shared>>)
        tpu.yield
      }) : () -> ()
      %scan3A_45 = arith.constant 0 : i32
      scf.yield %scan3A_45 : i32
    }
    %scan3A_12 = arith.constant 5 : i32
    %mul3A = arith.constant 160 : i32
    %mul3A_13 = arith.muli %arg1, %mul3A : i32
    "tpu.region"() ({
      %run_scoped3A = tpu.sem_alloc : memref<!tpu.dma_semaphore, #tpu.memory_space<semaphore_mem>>
      %dma_start3A_39 = arith.constant 0 : i32
      %dma_start3A_40 = tpu.memref_slice %arg3[%arg0, %mul3A_13, %dma_start3A_39] : memref<2x2560x128xi32, #tpu.memory_space<hbm>> -> memref<1x16x128xi32, #tpu.memory_space<hbm>>
      %dma_start3A_41 = tpu.memref_squeeze %dma_start3A_40 : memref<1x16x128xi32, #tpu.memory_space<hbm>> -> memref<16x128xi32, #tpu.memory_space<hbm>>
      %dma_start3A_42 = arith.constant 0 : i32
      %dma_start3A_43 = tpu.memref_slice %arg3[%arg0, %mul3A_13, %dma_start3A_42] : memref<2x2560x128xi32, #tpu.memory_space<hbm>> -> memref<1x16x128xi32, #tpu.memory_space<hbm>>
      %dma_start3A_44 = tpu.memref_squeeze %dma_start3A_43 : memref<1x16x128xi32, #tpu.memory_space<hbm>> -> memref<16x128xi32, #tpu.memory_space<hbm>>
      tpu.enqueue_dma source(%dma_start3A_44 : memref<16x128xi32, #tpu.memory_space<hbm>>) target(%arg7 : memref<16x128xi32, #tpu.memory_space<vmem>>) target_semaphore(%run_scoped3A : memref<!tpu.dma_semaphore, #tpu.memory_space<semaphore_mem>>)
      %dma_wait3A = arith.constant 0 : i32
      %dma_wait3A_45 = tpu.memref_slice %arg3[%arg0, %mul3A_13, %dma_wait3A] : memref<2x2560x128xi32, #tpu.memory_space<hbm>> -> memref<1x16x128xi32, #tpu.memory_space<hbm>>
      %dma_wait3A_46 = tpu.memref_squeeze %dma_wait3A_45 : memref<1x16x128xi32, #tpu.memory_space<hbm>> -> memref<16x128xi32, #tpu.memory_space<hbm>>
      %dma_wait3A_47 = arith.constant 0 : i32
      %dma_wait3A_48 = tpu.memref_slice %arg3[%arg0, %mul3A_13, %dma_wait3A_47] : memref<2x2560x128xi32, #tpu.memory_space<hbm>> -> memref<1x16x128xi32, #tpu.memory_space<hbm>>
      %dma_wait3A_49 = tpu.memref_squeeze %dma_wait3A_48 : memref<1x16x128xi32, #tpu.memory_space<hbm>> -> memref<16x128xi32, #tpu.memory_space<hbm>>
      tpu.wait_dma2 semaphore(%run_scoped3A : memref<!tpu.dma_semaphore, #tpu.memory_space<semaphore_mem>>) src(%dma_wait3A_49 : memref<16x128xi32, #tpu.memory_space<hbm>>) dst(%arg7 : memref<16x128xi32, #tpu.memory_space<vmem>>)
      tpu.yield
    }) : () -> ()
    %mul3A_14 = arith.constant 160 : i32
    %mul3A_15 = arith.muli %arg1, %mul3A_14 : i32
    "tpu.region"() ({
      %run_scoped3A = tpu.sem_alloc : memref<!tpu.dma_semaphore, #tpu.memory_space<semaphore_mem>>
      %dma_start3A_39 = arith.constant 0 : i32
      %dma_start3A_40 = tpu.memref_slice %arg4[%arg0, %mul3A_15, %dma_start3A_39] : memref<2x2560x128xi32, #tpu.memory_space<hbm>> -> memref<1x16x128xi32, #tpu.memory_space<hbm>>
      %dma_start3A_41 = tpu.memref_squeeze %dma_start3A_40 : memref<1x16x128xi32, #tpu.memory_space<hbm>> -> memref<16x128xi32, #tpu.memory_space<hbm>>
      %dma_start3A_42 = arith.constant 0 : i32
      %dma_start3A_43 = tpu.memref_slice %arg4[%arg0, %mul3A_15, %dma_start3A_42] : memref<2x2560x128xi32, #tpu.memory_space<hbm>> -> memref<1x16x128xi32, #tpu.memory_space<hbm>>
      %dma_start3A_44 = tpu.memref_squeeze %dma_start3A_43 : memref<1x16x128xi32, #tpu.memory_space<hbm>> -> memref<16x128xi32, #tpu.memory_space<hbm>>
      tpu.enqueue_dma source(%dma_start3A_44 : memref<16x128xi32, #tpu.memory_space<hbm>>) target(%arg9 : memref<16x128xi32, #tpu.memory_space<vmem>>) target_semaphore(%run_scoped3A : memref<!tpu.dma_semaphore, #tpu.memory_space<semaphore_mem>>)
      %dma_wait3A = arith.constant 0 : i32
      %dma_wait3A_45 = tpu.memref_slice %arg4[%arg0, %mul3A_15, %dma_wait3A] : memref<2x2560x128xi32, #tpu.memory_space<hbm>> -> memref<1x16x128xi32, #tpu.memory_space<hbm>>
      %dma_wait3A_46 = tpu.memref_squeeze %dma_wait3A_45 : memref<1x16x128xi32, #tpu.memory_space<hbm>> -> memref<16x128xi32, #tpu.memory_space<hbm>>
      %dma_wait3A_47 = arith.constant 0 : i32
      %dma_wait3A_48 = tpu.memref_slice %arg4[%arg0, %mul3A_15, %dma_wait3A_47] : memref<2x2560x128xi32, #tpu.memory_space<hbm>> -> memref<1x16x128xi32, #tpu.memory_space<hbm>>
      %dma_wait3A_49 = tpu.memref_squeeze %dma_wait3A_48 : memref<1x16x128xi32, #tpu.memory_space<hbm>> -> memref<16x128xi32, #tpu.memory_space<hbm>>
      tpu.wait_dma2 semaphore(%run_scoped3A : memref<!tpu.dma_semaphore, #tpu.memory_space<semaphore_mem>>) src(%dma_wait3A_49 : memref<16x128xi32, #tpu.memory_space<hbm>>) dst(%arg9 : memref<16x128xi32, #tpu.memory_space<vmem>>)
      tpu.yield
    }) : () -> ()
    %dma_start3A = arith.constant 0 : i32
    %dma_start3A_16 = arith.constant 0 : i32
    %dma_start3A_17 = arith.constant 0 : i32
    %dma_start3A_18 = arith.constant 0 : i32
    %dma_start3A_19 = tpu.memref_slice %arg11[%dma_start3A_16, %dma_start3A_17, %dma_start3A_18] : memref<2x128x128xf32, #tpu.memory_space<vmem>> -> memref<1x128x128xf32, #tpu.memory_space<vmem>>
    %dma_start3A_20 = tpu.memref_squeeze %dma_start3A_19 : memref<1x128x128xf32, #tpu.memory_space<vmem>> -> memref<128x128xf32, #tpu.memory_space<vmem>>
    %dma_start3A_21 = arith.constant 0 : i32
    %dma_start3A_22 = tpu.memref_slice %arg7[%dma_start3A, %dma_start3A_21] : memref<16x128xi32, #tpu.memory_space<vmem>> -> memref<1x128xi32, #tpu.memory_space<vmem>>
    %dma_start3A_23 = tpu.memref_squeeze %dma_start3A_22 : memref<1x128xi32, #tpu.memory_space<vmem>> -> memref<128xi32, #tpu.memory_space<vmem>>
    %dma_start3A_24 = arith.constant 0 : i32
    %dma_start3A_25 = arith.constant 0 : i32
    %dma_start3A_26 = tpu.memref_slice %arg2[%dma_start3A_24, %dma_start3A_25] : memref<20480x128xf32, #tpu.memory_space<hbm>> -> memref<20480x128xf32, #tpu.memory_space<hbm>>
    tpu.enqueue_indirect_dma source(%dma_start3A_26 : memref<20480x128xf32, #tpu.memory_space<hbm>>) target(%dma_start3A_20 : memref<128x128xf32, #tpu.memory_space<vmem>>) offsets(%dma_start3A_23 : memref<128xi32, #tpu.memory_space<vmem>>) semaphore(%arg12 : memref<!tpu.dma_semaphore, #tpu.memory_space<semaphore_mem>>)
    %barrier3A = arith.constant 0 : index
    tpu.barrier barrier_id(%barrier3A)
    %scan3A_27 = arith.constant 0 : i32
    %scan3A_28 = arith.constant 0 : i32
    %scan3A_29 = arith.constant 160 : i32
    %scan3A_30 = arith.addi %scan3A_28, %scan3A_29 : i32
    %scan3A_31 = arith.constant 1 : i32
    %scan3A_32 = scf.for %scan3A_39 = %scan3A_28 to %scan3A_30 step %scan3A_31 iter_args(%scan3A_40 = %scan3A_27) -> (i32)  : i32 {
      %jit3A = arith.constant 16 : i32
      %div3A = arith.divsi %scan3A_39, %jit3A : i32
      %sign3A = arith.constant 0 : i32
      %sign3A_41 = arith.cmpi sgt, %scan3A_39, %sign3A : i32
      %sign3A_42 = arith.extui %sign3A_41 : i1 to i32
      %sign3A_43 = arith.constant 0 : i32
      %sign3A_44 = arith.cmpi slt, %scan3A_39, %sign3A_43 : i32
      %sign3A_45 = arith.extui %sign3A_44 : i1 to i32
      %sign3A_46 = arith.subi %sign3A_42, %sign3A_45 : i32
      %sign3A_47 = arith.constant 0 : i32
      %sign3A_48 = arith.cmpi sgt, %jit3A, %sign3A_47 : i32
      %sign3A_49 = arith.extui %sign3A_48 : i1 to i32
      %sign3A_50 = arith.constant 0 : i32
      %sign3A_51 = arith.cmpi slt, %jit3A, %sign3A_50 : i32
      %sign3A_52 = arith.extui %sign3A_51 : i1 to i32
      %sign3A_53 = arith.subi %sign3A_49, %sign3A_52 : i32
      %ne3A = arith.cmpi ne, %sign3A_46, %sign3A_53 : i32
      %rem3A = arith.remsi %scan3A_39, %jit3A : i32
      %ne3A_54 = arith.constant 0 : i32
      %ne3A_55 = arith.cmpi ne, %rem3A, %ne3A_54 : i32
      %and3A = arith.andi %ne3A, %ne3A_55 : i1
      %sub3A = arith.constant 1 : i32
      %sub3A_56 = arith.subi %div3A, %sub3A : i32
      %select_n3A = arith.select %and3A, %sub3A_56, %div3A : i32
      %jit3A_57 = arith.constant 2 : i32
      %eq3A = arith.constant 0 : i32
      %eq3A_58 = arith.cmpi eq, %jit3A_57, %eq3A : i32
      %jit3A_59 = arith.constant 1 : i32
      %select_n3A_60 = arith.select %eq3A_58, %jit3A_59, %jit3A_57 : i32
      %rem3A_61 = arith.remsi %select_n3A, %select_n3A_60 : i32
      %ne3A_62 = arith.constant 0 : i32
      %ne3A_63 = arith.cmpi ne, %rem3A_61, %ne3A_62 : i32
      %lt3A = arith.constant 0 : i32
      %lt3A_64 = arith.cmpi slt, %rem3A_61, %lt3A : i32
      %lt3A_65 = arith.constant 0 : i32
      %lt3A_66 = arith.cmpi slt, %select_n3A_60, %lt3A_65 : i32
      %ne3A_67 = arith.xori %lt3A_64, %lt3A_66 : i1
      %and3A_68 = arith.andi %ne3A_67, %ne3A_63 : i1
      %add3A = arith.addi %rem3A_61, %select_n3A_60 : i32
      %select_n3A_69 = arith.select %and3A_68, %add3A, %rem3A_61 : i32
      %add3A_70 = arith.constant 1 : i32
      %add3A_71 = arith.addi %scan3A_39, %add3A_70 : i32
      %jit3A_72 = arith.constant 16 : i32
      %div3A_73 = arith.divsi %add3A_71, %jit3A_72 : i32
      %sign3A_74 = arith.constant 0 : i32
      %sign3A_75 = arith.cmpi sgt, %add3A_71, %sign3A_74 : i32
      %sign3A_76 = arith.extui %sign3A_75 : i1 to i32
      %sign3A_77 = arith.constant 0 : i32
      %sign3A_78 = arith.cmpi slt, %add3A_71, %sign3A_77 : i32
      %sign3A_79 = arith.extui %sign3A_78 : i1 to i32
      %sign3A_80 = arith.subi %sign3A_76, %sign3A_79 : i32
      %sign3A_81 = arith.constant 0 : i32
      %sign3A_82 = arith.cmpi sgt, %jit3A_72, %sign3A_81 : i32
      %sign3A_83 = arith.extui %sign3A_82 : i1 to i32
      %sign3A_84 = arith.constant 0 : i32
      %sign3A_85 = arith.cmpi slt, %jit3A_72, %sign3A_84 : i32
      %sign3A_86 = arith.extui %sign3A_85 : i1 to i32
      %sign3A_87 = arith.subi %sign3A_83, %sign3A_86 : i32
      %ne3A_88 = arith.cmpi ne, %sign3A_80, %sign3A_87 : i32
      %rem3A_89 = arith.remsi %add3A_71, %jit3A_72 : i32
      %ne3A_90 = arith.constant 0 : i32
      %ne3A_91 = arith.cmpi ne, %rem3A_89, %ne3A_90 : i32
      %and3A_92 = arith.andi %ne3A_88, %ne3A_91 : i1
      %sub3A_93 = arith.constant 1 : i32
      %sub3A_94 = arith.subi %div3A_73, %sub3A_93 : i32
      %select_n3A_95 = arith.select %and3A_92, %sub3A_94, %div3A_73 : i32
      %jit3A_96 = arith.constant 2 : i32
      %eq3A_97 = arith.constant 0 : i32
      %eq3A_98 = arith.cmpi eq, %jit3A_96, %eq3A_97 : i32
      %jit3A_99 = arith.constant 1 : i32
      %select_n3A_100 = arith.select %eq3A_98, %jit3A_99, %jit3A_96 : i32
      %rem3A_101 = arith.remsi %select_n3A_95, %select_n3A_100 : i32
      %ne3A_102 = arith.constant 0 : i32
      %ne3A_103 = arith.cmpi ne, %rem3A_101, %ne3A_102 : i32
      %lt3A_104 = arith.constant 0 : i32
      %lt3A_105 = arith.cmpi slt, %rem3A_101, %lt3A_104 : i32
      %lt3A_106 = arith.constant 0 : i32
      %lt3A_107 = arith.cmpi slt, %select_n3A_100, %lt3A_106 : i32
      %ne3A_108 = arith.xori %lt3A_105, %lt3A_107 : i1
      %and3A_109 = arith.andi %ne3A_108, %ne3A_103 : i1
      %add3A_110 = arith.addi %rem3A_101, %select_n3A_100 : i32
      %select_n3A_111 = arith.select %and3A_109, %add3A_110, %rem3A_101 : i32
      %jit3A_112 = arith.constant 16 : i32
      %eq3A_113 = arith.constant 0 : i32
      %eq3A_114 = arith.cmpi eq, %jit3A_112, %eq3A_113 : i32
      %jit3A_115 = arith.constant 1 : i32
      %select_n3A_116 = arith.select %eq3A_114, %jit3A_115, %jit3A_112 : i32
      %rem3A_117 = arith.remsi %scan3A_39, %select_n3A_116 : i32
      %ne3A_118 = arith.constant 0 : i32
      %ne3A_119 = arith.cmpi ne, %rem3A_117, %ne3A_118 : i32
      %lt3A_120 = arith.constant 0 : i32
      %lt3A_121 = arith.cmpi slt, %rem3A_117, %lt3A_120 : i32
      %lt3A_122 = arith.constant 0 : i32
      %lt3A_123 = arith.cmpi slt, %select_n3A_116, %lt3A_122 : i32
      %ne3A_124 = arith.xori %lt3A_121, %lt3A_123 : i1
      %and3A_125 = arith.andi %ne3A_124, %ne3A_119 : i1
      %add3A_126 = arith.addi %rem3A_117, %select_n3A_116 : i32
      %select_n3A_127 = arith.select %and3A_125, %add3A_126, %rem3A_117 : i32
      %jit3A_128 = arith.constant 16 : i32
      %eq3A_129 = arith.constant 0 : i32
      %eq3A_130 = arith.cmpi eq, %jit3A_128, %eq3A_129 : i32
      %jit3A_131 = arith.constant 1 : i32
      %select_n3A_132 = arith.select %eq3A_130, %jit3A_131, %jit3A_128 : i32
      %rem3A_133 = arith.remsi %add3A_71, %select_n3A_132 : i32
      %ne3A_134 = arith.constant 0 : i32
      %ne3A_135 = arith.cmpi ne, %rem3A_133, %ne3A_134 : i32
      %lt3A_136 = arith.constant 0 : i32
      %lt3A_137 = arith.cmpi slt, %rem3A_133, %lt3A_136 : i32
      %lt3A_138 = arith.constant 0 : i32
      %lt3A_139 = arith.cmpi slt, %select_n3A_132, %lt3A_138 : i32
      %ne3A_140 = arith.xori %lt3A_137, %lt3A_139 : i1
      %and3A_141 = arith.andi %ne3A_140, %ne3A_135 : i1
      %add3A_142 = arith.addi %rem3A_133, %select_n3A_132 : i32
      %select_n3A_143 = arith.select %and3A_141, %add3A_142, %rem3A_133 : i32
      %jit3A_144 = arith.constant 2 : i32
      %eq3A_145 = arith.constant 0 : i32
      %eq3A_146 = arith.cmpi eq, %jit3A_144, %eq3A_145 : i32
      %jit3A_147 = arith.constant 1 : i32
      %select_n3A_148 = arith.select %eq3A_146, %jit3A_147, %jit3A_144 : i32
      %rem3A_149 = arith.remsi %scan3A_39, %select_n3A_148 : i32
      %ne3A_150 = arith.constant 0 : i32
      %ne3A_151 = arith.cmpi ne, %rem3A_149, %ne3A_150 : i32
      %lt3A_152 = arith.constant 0 : i32
      %lt3A_153 = arith.cmpi slt, %rem3A_149, %lt3A_152 : i32
      %lt3A_154 = arith.constant 0 : i32
      %lt3A_155 = arith.cmpi slt, %select_n3A_148, %lt3A_154 : i32
      %ne3A_156 = arith.xori %lt3A_153, %lt3A_155 : i1
      %and3A_157 = arith.andi %ne3A_156, %ne3A_151 : i1
      %add3A_158 = arith.addi %rem3A_149, %select_n3A_148 : i32
      %select_n3A_159 = arith.select %and3A_157, %add3A_158, %rem3A_149 : i32
      %eq3A_160 = arith.constant 0 : i32
      %eq3A_161 = arith.cmpi eq, %select_n3A_159, %eq3A_160 : i32
      %convert_element_type3A = arith.extui %eq3A_161 : i1 to i32
      %cond3A = arith.constant 0 : i32
      %cond3A_162 = arith.cmpi ne, %convert_element_type3A, %cond3A : i32
      scf.if %cond3A_162 {
        %dma_wait3A = arith.constant 0 : i32
        %dma_wait3A_218 = arith.constant 0 : i32
        %dma_wait3A_219 = arith.constant 0 : i32
        %dma_wait3A_220 = arith.constant 0 : i32
        %dma_wait3A_221 = tpu.memref_slice %arg11[%dma_wait3A_218, %dma_wait3A_219, %dma_wait3A_220] : memref<2x128x128xf32, #tpu.memory_space<vmem>> -> memref<1x128x128xf32, #tpu.memory_space<vmem>>
        %dma_wait3A_222 = tpu.memref_squeeze %dma_wait3A_221 : memref<1x128x128xf32, #tpu.memory_space<vmem>> -> memref<128x128xf32, #tpu.memory_space<vmem>>
        %dma_wait3A_223 = arith.constant 0 : i32
        %dma_wait3A_224 = tpu.memref_slice %arg7[%dma_wait3A, %dma_wait3A_223] : memref<16x128xi32, #tpu.memory_space<vmem>> -> memref<1x128xi32, #tpu.memory_space<vmem>>
        %dma_wait3A_225 = tpu.memref_squeeze %dma_wait3A_224 : memref<1x128xi32, #tpu.memory_space<vmem>> -> memref<128xi32, #tpu.memory_space<vmem>>
        %dma_wait3A_226 = arith.constant 0 : i32
        %dma_wait3A_227 = arith.constant 0 : i32
        %dma_wait3A_228 = tpu.memref_slice %arg2[%dma_wait3A_226, %dma_wait3A_227] : memref<20480x128xf32, #tpu.memory_space<hbm>> -> memref<20480x128xf32, #tpu.memory_space<hbm>>
        tpu.wait_indirect_dma semaphore(%arg12 : memref<!tpu.dma_semaphore, #tpu.memory_space<semaphore_mem>>) src(%dma_wait3A_228 : memref<20480x128xf32, #tpu.memory_space<hbm>>) dst(%dma_wait3A_222 : memref<128x128xf32, #tpu.memory_space<vmem>>)
      } else {
      }
      %jit3A_163 = arith.constant 2 : i32
      %eq3A_164 = arith.constant 0 : i32
      %eq3A_165 = arith.cmpi eq, %jit3A_163, %eq3A_164 : i32
      %jit3A_166 = arith.constant 1 : i32
      %select_n3A_167 = arith.select %eq3A_165, %jit3A_166, %jit3A_163 : i32
      %rem3A_168 = arith.remsi %scan3A_39, %select_n3A_167 : i32
      %ne3A_169 = arith.constant 0 : i32
      %ne3A_170 = arith.cmpi ne, %rem3A_168, %ne3A_169 : i32
      %lt3A_171 = arith.constant 0 : i32
      %lt3A_172 = arith.cmpi slt, %rem3A_168, %lt3A_171 : i32
      %lt3A_173 = arith.constant 0 : i32
      %lt3A_174 = arith.cmpi slt, %select_n3A_167, %lt3A_173 : i32
      %ne3A_175 = arith.xori %lt3A_172, %lt3A_174 : i1
      %and3A_176 = arith.andi %ne3A_175, %ne3A_170 : i1
      %add3A_177 = arith.addi %rem3A_168, %select_n3A_167 : i32
      %select_n3A_178 = arith.select %and3A_176, %add3A_177, %rem3A_168 : i32
      %eq3A_179 = arith.constant 1 : i32
      %eq3A_180 = arith.cmpi eq, %select_n3A_178, %eq3A_179 : i32
      %convert_element_type3A_181 = arith.extui %eq3A_180 : i1 to i32
      %cond3A_182 = arith.constant 0 : i32
      %cond3A_183 = arith.cmpi ne, %convert_element_type3A_181, %cond3A_182 : i32
      scf.if %cond3A_183 {
        %dma_wait3A = arith.constant 0 : i32
        %dma_wait3A_218 = arith.constant 1 : i32
        %dma_wait3A_219 = arith.constant 0 : i32
        %dma_wait3A_220 = arith.constant 0 : i32
        %dma_wait3A_221 = tpu.memref_slice %arg11[%dma_wait3A_218, %dma_wait3A_219, %dma_wait3A_220] : memref<2x128x128xf32, #tpu.memory_space<vmem>> -> memref<1x128x128xf32, #tpu.memory_space<vmem>>
        %dma_wait3A_222 = tpu.memref_squeeze %dma_wait3A_221 : memref<1x128x128xf32, #tpu.memory_space<vmem>> -> memref<128x128xf32, #tpu.memory_space<vmem>>
        %dma_wait3A_223 = arith.constant 0 : i32
        %dma_wait3A_224 = tpu.memref_slice %arg7[%dma_wait3A, %dma_wait3A_223] : memref<16x128xi32, #tpu.memory_space<vmem>> -> memref<1x128xi32, #tpu.memory_space<vmem>>
        %dma_wait3A_225 = tpu.memref_squeeze %dma_wait3A_224 : memref<1x128xi32, #tpu.memory_space<vmem>> -> memref<128xi32, #tpu.memory_space<vmem>>
        %dma_wait3A_226 = arith.constant 0 : i32
        %dma_wait3A_227 = arith.constant 0 : i32
        %dma_wait3A_228 = tpu.memref_slice %arg2[%dma_wait3A_226, %dma_wait3A_227] : memref<20480x128xf32, #tpu.memory_space<hbm>> -> memref<20480x128xf32, #tpu.memory_space<hbm>>
        tpu.wait_indirect_dma semaphore(%arg13 : memref<!tpu.dma_semaphore, #tpu.memory_space<semaphore_mem>>) src(%dma_wait3A_228 : memref<20480x128xf32, #tpu.memory_space<hbm>>) dst(%dma_wait3A_222 : memref<128x128xf32, #tpu.memory_space<vmem>>)
      } else {
      }
      %eq3A_184 = arith.constant 0 : i32
      %eq3A_185 = arith.cmpi eq, %select_n3A_127, %eq3A_184 : i32
      %add3A_186 = arith.constant 16 : i32
      %add3A_187 = arith.addi %scan3A_39, %add3A_186 : i32
      %lt3A_188 = arith.constant 160 : i32
      %lt3A_189 = arith.cmpi slt, %add3A_187, %lt3A_188 : i32
      %and3A_190 = arith.andi %eq3A_185, %lt3A_189 : i1
      %convert_element_type3A_191 = arith.extui %and3A_190 : i1 to i32
      %cond3A_192 = arith.constant 0 : i32
      %cond3A_193 = arith.cmpi ne, %convert_element_type3A_191, %cond3A_192 : i32
      scf.if %cond3A_193 {
        %mul3A_218 = arith.constant 160 : i32
        %mul3A_219 = arith.muli %arg1, %mul3A_218 : i32
        %jit3A_220 = arith.constant 16 : i32
        %div3A_221 = arith.divsi %scan3A_39, %jit3A_220 : i32
        %sign3A_222 = arith.constant 0 : i32
        %sign3A_223 = arith.cmpi sgt, %scan3A_39, %sign3A_222 : i32
        %sign3A_224 = arith.extui %sign3A_223 : i1 to i32
        %sign3A_225 = arith.constant 0 : i32
        %sign3A_226 = arith.cmpi slt, %scan3A_39, %sign3A_225 : i32
        %sign3A_227 = arith.extui %sign3A_226 : i1 to i32
        %sign3A_228 = arith.subi %sign3A_224, %sign3A_227 : i32
        %sign3A_229 = arith.constant 0 : i32
        %sign3A_230 = arith.cmpi sgt, %jit3A_220, %sign3A_229 : i32
        %sign3A_231 = arith.extui %sign3A_230 : i1 to i32
        %sign3A_232 = arith.constant 0 : i32
        %sign3A_233 = arith.cmpi slt, %jit3A_220, %sign3A_232 : i32
        %sign3A_234 = arith.extui %sign3A_233 : i1 to i32
        %sign3A_235 = arith.subi %sign3A_231, %sign3A_234 : i32
        %ne3A_236 = arith.cmpi ne, %sign3A_228, %sign3A_235 : i32
        %rem3A_237 = arith.remsi %scan3A_39, %jit3A_220 : i32
        %ne3A_238 = arith.constant 0 : i32
        %ne3A_239 = arith.cmpi ne, %rem3A_237, %ne3A_238 : i32
        %and3A_240 = arith.andi %ne3A_236, %ne3A_239 : i1
        %sub3A_241 = arith.constant 1 : i32
        %sub3A_242 = arith.subi %div3A_221, %sub3A_241 : i32
        %select_n3A_243 = arith.select %and3A_240, %sub3A_242, %div3A_221 : i32
        %add3A_244 = arith.constant 1 : i32
        %add3A_245 = arith.addi %select_n3A_243, %add3A_244 : i32
        %mul3A_246 = arith.constant 16 : i32
        %mul3A_247 = arith.muli %mul3A_246, %add3A_245 : i32
        %add3A_248 = arith.addi %mul3A_219, %mul3A_247 : i32
        %eq3A_249 = arith.constant 0 : i32
        %eq3A_250 = arith.cmpi eq, %select_n3A_69, %eq3A_249 : i32
        %convert_element_type3A_251 = arith.extui %eq3A_250 : i1 to i32
        %cond3A_252 = arith.constant 0 : i32
        %cond3A_253 = arith.cmpi ne, %convert_element_type3A_251, %cond3A_252 : i32
        scf.if %cond3A_253 {
          %dma_start3A_259 = arith.constant 0 : i32
          %dma_start3A_260 = tpu.memref_slice %arg3[%arg0, %add3A_248, %dma_start3A_259] : memref<2x2560x128xi32, #tpu.memory_space<hbm>> -> memref<1x16x128xi32, #tpu.memory_space<hbm>>
          %dma_start3A_261 = tpu.memref_squeeze %dma_start3A_260 : memref<1x16x128xi32, #tpu.memory_space<hbm>> -> memref<16x128xi32, #tpu.memory_space<hbm>>
          %dma_start3A_262 = arith.constant 0 : i32
          %dma_start3A_263 = tpu.memref_slice %arg3[%arg0, %add3A_248, %dma_start3A_262] : memref<2x2560x128xi32, #tpu.memory_space<hbm>> -> memref<1x16x128xi32, #tpu.memory_space<hbm>>
          %dma_start3A_264 = tpu.memref_squeeze %dma_start3A_263 : memref<1x16x128xi32, #tpu.memory_space<hbm>> -> memref<16x128xi32, #tpu.memory_space<hbm>>
          tpu.enqueue_dma source(%dma_start3A_264 : memref<16x128xi32, #tpu.memory_space<hbm>>) target(%arg8 : memref<16x128xi32, #tpu.memory_space<vmem>>) target_semaphore(%arg14 : memref<!tpu.dma_semaphore, #tpu.memory_space<semaphore_mem>>)
          %dma_start3A_265 = arith.constant 0 : i32
          %dma_start3A_266 = tpu.memref_slice %arg4[%arg0, %add3A_248, %dma_start3A_265] : memref<2x2560x128xi32, #tpu.memory_space<hbm>> -> memref<1x16x128xi32, #tpu.memory_space<hbm>>
          %dma_start3A_267 = tpu.memref_squeeze %dma_start3A_266 : memref<1x16x128xi32, #tpu.memory_space<hbm>> -> memref<16x128xi32, #tpu.memory_space<hbm>>
          %dma_start3A_268 = arith.constant 0 : i32
          %dma_start3A_269 = tpu.memref_slice %arg4[%arg0, %add3A_248, %dma_start3A_268] : memref<2x2560x128xi32, #tpu.memory_space<hbm>> -> memref<1x16x128xi32, #tpu.memory_space<hbm>>
          %dma_start3A_270 = tpu.memref_squeeze %dma_start3A_269 : memref<1x16x128xi32, #tpu.memory_space<hbm>> -> memref<16x128xi32, #tpu.memory_space<hbm>>
          tpu.enqueue_dma source(%dma_start3A_270 : memref<16x128xi32, #tpu.memory_space<hbm>>) target(%arg10 : memref<16x128xi32, #tpu.memory_space<vmem>>) target_semaphore(%arg14 : memref<!tpu.dma_semaphore, #tpu.memory_space<semaphore_mem>>)
        } else {
        }
        %eq3A_254 = arith.constant 1 : i32
        %eq3A_255 = arith.cmpi eq, %select_n3A_69, %eq3A_254 : i32
        %convert_element_type3A_256 = arith.extui %eq3A_255 : i1 to i32
        %cond3A_257 = arith.constant 0 : i32
        %cond3A_258 = arith.cmpi ne, %convert_element_type3A_256, %cond3A_257 : i32
        scf.if %cond3A_258 {
          %dma_start3A_259 = arith.constant 0 : i32
          %dma_start3A_260 = tpu.memref_slice %arg3[%arg0, %add3A_248, %dma_start3A_259] : memref<2x2560x128xi32, #tpu.memory_space<hbm>> -> memref<1x16x128xi32, #tpu.memory_space<hbm>>
          %dma_start3A_261 = tpu.memref_squeeze %dma_start3A_260 : memref<1x16x128xi32, #tpu.memory_space<hbm>> -> memref<16x128xi32, #tpu.memory_space<hbm>>
          %dma_start3A_262 = arith.constant 0 : i32
          %dma_start3A_263 = tpu.memref_slice %arg3[%arg0, %add3A_248, %dma_start3A_262] : memref<2x2560x128xi32, #tpu.memory_space<hbm>> -> memref<1x16x128xi32, #tpu.memory_space<hbm>>
          %dma_start3A_264 = tpu.memref_squeeze %dma_start3A_263 : memref<1x16x128xi32, #tpu.memory_space<hbm>> -> memref<16x128xi32, #tpu.memory_space<hbm>>
          tpu.enqueue_dma source(%dma_start3A_264 : memref<16x128xi32, #tpu.memory_space<hbm>>) target(%arg7 : memref<16x128xi32, #tpu.memory_space<vmem>>) target_semaphore(%arg14 : memref<!tpu.dma_semaphore, #tpu.memory_space<semaphore_mem>>)
          %dma_start3A_265 = arith.constant 0 : i32
          %dma_start3A_266 = tpu.memref_slice %arg4[%arg0, %add3A_248, %dma_start3A_265] : memref<2x2560x128xi32, #tpu.memory_space<hbm>> -> memref<1x16x128xi32, #tpu.memory_space<hbm>>
          %dma_start3A_267 = tpu.memref_squeeze %dma_start3A_266 : memref<1x16x128xi32, #tpu.memory_space<hbm>> -> memref<16x128xi32, #tpu.memory_space<hbm>>
          %dma_start3A_268 = arith.constant 0 : i32
          %dma_start3A_269 = tpu.memref_slice %arg4[%arg0, %add3A_248, %dma_start3A_268] : memref<2x2560x128xi32, #tpu.memory_space<hbm>> -> memref<1x16x128xi32, #tpu.memory_space<hbm>>
          %dma_start3A_270 = tpu.memref_squeeze %dma_start3A_269 : memref<1x16x128xi32, #tpu.memory_space<hbm>> -> memref<16x128xi32, #tpu.memory_space<hbm>>
          tpu.enqueue_dma source(%dma_start3A_270 : memref<16x128xi32, #tpu.memory_space<hbm>>) target(%arg9 : memref<16x128xi32, #tpu.memory_space<vmem>>) target_semaphore(%arg14 : memref<!tpu.dma_semaphore, #tpu.memory_space<semaphore_mem>>)
        } else {
        }
      } else {
      }
      %lt3A_194 = arith.constant 160 : i32
      %lt3A_195 = arith.cmpi slt, %add3A_71, %lt3A_194 : i32
      %eq3A_196 = arith.constant 0 : i32
      %eq3A_197 = arith.cmpi eq, %select_n3A_143, %eq3A_196 : i32
      %and3A_198 = arith.andi %lt3A_195, %eq3A_197 : i1
      %convert_element_type3A_199 = arith.extui %and3A_198 : i1 to i32
      %cond3A_200 = arith.constant 0 : i32
      %cond3A_201 = arith.cmpi ne, %convert_element_type3A_199, %cond3A_200 : i32
      scf.if %cond3A_201 {
        %mul3A_218 = arith.constant 160 : i32
        %mul3A_219 = arith.muli %arg1, %mul3A_218 : i32
        %dma_wait3A = arith.constant 0 : i32
        %dma_wait3A_220 = tpu.memref_slice %arg3[%arg0, %mul3A_219, %dma_wait3A] : memref<2x2560x128xi32, #tpu.memory_space<hbm>> -> memref<1x16x128xi32, #tpu.memory_space<hbm>>
        %dma_wait3A_221 = tpu.memref_squeeze %dma_wait3A_220 : memref<1x16x128xi32, #tpu.memory_space<hbm>> -> memref<16x128xi32, #tpu.memory_space<hbm>>
        %dma_wait3A_222 = arith.constant 0 : i32
        %dma_wait3A_223 = tpu.memref_slice %arg3[%arg0, %mul3A_219, %dma_wait3A_222] : memref<2x2560x128xi32, #tpu.memory_space<hbm>> -> memref<1x16x128xi32, #tpu.memory_space<hbm>>
        %dma_wait3A_224 = tpu.memref_squeeze %dma_wait3A_223 : memref<1x16x128xi32, #tpu.memory_space<hbm>> -> memref<16x128xi32, #tpu.memory_space<hbm>>
        tpu.wait_dma2 semaphore(%arg14 : memref<!tpu.dma_semaphore, #tpu.memory_space<semaphore_mem>>) src(%dma_wait3A_224 : memref<16x128xi32, #tpu.memory_space<hbm>>) dst(%arg7 : memref<16x128xi32, #tpu.memory_space<vmem>>)
        %mul3A_225 = arith.constant 160 : i32
        %mul3A_226 = arith.muli %arg1, %mul3A_225 : i32
        %dma_wait3A_227 = arith.constant 0 : i32
        %dma_wait3A_228 = tpu.memref_slice %arg4[%arg0, %mul3A_226, %dma_wait3A_227] : memref<2x2560x128xi32, #tpu.memory_space<hbm>> -> memref<1x16x128xi32, #tpu.memory_space<hbm>>
        %dma_wait3A_229 = tpu.memref_squeeze %dma_wait3A_228 : memref<1x16x128xi32, #tpu.memory_space<hbm>> -> memref<16x128xi32, #tpu.memory_space<hbm>>
        %dma_wait3A_230 = arith.constant 0 : i32
        %dma_wait3A_231 = tpu.memref_slice %arg4[%arg0, %mul3A_226, %dma_wait3A_230] : memref<2x2560x128xi32, #tpu.memory_space<hbm>> -> memref<1x16x128xi32, #tpu.memory_space<hbm>>
        %dma_wait3A_232 = tpu.memref_squeeze %dma_wait3A_231 : memref<1x16x128xi32, #tpu.memory_space<hbm>> -> memref<16x128xi32, #tpu.memory_space<hbm>>
        tpu.wait_dma2 semaphore(%arg14 : memref<!tpu.dma_semaphore, #tpu.memory_space<semaphore_mem>>) src(%dma_wait3A_232 : memref<16x128xi32, #tpu.memory_space<hbm>>) dst(%arg9 : memref<16x128xi32, #tpu.memory_space<vmem>>)
      } else {
      }
      %lt3A_202 = arith.constant 160 : i32
      %lt3A_203 = arith.cmpi slt, %add3A_71, %lt3A_202 : i32
      %convert_element_type3A_204 = arith.extui %lt3A_203 : i1 to i32
      %cond3A_205 = arith.constant 0 : i32
      %cond3A_206 = arith.cmpi ne, %convert_element_type3A_204, %cond3A_205 : i32
      scf.if %cond3A_206 {
        %jit3A_218 = arith.constant 2 : i32
        %eq3A_219 = arith.constant 0 : i32
        %eq3A_220 = arith.cmpi eq, %jit3A_218, %eq3A_219 : i32
        %jit3A_221 = arith.constant 1 : i32
        %select_n3A_222 = arith.select %eq3A_220, %jit3A_221, %jit3A_218 : i32
        %rem3A_223 = arith.remsi %add3A_71, %select_n3A_222 : i32
        %ne3A_224 = arith.constant 0 : i32
        %ne3A_225 = arith.cmpi ne, %rem3A_223, %ne3A_224 : i32
        %lt3A_226 = arith.constant 0 : i32
        %lt3A_227 = arith.cmpi slt, %rem3A_223, %lt3A_226 : i32
        %lt3A_228 = arith.constant 0 : i32
        %lt3A_229 = arith.cmpi slt, %select_n3A_222, %lt3A_228 : i32
        %ne3A_230 = arith.xori %lt3A_227, %lt3A_229 : i1
        %and3A_231 = arith.andi %ne3A_230, %ne3A_225 : i1
        %add3A_232 = arith.addi %rem3A_223, %select_n3A_222 : i32
        %select_n3A_233 = arith.select %and3A_231, %add3A_232, %rem3A_223 : i32
        %eq3A_234 = arith.constant 0 : i32
        %eq3A_235 = arith.cmpi eq, %select_n3A_233, %eq3A_234 : i32
        %eq3A_236 = arith.constant 0 : i32
        %eq3A_237 = arith.cmpi eq, %select_n3A_111, %eq3A_236 : i32
        %and3A_238 = arith.andi %eq3A_235, %eq3A_237 : i1
        %convert_element_type3A_239 = arith.extui %and3A_238 : i1 to i32
        %cond3A_240 = arith.constant 0 : i32
        %cond3A_241 = arith.cmpi ne, %convert_element_type3A_239, %cond3A_240 : i32
        scf.if %cond3A_241 {
          %dma_start3A_314 = arith.constant 0 : i32
          %dma_start3A_315 = arith.constant 0 : i32
          %dma_start3A_316 = arith.constant 0 : i32
          %dma_start3A_317 = tpu.memref_slice %arg11[%dma_start3A_314, %dma_start3A_315, %dma_start3A_316] : memref<2x128x128xf32, #tpu.memory_space<vmem>> -> memref<1x128x128xf32, #tpu.memory_space<vmem>>
          %dma_start3A_318 = tpu.memref_squeeze %dma_start3A_317 : memref<1x128x128xf32, #tpu.memory_space<vmem>> -> memref<128x128xf32, #tpu.memory_space<vmem>>
          %dma_start3A_319 = arith.constant 0 : i32
          %dma_start3A_320 = tpu.memref_slice %arg7[%select_n3A_143, %dma_start3A_319] : memref<16x128xi32, #tpu.memory_space<vmem>> -> memref<1x128xi32, #tpu.memory_space<vmem>>
          %dma_start3A_321 = tpu.memref_squeeze %dma_start3A_320 : memref<1x128xi32, #tpu.memory_space<vmem>> -> memref<128xi32, #tpu.memory_space<vmem>>
          %dma_start3A_322 = arith.constant 0 : i32
          %dma_start3A_323 = arith.constant 0 : i32
          %dma_start3A_324 = tpu.memref_slice %arg2[%dma_start3A_322, %dma_start3A_323] : memref<20480x128xf32, #tpu.memory_space<hbm>> -> memref<20480x128xf32, #tpu.memory_space<hbm>>
          tpu.enqueue_indirect_dma source(%dma_start3A_324 : memref<20480x128xf32, #tpu.memory_space<hbm>>) target(%dma_start3A_318 : memref<128x128xf32, #tpu.memory_space<vmem>>) offsets(%dma_start3A_321 : memref<128xi32, #tpu.memory_space<vmem>>) semaphore(%arg12 : memref<!tpu.dma_semaphore, #tpu.memory_space<semaphore_mem>>)
        } else {
        }
        %jit3A_242 = arith.constant 2 : i32
        %eq3A_243 = arith.constant 0 : i32
        %eq3A_244 = arith.cmpi eq, %jit3A_242, %eq3A_243 : i32
        %jit3A_245 = arith.constant 1 : i32
        %select_n3A_246 = arith.select %eq3A_244, %jit3A_245, %jit3A_242 : i32
        %rem3A_247 = arith.remsi %add3A_71, %select_n3A_246 : i32
        %ne3A_248 = arith.constant 0 : i32
        %ne3A_249 = arith.cmpi ne, %rem3A_247, %ne3A_248 : i32
        %lt3A_250 = arith.constant 0 : i32
        %lt3A_251 = arith.cmpi slt, %rem3A_247, %lt3A_250 : i32
        %lt3A_252 = arith.constant 0 : i32
        %lt3A_253 = arith.cmpi slt, %select_n3A_246, %lt3A_252 : i32
        %ne3A_254 = arith.xori %lt3A_251, %lt3A_253 : i1
        %and3A_255 = arith.andi %ne3A_254, %ne3A_249 : i1
        %add3A_256 = arith.addi %rem3A_247, %select_n3A_246 : i32
        %select_n3A_257 = arith.select %and3A_255, %add3A_256, %rem3A_247 : i32
        %eq3A_258 = arith.constant 0 : i32
        %eq3A_259 = arith.cmpi eq, %select_n3A_257, %eq3A_258 : i32
        %eq3A_260 = arith.constant 1 : i32
        %eq3A_261 = arith.cmpi eq, %select_n3A_111, %eq3A_260 : i32
        %and3A_262 = arith.andi %eq3A_259, %eq3A_261 : i1
        %convert_element_type3A_263 = arith.extui %and3A_262 : i1 to i32
        %cond3A_264 = arith.constant 0 : i32
        %cond3A_265 = arith.cmpi ne, %convert_element_type3A_263, %cond3A_264 : i32
        scf.if %cond3A_265 {
          %dma_start3A_314 = arith.constant 0 : i32
          %dma_start3A_315 = arith.constant 0 : i32
          %dma_start3A_316 = arith.constant 0 : i32
          %dma_start3A_317 = tpu.memref_slice %arg11[%dma_start3A_314, %dma_start3A_315, %dma_start3A_316] : memref<2x128x128xf32, #tpu.memory_space<vmem>> -> memref<1x128x128xf32, #tpu.memory_space<vmem>>
          %dma_start3A_318 = tpu.memref_squeeze %dma_start3A_317 : memref<1x128x128xf32, #tpu.memory_space<vmem>> -> memref<128x128xf32, #tpu.memory_space<vmem>>
          %dma_start3A_319 = arith.constant 0 : i32
          %dma_start3A_320 = tpu.memref_slice %arg8[%select_n3A_143, %dma_start3A_319] : memref<16x128xi32, #tpu.memory_space<vmem>> -> memref<1x128xi32, #tpu.memory_space<vmem>>
          %dma_start3A_321 = tpu.memref_squeeze %dma_start3A_320 : memref<1x128xi32, #tpu.memory_space<vmem>> -> memref<128xi32, #tpu.memory_space<vmem>>
          %dma_start3A_322 = arith.constant 0 : i32
          %dma_start3A_323 = arith.constant 0 : i32
          %dma_start3A_324 = tpu.memref_slice %arg2[%dma_start3A_322, %dma_start3A_323] : memref<20480x128xf32, #tpu.memory_space<hbm>> -> memref<20480x128xf32, #tpu.memory_space<hbm>>
          tpu.enqueue_indirect_dma source(%dma_start3A_324 : memref<20480x128xf32, #tpu.memory_space<hbm>>) target(%dma_start3A_318 : memref<128x128xf32, #tpu.memory_space<vmem>>) offsets(%dma_start3A_321 : memref<128xi32, #tpu.memory_space<vmem>>) semaphore(%arg12 : memref<!tpu.dma_semaphore, #tpu.memory_space<semaphore_mem>>)
        } else {
        }
        %jit3A_266 = arith.constant 2 : i32
        %eq3A_267 = arith.constant 0 : i32
        %eq3A_268 = arith.cmpi eq, %jit3A_266, %eq3A_267 : i32
        %jit3A_269 = arith.constant 1 : i32
        %select_n3A_270 = arith.select %eq3A_268, %jit3A_269, %jit3A_266 : i32
        %rem3A_271 = arith.remsi %add3A_71, %select_n3A_270 : i32
        %ne3A_272 = arith.constant 0 : i32
        %ne3A_273 = arith.cmpi ne, %rem3A_271, %ne3A_272 : i32
        %lt3A_274 = arith.constant 0 : i32
        %lt3A_275 = arith.cmpi slt, %rem3A_271, %lt3A_274 : i32
        %lt3A_276 = arith.constant 0 : i32
        %lt3A_277 = arith.cmpi slt, %select_n3A_270, %lt3A_276 : i32
        %ne3A_278 = arith.xori %lt3A_275, %lt3A_277 : i1
        %and3A_279 = arith.andi %ne3A_278, %ne3A_273 : i1
        %add3A_280 = arith.addi %rem3A_271, %select_n3A_270 : i32
        %select_n3A_281 = arith.select %and3A_279, %add3A_280, %rem3A_271 : i32
        %eq3A_282 = arith.constant 1 : i32
        %eq3A_283 = arith.cmpi eq, %select_n3A_281, %eq3A_282 : i32
        %eq3A_284 = arith.constant 0 : i32
        %eq3A_285 = arith.cmpi eq, %select_n3A_111, %eq3A_284 : i32
        %and3A_286 = arith.andi %eq3A_283, %eq3A_285 : i1
        %convert_element_type3A_287 = arith.extui %and3A_286 : i1 to i32
        %cond3A_288 = arith.constant 0 : i32
        %cond3A_289 = arith.cmpi ne, %convert_element_type3A_287, %cond3A_288 : i32
        scf.if %cond3A_289 {
          %dma_start3A_314 = arith.constant 1 : i32
          %dma_start3A_315 = arith.constant 0 : i32
          %dma_start3A_316 = arith.constant 0 : i32
          %dma_start3A_317 = tpu.memref_slice %arg11[%dma_start3A_314, %dma_start3A_315, %dma_start3A_316] : memref<2x128x128xf32, #tpu.memory_space<vmem>> -> memref<1x128x128xf32, #tpu.memory_space<vmem>>
          %dma_start3A_318 = tpu.memref_squeeze %dma_start3A_317 : memref<1x128x128xf32, #tpu.memory_space<vmem>> -> memref<128x128xf32, #tpu.memory_space<vmem>>
          %dma_start3A_319 = arith.constant 0 : i32
          %dma_start3A_320 = tpu.memref_slice %arg7[%select_n3A_143, %dma_start3A_319] : memref<16x128xi32, #tpu.memory_space<vmem>> -> memref<1x128xi32, #tpu.memory_space<vmem>>
          %dma_start3A_321 = tpu.memref_squeeze %dma_start3A_320 : memref<1x128xi32, #tpu.memory_space<vmem>> -> memref<128xi32, #tpu.memory_space<vmem>>
          %dma_start3A_322 = arith.constant 0 : i32
          %dma_start3A_323 = arith.constant 0 : i32
          %dma_start3A_324 = tpu.memref_slice %arg2[%dma_start3A_322, %dma_start3A_323] : memref<20480x128xf32, #tpu.memory_space<hbm>> -> memref<20480x128xf32, #tpu.memory_space<hbm>>
          tpu.enqueue_indirect_dma source(%dma_start3A_324 : memref<20480x128xf32, #tpu.memory_space<hbm>>) target(%dma_start3A_318 : memref<128x128xf32, #tpu.memory_space<vmem>>) offsets(%dma_start3A_321 : memref<128xi32, #tpu.memory_space<vmem>>) semaphore(%arg13 : memref<!tpu.dma_semaphore, #tpu.memory_space<semaphore_mem>>)
        } else {
        }
        %jit3A_290 = arith.constant 2 : i32
        %eq3A_291 = arith.constant 0 : i32
        %eq3A_292 = arith.cmpi eq, %jit3A_290, %eq3A_291 : i32
        %jit3A_293 = arith.constant 1 : i32
        %select_n3A_294 = arith.select %eq3A_292, %jit3A_293, %jit3A_290 : i32
        %rem3A_295 = arith.remsi %add3A_71, %select_n3A_294 : i32
        %ne3A_296 = arith.constant 0 : i32
        %ne3A_297 = arith.cmpi ne, %rem3A_295, %ne3A_296 : i32
        %lt3A_298 = arith.constant 0 : i32
        %lt3A_299 = arith.cmpi slt, %rem3A_295, %lt3A_298 : i32
        %lt3A_300 = arith.constant 0 : i32
        %lt3A_301 = arith.cmpi slt, %select_n3A_294, %lt3A_300 : i32
        %ne3A_302 = arith.xori %lt3A_299, %lt3A_301 : i1
        %and3A_303 = arith.andi %ne3A_302, %ne3A_297 : i1
        %add3A_304 = arith.addi %rem3A_295, %select_n3A_294 : i32
        %select_n3A_305 = arith.select %and3A_303, %add3A_304, %rem3A_295 : i32
        %eq3A_306 = arith.constant 1 : i32
        %eq3A_307 = arith.cmpi eq, %select_n3A_305, %eq3A_306 : i32
        %eq3A_308 = arith.constant 1 : i32
        %eq3A_309 = arith.cmpi eq, %select_n3A_111, %eq3A_308 : i32
        %and3A_310 = arith.andi %eq3A_307, %eq3A_309 : i1
        %convert_element_type3A_311 = arith.extui %and3A_310 : i1 to i32
        %cond3A_312 = arith.constant 0 : i32
        %cond3A_313 = arith.cmpi ne, %convert_element_type3A_311, %cond3A_312 : i32
        scf.if %cond3A_313 {
          %dma_start3A_314 = arith.constant 1 : i32
          %dma_start3A_315 = arith.constant 0 : i32
          %dma_start3A_316 = arith.constant 0 : i32
          %dma_start3A_317 = tpu.memref_slice %arg11[%dma_start3A_314, %dma_start3A_315, %dma_start3A_316] : memref<2x128x128xf32, #tpu.memory_space<vmem>> -> memref<1x128x128xf32, #tpu.memory_space<vmem>>
          %dma_start3A_318 = tpu.memref_squeeze %dma_start3A_317 : memref<1x128x128xf32, #tpu.memory_space<vmem>> -> memref<128x128xf32, #tpu.memory_space<vmem>>
          %dma_start3A_319 = arith.constant 0 : i32
          %dma_start3A_320 = tpu.memref_slice %arg8[%select_n3A_143, %dma_start3A_319] : memref<16x128xi32, #tpu.memory_space<vmem>> -> memref<1x128xi32, #tpu.memory_space<vmem>>
          %dma_start3A_321 = tpu.memref_squeeze %dma_start3A_320 : memref<1x128xi32, #tpu.memory_space<vmem>> -> memref<128xi32, #tpu.memory_space<vmem>>
          %dma_start3A_322 = arith.constant 0 : i32
          %dma_start3A_323 = arith.constant 0 : i32
          %dma_start3A_324 = tpu.memref_slice %arg2[%dma_start3A_322, %dma_start3A_323] : memref<20480x128xf32, #tpu.memory_space<hbm>> -> memref<20480x128xf32, #tpu.memory_space<hbm>>
          tpu.enqueue_indirect_dma source(%dma_start3A_324 : memref<20480x128xf32, #tpu.memory_space<hbm>>) target(%dma_start3A_318 : memref<128x128xf32, #tpu.memory_space<vmem>>) offsets(%dma_start3A_321 : memref<128xi32, #tpu.memory_space<vmem>>) semaphore(%arg13 : memref<!tpu.dma_semaphore, #tpu.memory_space<semaphore_mem>>)
        } else {
        }
      } else {
      }
      %eq3A_207 = arith.constant 0 : i32
      %eq3A_208 = arith.cmpi eq, %select_n3A_69, %eq3A_207 : i32
      %convert_element_type3A_209 = arith.extui %eq3A_208 : i1 to i32
      %cond3A_210 = arith.constant 0 : i32
      %cond3A_211 = arith.cmpi ne, %convert_element_type3A_209, %cond3A_210 : i32
      scf.if %cond3A_211 {
        %jit3A_218 = arith.constant 2 : i32
        %eq3A_219 = arith.constant 0 : i32
        %eq3A_220 = arith.cmpi eq, %jit3A_218, %eq3A_219 : i32
        %jit3A_221 = arith.constant 1 : i32
        %select_n3A_222 = arith.select %eq3A_220, %jit3A_221, %jit3A_218 : i32
        %rem3A_223 = arith.remsi %scan3A_39, %select_n3A_222 : i32
        %ne3A_224 = arith.constant 0 : i32
        %ne3A_225 = arith.cmpi ne, %rem3A_223, %ne3A_224 : i32
        %lt3A_226 = arith.constant 0 : i32
        %lt3A_227 = arith.cmpi slt, %rem3A_223, %lt3A_226 : i32
        %lt3A_228 = arith.constant 0 : i32
        %lt3A_229 = arith.cmpi slt, %select_n3A_222, %lt3A_228 : i32
        %ne3A_230 = arith.xori %lt3A_227, %lt3A_229 : i1
        %and3A_231 = arith.andi %ne3A_230, %ne3A_225 : i1
        %add3A_232 = arith.addi %rem3A_223, %select_n3A_222 : i32
        %select_n3A_233 = arith.select %and3A_231, %add3A_232, %rem3A_223 : i32
        "tpu.region"() ({
          %run_scoped3A = tpu.sem_alloc : memref<!tpu.dma_semaphore, #tpu.memory_space<semaphore_mem>>
          %dma_start3A_234 = arith.constant 0 : i32
          %dma_start3A_235 = arith.constant 0 : i32
          %dma_start3A_236 = tpu.memref_slice %arg11[%select_n3A_233, %dma_start3A_234, %dma_start3A_235] : memref<2x128x128xf32, #tpu.memory_space<vmem>> -> memref<1x128x128xf32, #tpu.memory_space<vmem>>
          %dma_start3A_237 = tpu.memref_squeeze %dma_start3A_236 : memref<1x128x128xf32, #tpu.memory_space<vmem>> -> memref<128x128xf32, #tpu.memory_space<vmem>>
          %dma_start3A_238 = arith.constant 0 : i32
          %dma_start3A_239 = tpu.memref_slice %arg9[%select_n3A_127, %dma_start3A_238] : memref<16x128xi32, #tpu.memory_space<vmem>> -> memref<1x128xi32, #tpu.memory_space<vmem>>
          %dma_start3A_240 = tpu.memref_squeeze %dma_start3A_239 : memref<1x128xi32, #tpu.memory_space<vmem>> -> memref<128xi32, #tpu.memory_space<vmem>>
          %dma_start3A_241 = arith.constant 0 : i32
          %dma_start3A_242 = arith.constant 0 : i32
          %dma_start3A_243 = tpu.memref_slice %arg6[%dma_start3A_241, %dma_start3A_242] : memref<10240x128xf32, #tpu.memory_space<vmem_shared>> -> memref<10240x128xf32, #tpu.memory_space<vmem_shared>>
          tpu.enqueue_indirect_dma source(%dma_start3A_237 : memref<128x128xf32, #tpu.memory_space<vmem>>) target(%dma_start3A_243 : memref<10240x128xf32, #tpu.memory_space<vmem_shared>>) offsets(%dma_start3A_240 : memref<128xi32, #tpu.memory_space<vmem>>) semaphore(%run_scoped3A : memref<!tpu.dma_semaphore, #tpu.memory_space<semaphore_mem>>) {add = true}
          %dma_wait3A = arith.constant 0 : i32
          %dma_wait3A_244 = arith.constant 0 : i32
          %dma_wait3A_245 = tpu.memref_slice %arg11[%select_n3A_233, %dma_wait3A, %dma_wait3A_244] : memref<2x128x128xf32, #tpu.memory_space<vmem>> -> memref<1x128x128xf32, #tpu.memory_space<vmem>>
          %dma_wait3A_246 = tpu.memref_squeeze %dma_wait3A_245 : memref<1x128x128xf32, #tpu.memory_space<vmem>> -> memref<128x128xf32, #tpu.memory_space<vmem>>
          %dma_wait3A_247 = arith.constant 0 : i32
          %dma_wait3A_248 = tpu.memref_slice %arg9[%select_n3A_127, %dma_wait3A_247] : memref<16x128xi32, #tpu.memory_space<vmem>> -> memref<1x128xi32, #tpu.memory_space<vmem>>
          %dma_wait3A_249 = tpu.memref_squeeze %dma_wait3A_248 : memref<1x128xi32, #tpu.memory_space<vmem>> -> memref<128xi32, #tpu.memory_space<vmem>>
          %dma_wait3A_250 = arith.constant 0 : i32
          %dma_wait3A_251 = arith.constant 0 : i32
          %dma_wait3A_252 = tpu.memref_slice %arg6[%dma_wait3A_250, %dma_wait3A_251] : memref<10240x128xf32, #tpu.memory_space<vmem_shared>> -> memref<10240x128xf32, #tpu.memory_space<vmem_shared>>
          tpu.wait_indirect_dma semaphore(%run_scoped3A : memref<!tpu.dma_semaphore, #tpu.memory_space<semaphore_mem>>) src(%dma_wait3A_246 : memref<128x128xf32, #tpu.memory_space<vmem>>) dst(%dma_wait3A_252 : memref<10240x128xf32, #tpu.memory_space<vmem_shared>>)
          tpu.yield
        }) : () -> ()
      } else {
      }
      %eq3A_212 = arith.constant 1 : i32
      %eq3A_213 = arith.cmpi eq, %select_n3A_69, %eq3A_212 : i32
      %convert_element_type3A_214 = arith.extui %eq3A_213 : i1 to i32
      %cond3A_215 = arith.constant 0 : i32
      %cond3A_216 = arith.cmpi ne, %convert_element_type3A_214, %cond3A_215 : i32
      scf.if %cond3A_216 {
        %jit3A_218 = arith.constant 2 : i32
        %eq3A_219 = arith.constant 0 : i32
        %eq3A_220 = arith.cmpi eq, %jit3A_218, %eq3A_219 : i32
        %jit3A_221 = arith.constant 1 : i32
        %select_n3A_222 = arith.select %eq3A_220, %jit3A_221, %jit3A_218 : i32
        %rem3A_223 = arith.remsi %scan3A_39, %select_n3A_222 : i32
        %ne3A_224 = arith.constant 0 : i32
        %ne3A_225 = arith.cmpi ne, %rem3A_223, %ne3A_224 : i32
        %lt3A_226 = arith.constant 0 : i32
        %lt3A_227 = arith.cmpi slt, %rem3A_223, %lt3A_226 : i32
        %lt3A_228 = arith.constant 0 : i32
        %lt3A_229 = arith.cmpi slt, %select_n3A_222, %lt3A_228 : i32
        %ne3A_230 = arith.xori %lt3A_227, %lt3A_229 : i1
        %and3A_231 = arith.andi %ne3A_230, %ne3A_225 : i1
        %add3A_232 = arith.addi %rem3A_223, %select_n3A_222 : i32
        %select_n3A_233 = arith.select %and3A_231, %add3A_232, %rem3A_223 : i32
        "tpu.region"() ({
          %run_scoped3A = tpu.sem_alloc : memref<!tpu.dma_semaphore, #tpu.memory_space<semaphore_mem>>
          %dma_start3A_234 = arith.constant 0 : i32
          %dma_start3A_235 = arith.constant 0 : i32
          %dma_start3A_236 = tpu.memref_slice %arg11[%select_n3A_233, %dma_start3A_234, %dma_start3A_235] : memref<2x128x128xf32, #tpu.memory_space<vmem>> -> memref<1x128x128xf32, #tpu.memory_space<vmem>>
          %dma_start3A_237 = tpu.memref_squeeze %dma_start3A_236 : memref<1x128x128xf32, #tpu.memory_space<vmem>> -> memref<128x128xf32, #tpu.memory_space<vmem>>
          %dma_start3A_238 = arith.constant 0 : i32
          %dma_start3A_239 = tpu.memref_slice %arg10[%select_n3A_127, %dma_start3A_238] : memref<16x128xi32, #tpu.memory_space<vmem>> -> memref<1x128xi32, #tpu.memory_space<vmem>>
          %dma_start3A_240 = tpu.memref_squeeze %dma_start3A_239 : memref<1x128xi32, #tpu.memory_space<vmem>> -> memref<128xi32, #tpu.memory_space<vmem>>
          %dma_start3A_241 = arith.constant 0 : i32
          %dma_start3A_242 = arith.constant 0 : i32
          %dma_start3A_243 = tpu.memref_slice %arg6[%dma_start3A_241, %dma_start3A_242] : memref<10240x128xf32, #tpu.memory_space<vmem_shared>> -> memref<10240x128xf32, #tpu.memory_space<vmem_shared>>
          tpu.enqueue_indirect_dma source(%dma_start3A_237 : memref<128x128xf32, #tpu.memory_space<vmem>>) target(%dma_start3A_243 : memref<10240x128xf32, #tpu.memory_space<vmem_shared>>) offsets(%dma_start3A_240 : memref<128xi32, #tpu.memory_space<vmem>>) semaphore(%run_scoped3A : memref<!tpu.dma_semaphore, #tpu.memory_space<semaphore_mem>>) {add = true}
          %dma_wait3A = arith.constant 0 : i32
          %dma_wait3A_244 = arith.constant 0 : i32
          %dma_wait3A_245 = tpu.memref_slice %arg11[%select_n3A_233, %dma_wait3A, %dma_wait3A_244] : memref<2x128x128xf32, #tpu.memory_space<vmem>> -> memref<1x128x128xf32, #tpu.memory_space<vmem>>
          %dma_wait3A_246 = tpu.memref_squeeze %dma_wait3A_245 : memref<1x128x128xf32, #tpu.memory_space<vmem>> -> memref<128x128xf32, #tpu.memory_space<vmem>>
          %dma_wait3A_247 = arith.constant 0 : i32
          %dma_wait3A_248 = tpu.memref_slice %arg10[%select_n3A_127, %dma_wait3A_247] : memref<16x128xi32, #tpu.memory_space<vmem>> -> memref<1x128xi32, #tpu.memory_space<vmem>>
          %dma_wait3A_249 = tpu.memref_squeeze %dma_wait3A_248 : memref<1x128xi32, #tpu.memory_space<vmem>> -> memref<128xi32, #tpu.memory_space<vmem>>
          %dma_wait3A_250 = arith.constant 0 : i32
          %dma_wait3A_251 = arith.constant 0 : i32
          %dma_wait3A_252 = tpu.memref_slice %arg6[%dma_wait3A_250, %dma_wait3A_251] : memref<10240x128xf32, #tpu.memory_space<vmem_shared>> -> memref<10240x128xf32, #tpu.memory_space<vmem_shared>>
          tpu.wait_indirect_dma semaphore(%run_scoped3A : memref<!tpu.dma_semaphore, #tpu.memory_space<semaphore_mem>>) src(%dma_wait3A_246 : memref<128x128xf32, #tpu.memory_space<vmem>>) dst(%dma_wait3A_252 : memref<10240x128xf32, #tpu.memory_space<vmem_shared>>)
          tpu.yield
        }) : () -> ()
      } else {
      }
      %scan3A_217 = arith.constant 0 : i32
      scf.yield %scan3A_217 : i32
    }
    %scan3A_33 = arith.constant 160 : i32
    %barrier3A_34 = arith.constant 0 : index
    tpu.barrier barrier_id(%barrier3A_34)
    %mul3A_35 = arith.constant 640 : i32
    %mul3A_36 = arith.muli %arg1, %mul3A_35 : i32
    %mul3A_37 = arith.constant 640 : i32
    %mul3A_38 = arith.muli %arg1, %mul3A_37 : i32
    "tpu.region"() ({
      %run_scoped3A = tpu.sem_alloc : memref<!tpu.dma_semaphore, #tpu.memory_space<semaphore_mem>>
      %dma_start3A_39 = arith.constant 0 : i32
      %dma_start3A_40 = tpu.memref_slice %arg5[%arg0, %mul3A_38, %dma_start3A_39] : memref<2x10240x128xf32, #tpu.memory_space<hbm>> -> memref<1x640x128xf32, #tpu.memory_space<hbm>>
      %dma_start3A_41 = tpu.memref_squeeze %dma_start3A_40 : memref<1x640x128xf32, #tpu.memory_space<hbm>> -> memref<640x128xf32, #tpu.memory_space<hbm>>
      %dma_start3A_42 = arith.constant 0 : i32
      %dma_start3A_43 = tpu.memref_slice %arg6[%mul3A_36, %dma_start3A_42] : memref<10240x128xf32, #tpu.memory_space<vmem_shared>> -> memref<640x128xf32, #tpu.memory_space<vmem_shared>>
      tpu.enqueue_dma source(%dma_start3A_43 : memref<640x128xf32, #tpu.memory_space<vmem_shared>>) target(%dma_start3A_41 : memref<640x128xf32, #tpu.memory_space<hbm>>) target_semaphore(%run_scoped3A : memref<!tpu.dma_semaphore, #tpu.memory_space<semaphore_mem>>)
      %dma_wait3A = arith.constant 0 : i32
      %dma_wait3A_44 = tpu.memref_slice %arg5[%arg0, %mul3A_38, %dma_wait3A] : memref<2x10240x128xf32, #tpu.memory_space<hbm>> -> memref<1x640x128xf32, #tpu.memory_space<hbm>>
      %dma_wait3A_45 = tpu.memref_squeeze %dma_wait3A_44 : memref<1x640x128xf32, #tpu.memory_space<hbm>> -> memref<640x128xf32, #tpu.memory_space<hbm>>
      %dma_wait3A_46 = arith.constant 0 : i32
      %dma_wait3A_47 = tpu.memref_slice %arg6[%mul3A_36, %dma_wait3A_46] : memref<10240x128xf32, #tpu.memory_space<vmem_shared>> -> memref<640x128xf32, #tpu.memory_space<vmem_shared>>
      tpu.wait_dma2 semaphore(%run_scoped3A : memref<!tpu.dma_semaphore, #tpu.memory_space<semaphore_mem>>) src(%dma_wait3A_47 : memref<640x128xf32, #tpu.memory_space<vmem_shared>>) dst(%dma_wait3A_45 : memref<640x128xf32, #tpu.memory_space<hbm>>)
      tpu.yield
    }) : () -> ()
    return
  }
}

module attributes {stable_mosaic.version = 14 : i64} {
  func.func @body(%arg0: i32, %arg1: memref<2048x128xf32, #tpu.memory_space<vmem>>, %arg2: memref<128x128xf32, #tpu.memory_space<vmem>>, %arg3: memref<2048x16xf32, #tpu.memory_space<vmem>>, %arg4: memref<2048x128xf32, #tpu.memory_space<vmem>>) attributes {dimension_semantics = [#tpu.dimension_semantics<arbitrary>], iteration_bounds = array<i64: 10>, scalar_prefetch = 0 : i64, scratch_operands = 0 : i64, tpu.core_type = #tpu.core_type<tc>, window_params = [{transform_indices = @transform_0, window_bounds = array<i64: 2048, 128>}, {pipeline_mode = #tpu.pipeline_mode<synchronous>, transform_indices = @transform_1, window_bounds = array<i64: 128, 128>}, {transform_indices = @transform_2, window_bounds = array<i64: 2048, 16>}, {transform_indices = @transform_3, window_bounds = array<i64: 2048, 128>}]} {
    %get3A = arith.constant 0 : index
    %get3A_0 = arith.constant 0 : index
    %get3A_1 = vector.load %arg3[%get3A, %get3A_0] : memref<2048x16xf32, #tpu.memory_space<vmem>>, vector<2048x16xf32>
    %slice3A = vector.extract_strided_slice %get3A_1 {offsets = [0, 0], sizes = [2048, 1], strides = [1, 1]} : vector<2048x16xf32> to vector<2048x1xf32>
    %add3A = arith.constant 1.000000e+00 : f32
    %add3A_2 = vector.broadcast %add3A : f32 to vector<2048x1xf32>
    %add3A_3 = arith.addf %slice3A, %add3A_2 : vector<2048x1xf32>
    %rsqrt3A = math.rsqrt %add3A_3 : vector<2048x1xf32>
    %get3A_4 = arith.constant 0 : index
    %get3A_5 = arith.constant 0 : index
    %get3A_6 = vector.load %arg1[%get3A_4, %get3A_5] : memref<2048x128xf32, #tpu.memory_space<vmem>>, vector<2048x128xf32>
    %get3A_7 = arith.constant 0 : index
    %get3A_8 = arith.constant 0 : index
    %get3A_9 = vector.load %arg2[%get3A_7, %get3A_8] : memref<128x128xf32, #tpu.memory_space<vmem>>, vector<128x128xf32>
    %dot_general3A = arith.constant dense<0.000000e+00> : vector<2048x128xf32>
    %dot_general3A_10 = tpu.matmul %get3A_6, %get3A_9, %dot_general3A {dimension_numbers = #tpu.dot_dimension_numbers<[1], [0], [0], [1], [0, 0, 1, 1], [], []>, transpose_lhs_hint = false} : vector<2048x128xf32>, vector<128x128xf32>, vector<2048x128xf32> -> vector<2048x128xf32>
    %mul3A = vector.broadcast %rsqrt3A : vector<2048x1xf32> to vector<2048x128xf32>
    %mul3A_11 = arith.mulf %mul3A, %dot_general3A_10 : vector<2048x128xf32>
    %swap3A = arith.constant 0 : index
    %swap3A_12 = arith.constant 0 : index
    %swap3A_13 = vector.load %arg4[%swap3A, %swap3A_12] : memref<2048x128xf32, #tpu.memory_space<vmem>>, vector<2048x128xf32>
    tpu.vector_store %arg4[%swap3A, %swap3A_12], %mul3A_11 {strides = array<i32>} : memref<2048x128xf32, #tpu.memory_space<vmem>>, vector<2048x128xf32>,
    return
  }
  func.func @transform_0(%arg0: i32) -> (i32, i32) {
    %c0_i32 = arith.constant 0 : i32
    %c0_i32_0 = arith.constant 0 : i32
    return %arg0, %c0_i32 : i32, i32
  }
  func.func @transform_1(%arg0: i32) -> (i32, i32) {
    %c0_i32 = arith.constant 0 : i32
    %c0_i32_0 = arith.constant 0 : i32
    %c0_i32_1 = arith.constant 0 : i32
    return %c0_i32, %c0_i32_0 : i32, i32
  }
  func.func @transform_2(%arg0: i32) -> (i32, i32) {
    %c0_i32 = arith.constant 0 : i32
    %c0_i32_0 = arith.constant 0 : i32
    return %arg0, %c0_i32 : i32, i32
  }
  func.func @transform_3(%arg0: i32) -> (i32, i32) {
    %c0_i32 = arith.constant 0 : i32
    %c0_i32_0 = arith.constant 0 : i32
    return %arg0, %c0_i32 : i32, i32
  }
}

module attributes {stable_mosaic.version = 14 : i64} {
  func.func @body(%arg0: i32, %arg1: memref<2048x128xf32, #tpu.memory_space<vmem>>, %arg2: memref<2048x128xf32, #tpu.memory_space<vmem>>, %arg3: memref<2048x16xf32, #tpu.memory_space<vmem>>, %arg4: memref<1x128xf32, #tpu.memory_space<vmem>>, %arg5: memref<128x128xf32, #tpu.memory_space<vmem>>, %arg6: memref<2048x128xf32, #tpu.memory_space<vmem>>) attributes {dimension_semantics = [#tpu.dimension_semantics<arbitrary>], iteration_bounds = array<i64: 10>, scalar_prefetch = 0 : i64, scratch_operands = 0 : i64, tpu.core_type = #tpu.core_type<tc>, window_params = [{transform_indices = @transform_0, window_bounds = array<i64: 2048, 128>}, {transform_indices = @transform_1, window_bounds = array<i64: 2048, 128>}, {transform_indices = @transform_2, window_bounds = array<i64: 2048, 16>}, {pipeline_mode = #tpu.pipeline_mode<synchronous>, transform_indices = @transform_3, window_bounds = array<i64: 1, 128>}, {pipeline_mode = #tpu.pipeline_mode<synchronous>, transform_indices = @transform_4, window_bounds = array<i64: 128, 128>}, {transform_indices = @transform_5, window_bounds = array<i64: 2048, 128>}]} {
    %get3A = arith.constant 0 : index
    %get3A_0 = arith.constant 0 : index
    %get3A_1 = vector.load %arg3[%get3A, %get3A_0] : memref<2048x16xf32, #tpu.memory_space<vmem>>, vector<2048x16xf32>
    %slice3A = vector.extract_strided_slice %get3A_1 {offsets = [0, 0], sizes = [2048, 1], strides = [1, 1]} : vector<2048x16xf32> to vector<2048x1xf32>
    %add3A = arith.constant 1.000000e+00 : f32
    %add3A_2 = vector.broadcast %add3A : f32 to vector<2048x1xf32>
    %add3A_3 = arith.addf %slice3A, %add3A_2 : vector<2048x1xf32>
    %rsqrt3A = math.rsqrt %add3A_3 : vector<2048x1xf32>
    %get3A_4 = arith.constant 0 : index
    %get3A_5 = arith.constant 0 : index
    %get3A_6 = vector.load %arg1[%get3A_4, %get3A_5] : memref<2048x128xf32, #tpu.memory_space<vmem>>, vector<2048x128xf32>
    %get3A_7 = arith.constant 0 : index
    %get3A_8 = arith.constant 0 : index
    %get3A_9 = vector.load %arg2[%get3A_7, %get3A_8] : memref<2048x128xf32, #tpu.memory_space<vmem>>, vector<2048x128xf32>
    %add3A_10 = arith.addf %get3A_6, %get3A_9 : vector<2048x128xf32>
    %mul3A = vector.broadcast %rsqrt3A : vector<2048x1xf32> to vector<2048x128xf32>
    %mul3A_11 = arith.mulf %mul3A, %add3A_10 : vector<2048x128xf32>
    %get3A_12 = arith.constant 0 : index
    %get3A_13 = arith.constant 0 : index
    %get3A_14 = vector.load %arg4[%get3A_12, %get3A_13] : memref<1x128xf32, #tpu.memory_space<vmem>>, vector<1x128xf32>
    %add3A_15 = vector.broadcast %get3A_14 : vector<1x128xf32> to vector<2048x128xf32>
    %add3A_16 = arith.addf %mul3A_11, %add3A_15 : vector<2048x128xf32>
    %max3A = arith.constant 0.000000e+00 : f32
    %max3A_17 = vector.broadcast %max3A : f32 to vector<2048x128xf32>
    %max3A_18 = arith.maximumf %add3A_16, %max3A_17 : vector<2048x128xf32>
    %get3A_19 = arith.constant 0 : index
    %get3A_20 = arith.constant 0 : index
    %get3A_21 = vector.load %arg5[%get3A_19, %get3A_20] : memref<128x128xf32, #tpu.memory_space<vmem>>, vector<128x128xf32>
    %dot_general3A = arith.constant dense<0.000000e+00> : vector<2048x128xf32>
    %dot_general3A_22 = tpu.matmul %max3A_18, %get3A_21, %dot_general3A {dimension_numbers = #tpu.dot_dimension_numbers<[1], [0], [0], [1], [0, 0, 1, 1], [], []>, transpose_lhs_hint = false} : vector<2048x128xf32>, vector<128x128xf32>, vector<2048x128xf32> -> vector<2048x128xf32>
    %mul3A_23 = vector.broadcast %rsqrt3A : vector<2048x1xf32> to vector<2048x128xf32>
    %mul3A_24 = arith.mulf %mul3A_23, %dot_general3A_22 : vector<2048x128xf32>
    %swap3A = arith.constant 0 : index
    %swap3A_25 = arith.constant 0 : index
    %swap3A_26 = vector.load %arg6[%swap3A, %swap3A_25] : memref<2048x128xf32, #tpu.memory_space<vmem>>, vector<2048x128xf32>
    tpu.vector_store %arg6[%swap3A, %swap3A_25], %mul3A_24 {strides = array<i32>} : memref<2048x128xf32, #tpu.memory_space<vmem>>, vector<2048x128xf32>,
    return
  }
  func.func @transform_0(%arg0: i32) -> (i32, i32) {
    %c0_i32 = arith.constant 0 : i32
    %c0_i32_0 = arith.constant 0 : i32
    return %arg0, %c0_i32 : i32, i32
  }
  func.func @transform_1(%arg0: i32) -> (i32, i32) {
    %c0_i32 = arith.constant 0 : i32
    %c0_i32_0 = arith.constant 0 : i32
    return %arg0, %c0_i32 : i32, i32
  }
  func.func @transform_2(%arg0: i32) -> (i32, i32) {
    %c0_i32 = arith.constant 0 : i32
    %c0_i32_0 = arith.constant 0 : i32
    return %arg0, %c0_i32 : i32, i32
  }
  func.func @transform_3(%arg0: i32) -> (i32, i32) {
    %c0_i32 = arith.constant 0 : i32
    %c0_i32_0 = arith.constant 0 : i32
    %c0_i32_1 = arith.constant 0 : i32
    return %c0_i32, %c0_i32_0 : i32, i32
  }
  func.func @transform_4(%arg0: i32) -> (i32, i32) {
    %c0_i32 = arith.constant 0 : i32
    %c0_i32_0 = arith.constant 0 : i32
    %c0_i32_1 = arith.constant 0 : i32
    return %c0_i32, %c0_i32_0 : i32, i32
  }
  func.func @transform_5(%arg0: i32) -> (i32, i32) {
    %c0_i32 = arith.constant 0 : i32
    %c0_i32_0 = arith.constant 0 : i32
    return %arg0, %c0_i32 : i32, i32
  }
}

module attributes {stable_mosaic.version = 14 : i64} {
  func.func @body(%arg0: i32, %arg1: memref<2048x128xf32, #tpu.memory_space<vmem>>, %arg2: memref<2048x128xf32, #tpu.memory_space<vmem>>, %arg3: memref<2048x16xf32, #tpu.memory_space<vmem>>, %arg4: memref<1x128xf32, #tpu.memory_space<vmem>>, %arg5: memref<2048x1xi32, #tpu.memory_space<vmem>>, %arg6: memref<128x64xf32, #tpu.memory_space<vmem>>, %arg7: memref<1x64xf32, #tpu.memory_space<vmem>>, %arg8: memref<1x16xf32, #tpu.memory_space<vmem>>, %arg9: memref<2x16x128xf32, #tpu.memory_space<vmem>>, %arg10: memref<2x16x128xf32, #tpu.memory_space<vmem>>) attributes {dimension_semantics = [#tpu.dimension_semantics<arbitrary>], iteration_bounds = array<i64: 10>, scalar_prefetch = 0 : i64, scratch_operands = 2 : i64, tpu.core_type = #tpu.core_type<tc>, window_params = [{transform_indices = @transform_0, window_bounds = array<i64: 2048, 128>}, {transform_indices = @transform_1, window_bounds = array<i64: 2048, 128>}, {transform_indices = @transform_2, window_bounds = array<i64: 2048, 16>}, {pipeline_mode = #tpu.pipeline_mode<synchronous>, transform_indices = @transform_3, window_bounds = array<i64: 1, 128>}, {transform_indices = @transform_4, window_bounds = array<i64: 2048, 1>}, {pipeline_mode = #tpu.pipeline_mode<synchronous>, transform_indices = @transform_5, window_bounds = array<i64: 128, 64>}, {pipeline_mode = #tpu.pipeline_mode<synchronous>, transform_indices = @transform_6, window_bounds = array<i64: 1, 64>}, {pipeline_mode = #tpu.pipeline_mode<synchronous>, transform_indices = @transform_7, window_bounds = array<i64: 1, 16>}]} {
    %jit3A = arith.constant 5 : i32
    %div3A = arith.divsi %arg0, %jit3A : i32
    %sign3A = arith.constant 0 : i32
    %sign3A_0 = arith.cmpi sgt, %arg0, %sign3A : i32
    %sign3A_1 = arith.extui %sign3A_0 : i1 to i32
    %sign3A_2 = arith.constant 0 : i32
    %sign3A_3 = arith.cmpi slt, %arg0, %sign3A_2 : i32
    %sign3A_4 = arith.extui %sign3A_3 : i1 to i32
    %sign3A_5 = arith.subi %sign3A_1, %sign3A_4 : i32
    %sign3A_6 = arith.constant 0 : i32
    %sign3A_7 = arith.cmpi sgt, %jit3A, %sign3A_6 : i32
    %sign3A_8 = arith.extui %sign3A_7 : i1 to i32
    %sign3A_9 = arith.constant 0 : i32
    %sign3A_10 = arith.cmpi slt, %jit3A, %sign3A_9 : i32
    %sign3A_11 = arith.extui %sign3A_10 : i1 to i32
    %sign3A_12 = arith.subi %sign3A_8, %sign3A_11 : i32
    %ne3A = arith.cmpi ne, %sign3A_5, %sign3A_12 : i32
    %rem3A = arith.remsi %arg0, %jit3A : i32
    %ne3A_13 = arith.constant 0 : i32
    %ne3A_14 = arith.cmpi ne, %rem3A, %ne3A_13 : i32
    %and3A = arith.andi %ne3A, %ne3A_14 : i1
    %sub3A = arith.constant 1 : i32
    %sub3A_15 = arith.subi %div3A, %sub3A : i32
    %select_n3A = arith.select %and3A, %sub3A_15, %div3A : i32
    %get3A = arith.constant 0 : index
    %get3A_16 = arith.constant 0 : index
    %get3A_17 = vector.load %arg3[%get3A, %get3A_16] : memref<2048x16xf32, #tpu.memory_space<vmem>>, vector<2048x16xf32>
    %slice3A = vector.extract_strided_slice %get3A_17 {offsets = [0, 0], sizes = [2048, 1], strides = [1, 1]} : vector<2048x16xf32> to vector<2048x1xf32>
    %add3A = arith.constant 1.000000e+00 : f32
    %add3A_18 = vector.broadcast %add3A : f32 to vector<2048x1xf32>
    %add3A_19 = arith.addf %slice3A, %add3A_18 : vector<2048x1xf32>
    %rsqrt3A = math.rsqrt %add3A_19 : vector<2048x1xf32>
    %get3A_20 = arith.constant 0 : index
    %get3A_21 = arith.constant 0 : index
    %get3A_22 = vector.load %arg1[%get3A_20, %get3A_21] : memref<2048x128xf32, #tpu.memory_space<vmem>>, vector<2048x128xf32>
    %get3A_23 = arith.constant 0 : index
    %get3A_24 = arith.constant 0 : index
    %get3A_25 = vector.load %arg2[%get3A_23, %get3A_24] : memref<2048x128xf32, #tpu.memory_space<vmem>>, vector<2048x128xf32>
    %add3A_26 = arith.addf %get3A_22, %get3A_25 : vector<2048x128xf32>
    %mul3A = vector.broadcast %rsqrt3A : vector<2048x1xf32> to vector<2048x128xf32>
    %mul3A_27 = arith.mulf %mul3A, %add3A_26 : vector<2048x128xf32>
    %get3A_28 = arith.constant 0 : index
    %get3A_29 = arith.constant 0 : index
    %get3A_30 = vector.load %arg4[%get3A_28, %get3A_29] : memref<1x128xf32, #tpu.memory_space<vmem>>, vector<1x128xf32>
    %add3A_31 = vector.broadcast %get3A_30 : vector<1x128xf32> to vector<2048x128xf32>
    %add3A_32 = arith.addf %mul3A_27, %add3A_31 : vector<2048x128xf32>
    %get3A_33 = arith.constant 0 : index
    %get3A_34 = arith.constant 0 : index
    %get3A_35 = vector.load %arg5[%get3A_33, %get3A_34] : memref<2048x1xi32, #tpu.memory_space<vmem>>, vector<2048x1xi32>
    %iota3A = tpu.iota {dimensions = array<i32: 1>} : vector<1x16xi32>
    %eq3A = vector.broadcast %get3A_35 : vector<2048x1xi32> to vector<2048x16xi32>
    %eq3A_36 = vector.broadcast %iota3A : vector<1x16xi32> to vector<2048x16xi32>
    %eq3A_37 = arith.cmpi eq, %eq3A, %eq3A_36 : vector<2048x16xi32>
    %convert_element_type3A = arith.extui %eq3A_37 : vector<2048x16xi1> to vector<2048x16xi32>
    %convert_element_type3A_38 = arith.sitofp %convert_element_type3A : vector<2048x16xi32> to vector<2048x16xf32>
    %dot_general3A = arith.constant dense<0.000000e+00> : vector<16x128xf32>
    %dot_general3A_39 = tpu.matmul %convert_element_type3A_38, %add3A_32, %dot_general3A {dimension_numbers = #tpu.dot_dimension_numbers<[0], [0], [1], [1], [0, 1, 1, 1], [], []>, transpose_lhs_hint = false} : vector<2048x16xf32>, vector<2048x128xf32>, vector<16x128xf32> -> vector<16x128xf32>
    %reduce_sum3A = arith.constant dense<0.000000e+00> : vector<16xf32>
    %reduce_sum3A_40 = vector.multi_reduction <add>, %convert_element_type3A_38, %reduce_sum3A [0] : vector<2048x16xf32> to vector<16xf32>
    %broadcast_in_dim3A = vector.shape_cast %reduce_sum3A_40 : vector<16xf32> to vector<16x1xf32>
    %broadcast_in_dim3A_41 = vector.shape_cast %broadcast_in_dim3A : vector<16x1xf32> to vector<16x1xf32>
    %broadcast_in_dim3A_42 = vector.broadcast %broadcast_in_dim3A_41 : vector<16x1xf32> to vector<16x128xf32>
    %jit3A_43 = arith.constant 5 : i32
    %eq3A_44 = arith.constant 0 : i32
    %eq3A_45 = arith.cmpi eq, %jit3A_43, %eq3A_44 : i32
    %jit3A_46 = arith.constant 1 : i32
    %select_n3A_47 = arith.select %eq3A_45, %jit3A_46, %jit3A_43 : i32
    %rem3A_48 = arith.remsi %arg0, %select_n3A_47 : i32
    %ne3A_49 = arith.constant 0 : i32
    %ne3A_50 = arith.cmpi ne, %rem3A_48, %ne3A_49 : i32
    %lt3A = arith.constant 0 : i32
    %lt3A_51 = arith.cmpi slt, %rem3A_48, %lt3A : i32
    %lt3A_52 = arith.constant 0 : i32
    %lt3A_53 = arith.cmpi slt, %select_n3A_47, %lt3A_52 : i32
    %ne3A_54 = arith.xori %lt3A_51, %lt3A_53 : i1
    %and3A_55 = arith.andi %ne3A_54, %ne3A_50 : i1
    %add3A_56 = arith.addi %rem3A_48, %select_n3A_47 : i32
    %select_n3A_57 = arith.select %and3A_55, %add3A_56, %rem3A_48 : i32
    %eq3A_58 = arith.constant 0 : i32
    %eq3A_59 = arith.cmpi eq, %select_n3A_57, %eq3A_58 : i32
    %convert_element_type3A_60 = arith.extui %eq3A_59 : i1 to i32
    %cond3A = arith.constant 0 : i32
    %cond3A_61 = arith.cmpi ne, %convert_element_type3A_60, %cond3A : i32
    scf.if %cond3A_61 {
      %swap3A = arith.index_cast %select_n3A : i32 to index
      %swap3A_88 = arith.constant 0 : index
      %swap3A_89 = arith.constant 0 : index
      %swap3A_90 = vector.load %arg9[%swap3A, %swap3A_88, %swap3A_89] : memref<2x16x128xf32, #tpu.memory_space<vmem>>, vector<1x16x128xf32>
      %swap3A_91 = vector.shape_cast %swap3A_90 : vector<1x16x128xf32> to vector<16x128xf32>
      %swap3A_92 = vector.shape_cast %dot_general3A_39 : vector<16x128xf32> to vector<1x16x128xf32>
      tpu.vector_store %arg9[%swap3A, %swap3A_88, %swap3A_89], %swap3A_92 {strides = array<i32>} : memref<2x16x128xf32, #tpu.memory_space<vmem>>, vector<1x16x128xf32>,
      %swap3A_93 = arith.index_cast %select_n3A : i32 to index
      %swap3A_94 = arith.constant 0 : index
      %swap3A_95 = arith.constant 0 : index
      %swap3A_96 = vector.load %arg10[%swap3A_93, %swap3A_94, %swap3A_95] : memref<2x16x128xf32, #tpu.memory_space<vmem>>, vector<1x16x128xf32>
      %swap3A_97 = vector.shape_cast %swap3A_96 : vector<1x16x128xf32> to vector<16x128xf32>
      %swap3A_98 = vector.shape_cast %broadcast_in_dim3A_42 : vector<16x128xf32> to vector<1x16x128xf32>
      tpu.vector_store %arg10[%swap3A_93, %swap3A_94, %swap3A_95], %swap3A_98 {strides = array<i32>} : memref<2x16x128xf32, #tpu.memory_space<vmem>>, vector<1x16x128xf32>,
    } else {
    }
    %jit3A_62 = arith.constant 5 : i32
    %eq3A_63 = arith.constant 0 : i32
    %eq3A_64 = arith.cmpi eq, %jit3A_62, %eq3A_63 : i32
    %jit3A_65 = arith.constant 1 : i32
    %select_n3A_66 = arith.select %eq3A_64, %jit3A_65, %jit3A_62 : i32
    %rem3A_67 = arith.remsi %arg0, %select_n3A_66 : i32
    %ne3A_68 = arith.constant 0 : i32
    %ne3A_69 = arith.cmpi ne, %rem3A_67, %ne3A_68 : i32
    %lt3A_70 = arith.constant 0 : i32
    %lt3A_71 = arith.cmpi slt, %rem3A_67, %lt3A_70 : i32
    %lt3A_72 = arith.constant 0 : i32
    %lt3A_73 = arith.cmpi slt, %select_n3A_66, %lt3A_72 : i32
    %ne3A_74 = arith.xori %lt3A_71, %lt3A_73 : i1
    %and3A_75 = arith.andi %ne3A_74, %ne3A_69 : i1
    %add3A_76 = arith.addi %rem3A_67, %select_n3A_66 : i32
    %select_n3A_77 = arith.select %and3A_75, %add3A_76, %rem3A_67 : i32
    %ne3A_78 = arith.constant 0 : i32
    %ne3A_79 = arith.cmpi ne, %select_n3A_77, %ne3A_78 : i32
    %convert_element_type3A_80 = arith.extui %ne3A_79 : i1 to i32
    %cond3A_81 = arith.constant 0 : i32
    %cond3A_82 = arith.cmpi ne, %convert_element_type3A_80, %cond3A_81 : i32
    scf.if %cond3A_82 {
      %get3A_88 = arith.index_cast %select_n3A : i32 to index
      %get3A_89 = arith.constant 0 : index
      %get3A_90 = arith.constant 0 : index
      %get3A_91 = vector.load %arg9[%get3A_88, %get3A_89, %get3A_90] : memref<2x16x128xf32, #tpu.memory_space<vmem>>, vector<1x16x128xf32>
      %get3A_92 = vector.shape_cast %get3A_91 : vector<1x16x128xf32> to vector<16x128xf32>
      %add3A_93 = arith.addf %get3A_92, %dot_general3A_39 : vector<16x128xf32>
      %swap3A = arith.index_cast %select_n3A : i32 to index
      %swap3A_94 = arith.constant 0 : index
      %swap3A_95 = arith.constant 0 : index
      %swap3A_96 = vector.load %arg9[%swap3A, %swap3A_94, %swap3A_95] : memref<2x16x128xf32, #tpu.memory_space<vmem>>, vector<1x16x128xf32>
      %swap3A_97 = vector.shape_cast %swap3A_96 : vector<1x16x128xf32> to vector<16x128xf32>
      %swap3A_98 = vector.shape_cast %add3A_93 : vector<16x128xf32> to vector<1x16x128xf32>
      tpu.vector_store %arg9[%swap3A, %swap3A_94, %swap3A_95], %swap3A_98 {strides = array<i32>} : memref<2x16x128xf32, #tpu.memory_space<vmem>>, vector<1x16x128xf32>,
      %get3A_99 = arith.index_cast %select_n3A : i32 to index
      %get3A_100 = arith.constant 0 : index
      %get3A_101 = arith.constant 0 : index
      %get3A_102 = vector.load %arg10[%get3A_99, %get3A_100, %get3A_101] : memref<2x16x128xf32, #tpu.memory_space<vmem>>, vector<1x16x128xf32>
      %get3A_103 = vector.shape_cast %get3A_102 : vector<1x16x128xf32> to vector<16x128xf32>
      %add3A_104 = arith.addf %get3A_103, %broadcast_in_dim3A_42 : vector<16x128xf32>
      %swap3A_105 = arith.index_cast %select_n3A : i32 to index
      %swap3A_106 = arith.constant 0 : index
      %swap3A_107 = arith.constant 0 : index
      %swap3A_108 = vector.load %arg10[%swap3A_105, %swap3A_106, %swap3A_107] : memref<2x16x128xf32, #tpu.memory_space<vmem>>, vector<1x16x128xf32>
      %swap3A_109 = vector.shape_cast %swap3A_108 : vector<1x16x128xf32> to vector<16x128xf32>
      %swap3A_110 = vector.shape_cast %add3A_104 : vector<16x128xf32> to vector<1x16x128xf32>
      tpu.vector_store %arg10[%swap3A_105, %swap3A_106, %swap3A_107], %swap3A_110 {strides = array<i32>} : memref<2x16x128xf32, #tpu.memory_space<vmem>>, vector<1x16x128xf32>,
    } else {
    }
    %eq3A_83 = arith.constant 9 : i32
    %eq3A_84 = arith.cmpi eq, %arg0, %eq3A_83 : i32
    %convert_element_type3A_85 = arith.extui %eq3A_84 : i1 to i32
    %cond3A_86 = arith.constant 0 : i32
    %cond3A_87 = arith.cmpi ne, %convert_element_type3A_85, %cond3A_86 : i32
    scf.if %cond3A_87 {
      %get3A_88 = arith.constant 0 : index
      %get3A_89 = arith.constant 0 : index
      %get3A_90 = arith.constant 0 : index
      %get3A_91 = vector.load %arg9[%get3A_88, %get3A_89, %get3A_90] : memref<2x16x128xf32, #tpu.memory_space<vmem>>, vector<1x16x128xf32>
      %get3A_92 = vector.shape_cast %get3A_91 : vector<1x16x128xf32> to vector<16x128xf32>
      %get3A_93 = arith.constant 0 : index
      %get3A_94 = arith.constant 0 : index
      %get3A_95 = arith.constant 0 : index
      %get3A_96 = vector.load %arg10[%get3A_93, %get3A_94, %get3A_95] : memref<2x16x128xf32, #tpu.memory_space<vmem>>, vector<1x16x128xf32>
      %get3A_97 = vector.shape_cast %get3A_96 : vector<1x16x128xf32> to vector<16x128xf32>
      %max3A = arith.constant 1.000000e+00 : f32
      %max3A_98 = vector.broadcast %max3A : f32 to vector<16x128xf32>
      %max3A_99 = arith.maximumf %get3A_97, %max3A_98 : vector<16x128xf32>
      %div3A_100 = arith.divf %get3A_92, %max3A_99 : vector<16x128xf32>
      %get3A_101 = arith.constant 1 : index
      %get3A_102 = arith.constant 0 : index
      %get3A_103 = arith.constant 0 : index
      %get3A_104 = vector.load %arg9[%get3A_101, %get3A_102, %get3A_103] : memref<2x16x128xf32, #tpu.memory_space<vmem>>, vector<1x16x128xf32>
      %get3A_105 = vector.shape_cast %get3A_104 : vector<1x16x128xf32> to vector<16x128xf32>
      %get3A_106 = arith.constant 1 : index
      %get3A_107 = arith.constant 0 : index
      %get3A_108 = arith.constant 0 : index
      %get3A_109 = vector.load %arg10[%get3A_106, %get3A_107, %get3A_108] : memref<2x16x128xf32, #tpu.memory_space<vmem>>, vector<1x16x128xf32>
      %get3A_110 = vector.shape_cast %get3A_109 : vector<1x16x128xf32> to vector<16x128xf32>
      %max3A_111 = arith.constant 1.000000e+00 : f32
      %max3A_112 = vector.broadcast %max3A_111 : f32 to vector<16x128xf32>
      %max3A_113 = arith.maximumf %get3A_110, %max3A_112 : vector<16x128xf32>
      %div3A_114 = arith.divf %get3A_105, %max3A_113 : vector<16x128xf32>
      %get3A_115 = arith.constant 0 : index
      %get3A_116 = arith.constant 0 : index
      %get3A_117 = vector.load %arg6[%get3A_115, %get3A_116] : memref<128x64xf32, #tpu.memory_space<vmem>>, vector<128x64xf32>
      %dot_general3A_118 = arith.constant dense<0.000000e+00> : vector<16x64xf32>
      %dot_general3A_119 = tpu.matmul %div3A_100, %get3A_117, %dot_general3A_118 {dimension_numbers = #tpu.dot_dimension_numbers<[1], [0], [0], [1], [0, 0, 1, 1], [], []>, transpose_lhs_hint = false} : vector<16x128xf32>, vector<128x64xf32>, vector<16x64xf32> -> vector<16x64xf32>
      %get3A_120 = arith.constant 0 : index
      %get3A_121 = arith.constant 0 : index
      %get3A_122 = vector.load %arg6[%get3A_120, %get3A_121] : memref<128x64xf32, #tpu.memory_space<vmem>>, vector<128x64xf32>
      %dot_general3A_123 = arith.constant dense<0.000000e+00> : vector<16x64xf32>
      %dot_general3A_124 = tpu.matmul %div3A_114, %get3A_122, %dot_general3A_123 {dimension_numbers = #tpu.dot_dimension_numbers<[1], [0], [0], [1], [0, 0, 1, 1], [], []>, transpose_lhs_hint = false} : vector<16x128xf32>, vector<128x64xf32>, vector<16x64xf32> -> vector<16x64xf32>
      %get3A_125 = arith.constant 0 : index
      %get3A_126 = arith.constant 0 : index
      %get3A_127 = vector.load %arg7[%get3A_125, %get3A_126] : memref<1x64xf32, #tpu.memory_space<vmem>>, vector<1x64xf32>
      %add3A_128 = vector.broadcast %get3A_127 : vector<1x64xf32> to vector<16x64xf32>
      %add3A_129 = arith.addf %dot_general3A_119, %add3A_128 : vector<16x64xf32>
      %get3A_130 = arith.constant 0 : index
      %get3A_131 = arith.constant 0 : index
      %get3A_132 = vector.load %arg7[%get3A_130, %get3A_131] : memref<1x64xf32, #tpu.memory_space<vmem>>, vector<1x64xf32>
      %add3A_133 = vector.broadcast %get3A_132 : vector<1x64xf32> to vector<16x64xf32>
      %add3A_134 = arith.addf %dot_general3A_124, %add3A_133 : vector<16x64xf32>
      %sub3A_135 = arith.subf %add3A_129, %add3A_134 : vector<16x64xf32>
      %add3A_136 = arith.constant 9.99999997E-7 : f32
      %add3A_137 = vector.broadcast %add3A_136 : f32 to vector<16x64xf32>
      %add3A_138 = arith.addf %sub3A_135, %add3A_137 : vector<16x64xf32>
      %mul3A_139 = arith.mulf %add3A_138, %add3A_138 : vector<16x64xf32>
      %reduce_sum3A_140 = arith.constant dense<0.000000e+00> : vector<16xf32>
      %reduce_sum3A_141 = vector.multi_reduction <add>, %mul3A_139, %reduce_sum3A_140 [1] : vector<16x64xf32> to vector<16xf32>
      %sqrt3A = math.sqrt %reduce_sum3A_141 : vector<16xf32>
      %broadcast_in_dim3A_142 = vector.shape_cast %sqrt3A : vector<16xf32> to vector<1x16xf32>
      %swap3A = arith.constant 0 : index
      %swap3A_143 = arith.constant 0 : index
      %swap3A_144 = vector.load %arg8[%swap3A, %swap3A_143] : memref<1x16xf32, #tpu.memory_space<vmem>>, vector<1x16xf32>
      tpu.vector_store %arg8[%swap3A, %swap3A_143], %broadcast_in_dim3A_142 {strides = array<i32>} : memref<1x16xf32, #tpu.memory_space<vmem>>, vector<1x16xf32>,
    } else {
    }
    return
  }
  func.func @transform_0(%arg0: i32) -> (i32, i32) {
    %c0_i32 = arith.constant 0 : i32
    %c0_i32_0 = arith.constant 0 : i32
    return %arg0, %c0_i32 : i32, i32
  }
  func.func @transform_1(%arg0: i32) -> (i32, i32) {
    %c0_i32 = arith.constant 0 : i32
    %c0_i32_0 = arith.constant 0 : i32
    return %arg0, %c0_i32 : i32, i32
  }
  func.func @transform_2(%arg0: i32) -> (i32, i32) {
    %c0_i32 = arith.constant 0 : i32
    %c0_i32_0 = arith.constant 0 : i32
    return %arg0, %c0_i32 : i32, i32
  }
  func.func @transform_3(%arg0: i32) -> (i32, i32) {
    %c0_i32 = arith.constant 0 : i32
    %c0_i32_0 = arith.constant 0 : i32
    %c0_i32_1 = arith.constant 0 : i32
    return %c0_i32, %c0_i32_0 : i32, i32
  }
  func.func @transform_4(%arg0: i32) -> (i32, i32) {
    %c0_i32 = arith.constant 0 : i32
    %c0_i32_0 = arith.constant 0 : i32
    return %arg0, %c0_i32 : i32, i32
  }
  func.func @transform_5(%arg0: i32) -> (i32, i32) {
    %c0_i32 = arith.constant 0 : i32
    %c0_i32_0 = arith.constant 0 : i32
    %c0_i32_1 = arith.constant 0 : i32
    return %c0_i32, %c0_i32_0 : i32, i32
  }
  func.func @transform_6(%arg0: i32) -> (i32, i32) {
    %c0_i32 = arith.constant 0 : i32
    %c0_i32_0 = arith.constant 0 : i32
    %c0_i32_1 = arith.constant 0 : i32
    return %c0_i32, %c0_i32_0 : i32, i32
  }
  func.func @transform_7(%arg0: i32) -> (i32, i32) {
    %c0_i32 = arith.constant 0 : i32
    %c0_i32_0 = arith.constant 0 : i32
    %c0_i32_1 = arith.constant 0 : i32
    return %c0_i32, %c0_i32_0 : i32, i32
  }
}

</mosaic_0001>

<sc_bundles>
// kernel: kernel.10.cloned.1.call-start
scs
__scs_entry_jumppad:
0x0: {  	(pc) =	sbr.rel $0x88, $3  }
0x1: {  	(tag) =	ssettag $0x0;
	lr =	simm.s32 $0x1  }
0x2: {  	[smem:$0x3F93] =	sst lr;
	_ =	strace $0xD0000000  }
0x3: {  	_ = 	snop  }
0x4: {  	_ = 	snop  }
0x5: {  	_ = 	snop  }
0x6: {  	_ = 	snop  }
0x7: {  	_ = 	snop  }
__scs_overlays_trampoline_lowered:
0x8: {  	[smem:$0x3FA2] =	sst s0  }
0x9: {  	[smem:$0x3FA3] =	sst s1  }
0xa: {  	[smem:$0x3FA4] =	sst s2  }
0xb: {  	[smem:$0x3FA5] =	sst s3  }
0xc: {  	[smem:$0x3FA6] =	sst s4  }
0xd: {  	[smem:$0x3FA7] =	sst s5  }
0xe: {  	[smem:$0x3FA8] =	sst s6  }
0xf: {  	[smem:$0x3FA9] =	sst s7  }
0x10: {  	[smem:$0x3FAA] =	sst s8  }
0x11: {  	[smem:$0x3FAB] =	sst s9;
	s0 =	simm.s32 @!p0 $0x0  }
0x12: {  	s1 =	sld [smem:$0x3F91];
	s0 =	simm.s32 @p0 $0x1  }
0x13: {  	[smem:$0x3FAC] =	sst s0;
	s0 =	simm.s32 @!p1 $0x0  }
0x14: {  	s2 =	sld [smem:$0x3F90];
	s0 =	simm.s32 @p1 $0x1  }
0x15: {  	[smem:$0x3FAD] =	sst s0;
	s0 =	simm.s32 @!p2 $0x0  }
0x16: {  	s3 =	sld [smem:$0x3FDB];
	s0 =	simm.s32 @p2 $0x1  }
0x17: {  	s4 =	simm.s32 $0x1BF5;
	[smem:$0x3FAF] =	sst s0  }
0x18: {  	s0 =	sld [smem:$0x3F92];
	_ =	swait.ge [sflag:s4], $0x0  }
0x19: {  	s7 =	sld [smem:$0x3F93]  }
0x1a: {  	s8 =	sadd.s32 $0xFFFFE003, lr  }
0x1b: {  	s9 =	sadd.s32 $0xFFFFFEF7, lr;
	s5 =	simm.s32 $0xFFFFFFFF;
	p2 =	slt.u32 s8, $0xFFFFF086  }
0x1c: {  	p1 =	slt.u32 s9, $0xF7A;
	s5 =	simm.s32 @!p2 $0x0  }
0x1d: {  	s5 =	simm.s32 @p1 $0x1;
	p0 =	seq.s32 s7, s2  }
0x1e: {  	s7 =	smul.u32 @!p0 $0xF7A, s2;
	p2 =	seq.s32 @!p0 s5, $0x0  }
0x1f: {  	s9 =	smul.u32 $0xF7A, s1;
	s8 =	simm.s32 @!p0 $0x1BF5;
	p2 =	por !p2, p0  }
0x20: {  	[sflag:s8] =	ssyncset.s32 @!p0 $0xFFFFF086;
	s6 =	sadd.s32 @!p0 s3, s7;
	s7 =	simm.s32 @!p0 $0x108  }
0x21: {  	s3 =	sadd.s32 s3, s9;
	s6 =	sadd.s32 @!p0 $0x88, s6;
	s7 =	simm.s32 @p2 $0x1082  }
0x22: {  	[simem:s7], [sflag:s8] =	dma.local @!p0 [hbm:s6], $0xF7A  }
0x23: {  	s9 =	sor.u32 $0xD0000000, s2;
	s6 =	simm.s32 $0x108;
	_ =	swait.ge @!p0 [sflag:s8], $0x0  }
0x24: {  	s3 =	sadd.s32 $0x88, s3;
	s6 =	simm.s32 @!p1 $0x1082;
	[sflag:s4] =	ssyncset.s32 $0xFFFFF086  }
0x25: {  	[simem:s6], [sflag:s4] =	dma.local [hbm:s3], $0xF7A  }
0x26: {  	[smem:$0x3F93] =	sst s1;
	(tag) =	ssettag s2;
	_ =	strace s9  }
0x27: {  	s1 =	sld [smem:$0x3FA3]  }
0x28: {  	s2 =	sld [smem:$0x3FA4]  }
0x29: {  	s4 =	sld [smem:$0x3FA6]  }
0x2a: {  	p0 =	seq.s32 s5, $0x0;
	s5 =	sld [smem:$0x3FA7]  }
0x2b: {  	s6 =	sld [smem:$0x3FA8]  }
0x2c: {  	s7 =	sld [smem:$0x3FA9]  }
0x2d: {  	s3 =	simm.s32 $0x108;
	s8 =	sld [smem:$0x3FAA]  }
0x2e: {  	s3 =	simm.s32 @!p0 $0x1082;
	s9 =	sld [smem:$0x3FAB]  }
0x2f: {  	lr =	sadd.s32 s0, s3;
	s0 =	sld [smem:$0x3FA2]  }
0x30: {  	s3 =	sld [smem:$0x3FA5]  }
0x31: {  	[smem:$0x3FAE] =	sst s10  }
0x32: {  	s10 =	sld [smem:$0x3FAC];
	_ =	sdelay $0x3  }
0x33: {  	p0 =	seq.s32 s10, $0x1;
	s10 =	sld [smem:$0x3FAE];
	_ =	sdelay $0x3  }
0x34: {  	[smem:$0x3FAE] =	sst s10  }
0x35: {  	s10 =	sld [smem:$0x3FAD];
	_ =	sdelay $0x3  }
0x36: {  	p1 =	seq.s32 s10, $0x1;
	s10 =	sld [smem:$0x3FAE];
	_ =	sdelay $0x3  }
0x37: {  	[smem:$0x3FAE] =	sst s10  }
0x38: {  	s10 =	sld [smem:$0x3FAF]  }
0x39: {  	_ = 	snop;
	(pc) =	sbr.ind lr, $3  }
0x3a: {  	_ = 	snop  }
0x3b: {  	_ = 	snop  }
0x3c: {  	p2 =	seq.s32 s10, $0x1;
	s10 =	sld [smem:$0x3FAE]  }
0x3d: {  	_ =	shalt  }
0x3e: {  	_ =	shalt  }
0x3f: {  	_ =	shalt  }
0x40: {  	_ =	shalt  }
0x41: {  	_ =	shalt  }
0x42: {  	_ =	shalt  }
0x43: {  	_ =	shalt  }
0x44: {  	_ =	shalt  }
0x45: {  	_ =	shalt  }
0x46: {  	_ =	shalt  }
0x47: {  	_ =	shalt  }
0x48: {  	_ =	shalt  }
0x49: {  	_ =	shalt  }
0x4a: {  	_ =	shalt  }
0x4b: {  	_ =	shalt  }
0x4c: {  	_ =	shalt  }
0x4d: {  	_ =	shalt  }
0x4e: {  	_ =	shalt  }
0x4f: {  	_ =	shalt  }
0x50: {  	_ =	shalt  }
0x51: {  	_ =	shalt  }
0x52: {  	_ =	shalt  }
0x53: {  	_ =	shalt  }
0x54: {  	_ =	shalt  }
0x55: {  	_ =	shalt  }
0x56: {  	_ =	shalt  }
0x57: {  	_ =	shalt  }
0x58: {  	_ =	shalt  }
0x59: {  	_ =	shalt  }
0x5a: {  	_ =	shalt  }
0x5b: {  	_ =	shalt  }
0x5c: {  	_ =	shalt  }
0x5d: {  	_ =	shalt  }
0x5e: {  	_ =	shalt  }
0x5f: {  	_ =	shalt  }
0x60: {  	_ =	shalt  }
0x61: {  	_ =	shalt  }
0x62: {  	_ =	shalt  }
0x63: {  	_ =	shalt  }
0x64: {  	_ =	shalt  }
0x65: {  	_ =	shalt  }
0x66: {  	_ =	shalt  }
0x67: {  	_ =	shalt  }
0x68: {  	_ =	shalt  }
0x69: {  	_ =	shalt  }
0x6a: {  	_ =	shalt  }
0x6b: {  	_ =	shalt  }
0x6c: {  	_ =	shalt  }
0x6d: {  	_ =	shalt  }
0x6e: {  	_ =	shalt  }
0x6f: {  	_ =	shalt  }
0x70: {  	_ =	shalt  }
0x71: {  	_ =	shalt  }
0x72: {  	_ =	shalt  }
0x73: {  	_ =	shalt  }
0x74: {  	_ =	shalt  }
0x75: {  	_ =	shalt  }
0x76: {  	_ =	shalt  }
0x77: {  	_ =	shalt  }
0x78: {  	_ =	shalt  }
0x79: {  	_ =	shalt  }
0x7a: {  	_ =	shalt  }
0x7b: {  	_ =	shalt  }
0x7c: {  	_ =	shalt  }
0x7d: {  	_ =	shalt  }
0x7e: {  	_ =	shalt  }
0x7f: {  	_ =	shalt  }
0x80: {  	_ =	shalt  }
0x81: {  	_ =	shalt  }
0x82: {  	_ =	shalt  }
0x83: {  	_ =	shalt  }
0x84: {  	_ =	shalt  }
0x85: {  	_ =	shalt  }
0x86: {  	_ =	shalt  }
0x87: {  	_ =	shalt  }
.Lfunc_end0:
.L_simem_size_0:
called_computation_lowered:
.L_overlay_start_0:
0x88: {  	s2 =	sld [smem:$0x3FD9]  }
0x89: {  	s3 =	sld [smem:$0x3FFE];
	_ =	sdelay $0x1  }
0x8a: {  	s1 =	srdreg.scid  }
0x8b: {  	s0 =	sand.u32 $0x1, s1  }
0x8c: {  	s16 =	sshll.u32 s0, $0xA;
	s2 =	sadd.s32 s3, s2  }
0x8d: {  	s2 =	sadd.s32 s2, s16  }
0x8e: {  	[smem:$0x3FBA] =	sst s2  }
0x8f: {  	_ = 	snop  }
0x90: {  	(tm) =	ssettm $0x1  }
0x91: {  	s17 =	sld [smem:$0x3FFB];
	_ =	sdelay $0x3  }
0x92: {  	_ =	strace s17  }
0x93: {  	s2 =	sld [smem:$0x3FFC];
	_ =	sdelay $0x3  }
0x94: {  	_ =	strace s2  }
0x95: {  	s2 =	sld [smem:$0x3FFD];
	_ =	sdelay $0x3  }
0x96: {  	_ =	strace s2  }
0x97: {  	_ =	strace $0x8FFFFFFF  }
0x98: {  	s18 =	sld [smem:$0x3FDB];
	_ =	sdelay $0x1  }
0x99: {  	s19 =	simm.s32 $_scs_section_size  }
0x9a: {  	s4 =	simm.s32 $_size__tile_overlayer_lowered;
	s5 =	simm.s32 $_tile_overlayer_lowered  }
0x9b: {  	s22 =	simm.s32 $0x1BFF;
	s21 =	sshll.u32 s5, $0x1;
	s2 =	sadd.s32 s19, s18  }
0x9c: {  	s6 =	simm.s32 $0x0;
	s20 =	sshll.u32 s4, $0x1;
	s4 =	sadd.s32 s21, s2  }
0x9d: {  	[timem:s6], [sflag:s22] =	dma.local [hbm:s4], s20  }
0x9e: {  	_ =	swait.ge [sflag:s22], s20  }
0x9f: {  	s3 =	ssub.s32 $0x0, s20;
	[sflag:s22] =	ssyncset.done $0x0  }
0xa0: {  	[sflag:s22] =	ssyncadd.s32 s3;
	_ =	sdelay $0x1  }
0xa1: {  	s23 =	simm.s32 $0x1B8B  }
0xa2: {  	_ =	swait.ge [sflag:s23], $0x1  }
0xa3: {  	[sflag:s23] =	ssyncset.done $0x0  }
0xa4: {  	s25 =	simm.s32 $0x1B8E;
	s24 =	sld [smem:$0x3FFE];
	[sflag:s23] =	ssyncadd.s32 $0xFFFFFFFF  }
0xa5: {  	s26 =	simm.s32 $execute0_lowered;
	[smem:$0x3FD2] =	sst s25  }
0xa6: {  	s4 =	sshll.u32 s26, $0x1;
	_ =	strace $0x80000046;
	[dreg:$0x1] =	wrdreg $0xFFFFFFFF  }
0xa7: {  	s28 =	simm.s32 $_size_execute0_lowered;
	s2 =	sadd.s32 s2, s4;
	[dreg:$0x0] =	wrdreg $0x0  }
0xa8: {  	s4 =	sshll.u32 s28, $0x1;
	[dreg:$0x2] =	wrdreg s2  }
0xa9: {  	[dreg:$0x3] =	wrdreg s4  }
0xaa: {  	[dreg:$0x4] =	wrdreg $0xC0  }
0xab: {  	_ =	task [dreg:s6], $0x5FFFF  }
0xac: {  	[dreg:$0x1] =	wrdreg $0xFFFFFFFF  }
0xad: {  	[dreg:$0x0] =	wrdreg $0x60  }
0xae: {  	[dreg:$0x2] =	wrdreg s24  }
0xaf: {  	[dreg:$0x3] =	wrdreg $0x0  }
0xb0: {  	[dreg:$0x4] =	wrdreg $0x9  }
0xb1: {  	_ =	task.clear_ibuf [dreg:s6], $0x5FFFF;
	_ =	strace $0x90000046  }
0xb2: {  	s29 =	simm.s32 $0x9;
	_ =	strace $0x80000048  }
0xb3: {  	_ =	swait.ge [sflag:s29], $0x1  }
0xb4: {  	[sflag:s29] =	ssyncadd.s32 $0xFFFFFFFF  }
0xb5: {  	_ =	strace $0x90000048  }
0xb6: {  	_ =	sfence  }
0xb7: {  	s30 =	sld [smem:$0x0];
	_ =	sdelay $0x2  }
0xb8: {  	s31 =	sshll.u32 s1, $0xD;
	s1 =	sshrl.u32 s1, $0x2  }
0xb9: {  	s3 =	sand.u32 $0x4000, s31;
	s1 =	sadd.s32 s1, s30  }
0xba: {  	s0 =	sor.u32 s3, s0;
	s1 =	sshll.u32 s1, $0x11  }
0xbb: {  	s0 =	sor.u32 s1, s0  }
0xbc: {  	s0 =	sadd.s32 $0x8F2B, s0  }
0xbd: {  	[sflag:s0] =	ssyncadd.remote.s32 $0x1  }
0xbe: {  	_ =	sfence.sel $0xFFFF  }
0xbf: {  	[dreg:$0x0] =	wrdreg $0xFFFFFFFF;
	(pc) =	sbr.abs _section_cstart, $3  }
0xc0: {  	[dreg:$0x1] =	wrdreg $0xFFFFFFFF  }
0xc1: {  	_ =	task.clear_ibuf [dreg:s6], $0x2FFFF;
	_ =	strace $0x9FFFFFFF  }
0xc2: {  	(tm) =	ssettm $0x7FFFFFFF  }
0xc3: {  	_ =	shalt  }
tec
execute0_lowered:
.L_overlay_start_1:
0x0: {  	(tag) =	ssettag $0x1  }
0x1: {  	s0 =	srdreg.scid;
	s4 =	rddreg [dreg:$0x0]  }
0x2: {  	s2 =	rddreg [dreg:$0x1];
	s5 =	sand.u32 $0x1, s0  }
0x3: {  	s0 =	stileid.u32;
	s6 =	smul.u32 $0x50000, s5  }
0x4: {  	s1 =	rddreg [dreg:$0x2];
	s3 =	simm.s32 $0x0;
	s7 =	smul.u32 $0x5000, s0  }
0x5: {  	s10 =	simm.s32 $0x2800;
	s11 =	simm.s32 $0x80;
	s8 =	smul.u32 $0x140000, s5  }
0x6: {  	s12 =	simm.s32 $0x7800;
	[smem:$0x7FF] =	sst s3;
	s29 =	smul.u32 $0x14000, s0  }
0x7: {  	_ =	strace $0x80000047;
	s5 =	ssub.s32 $0x2, s5;
	s13 =	sshll.u32 s0, $0x6  }
0x8: {  	s30 =	smul.u32 $0x50000, s0;
	s9 =	sshrl.u32 s5, $0x1;
	s13 =	sor.u32 $0x1C01, s13  }
0x9: {  	s6 =	sadd.s32 s7, s6;
	s7 =	sadd.s32 s29, s8;
	s9 =	ssub.s32 s5, s9  }
0xa: {  	s31 =	sshrl.u32 s30, $0x2;
	s6 =	sshrl.u32 s6, $0x3;
	s7 =	sshrl.u32 s7, $0x3  }
0xb: {  	s8 =	simm.s32 $0xB800;
	s6 =	sadd.s32 s6, s4;
	s7 =	sadd.s32 s7, s4  }
0xc: {  	s4 =	sadd.s32 s31, s2;
	s5 =	sadd.s32 $0x3600, s6;
	s6 =	sadd.s32 $0x2B600, s7  }
0xd: {  	v0 =	vimm.f32 $1.000000000e+00;
	v1 =	vimm.f32 $0.0e+00;
	s7 =	smax.u32 s9, $0x1;
	s9 =	simm.s32 $0x1;
	s14 =	sshrl.u32 s4, $0x3  }
.LBB2_1:
0xe: {  	s15 =	simm.s32 $0x0  }
.LBB2_2:
0xf: {  	p0 =	sne.s32 s15, $0xFE00  }
.Ltmp0:
0x10: {  	_ = 	snop;
	(pc) =	sbr.rel @p0 .LBB2_2-.Ltmp0, $3  }
0x11: {  	_ =	sdelay $0x1  }
0x12: {  	s16 =	sshra.s32 s15, $0x2  }
0x13: {  	s15 =	sadd.s32 $0x200, s15;
	[tilespmem:s16+$0x7800] =	vst v0  }
0x14: {  	s15 =	simm.s32 $0x200;
	s16 =	simm.s32 $0x0  }
.LBB2_4:
0x15: {  	p0 =	sne.s32 s15, $0x4FE00;
	[tilespmem:s16+$0xB800] =	vst v1;
	s16 =	smov.u32 s15;
	s15 =	sadd.s32 $0x200, s15  }
.Ltmp1:
0x16: {  	(pc) =	sbr.rel @p0 .LBB2_4-.Ltmp1, $2  }
0x17: {  	_ =	sdelay $0x2  }
0x18: {  	s16 =	sshra.s32 s16, $0x2  }
0x19: {  	[tilespmem:s16+$0xB800] =	vst v1  }
0x1a: {  	[spmem:s4] =	stream.linear.scatter [tilespmem:s8], [sflag:$0x1], $0x14000, $0x38;
	[tilespmem:$0x1F800] =	vst v63  }
0x1b: {  	_ =	swait.ge [sflag:s9], $0x14000  }
0x1c: {  	[sflag:s9] =	ssyncset.done $0x0  }
0x1d: {  	s15 =	simm.s32 $0x0;
	[sflag:s9] =	ssyncadd.s32 $0xFFFEC000  }
0x1e: {  	[tilespmem:s10], [sflag:$0x1] =	stream.linear.gather [hbm4b:s5+s15], $0x5000, $0x38;
	[tilespmem:$0x1F800] =	vst v63  }
0x1f: {  	_ =	swait.ge [sflag:s9], $0x5000  }
0x20: {  	[sflag:s9] =	ssyncset.done $0x0  }
0x21: {  	[sflag:s9] =	ssyncadd.s32 $0xFFFFB000  }
0x22: {  	s31 =	simm.s32 $0x2800;
	[bflag:$0x0] =	sbarrier.arrive $0xFFFF  }
0x23: {  	[spmem:s2] =	stream.indirect.scatter.add.f32 [tilespmem:s12], [sflag:$0x1], $0x10, s31, s11, $0xb8;
	[tilespmem:$0x1F800] =	vst v63  }
0x24: {  	s15 =	simm.s32 $0x200;
	_ =	swait.ge [sflag:s9], $0x800  }
.LBB2_6:
0x25: {  	s16 =	sshra.s32 s15, $0x2;
	[sflag:s9] =	ssyncset.done $0x0;
	p0 =	sne.s32 s15, $0x13E00  }
.Ltmp2:
0x26: {  	s16 =	sadd.s32 $0x2800, s16;
	[sflag:s9] =	ssyncadd.s32 $0xFFFFF800;
	(pc) =	sbr.rel @p0 .LBB2_6-.Ltmp2, $3  }
0x27: {  	[spmem:s2] =	stream.indirect.scatter.add.f32 [tilespmem:s12], [sflag:$0x1], $0x10, s16, s11, $0xb8;
	[tilespmem:$0x1F800] =	vst v63  }
0x28: {  	s15 =	sadd.s32 $0x200, s15;
	_ =	sdelay $0x1  }
0x29: {  	_ =	swait.ge [sflag:s9], $0x800  }
0x2a: {  	[sflag:s9] =	ssyncset.done $0x0;
	s3 =	sadd.s32 $0x1, s3  }
0x2b: {  	[sflag:s9] =	ssyncadd.s32 $0xFFFFF800;
	p0 =	sne.s32 s3, s7  }
.Ltmp3:
0x2c: {  	[bflag:$0x0] =	sbarrier.arrive $0xFFFF;
	(pc) =	sbr.rel @p0 .LBB2_1-.Ltmp3, $4  }
0x2d: {  	[hbm:s6], [sflag:s13] =	dma.local [spmem:s14], $0x2800  }
0x2e: {  	_ =	swait.ge [sflag:s9], $0x2800  }
0x2f: {  	[sflag:s9] =	ssyncset.done $0x0  }
0x30: {  	[sflag:s9] =	ssyncadd.s32 $0xFFFFD800  }
0x31: {  	_ =	sfence.sel $0x180000  }
0x32: {  	[bflag:$0x0] =	sbarrier.arrive $0xFFFF  }
0x33: {  	p0 =	sne.s32 s0, $0x0;
	_ =	strace $0x90000047  }
0x34: {  	s0 =	sadd.s32 @!p0 $0x100000, s1;
	[bflag:$0x2] =	sbarrier.arrive $0xFFFF  }
0x35: {  	[sflag:s0] =	ssyncadd.tile.s32 @!p0 $0x1;
	_ =	shalt  }
.Lfunc_end2:
_tile_overlayer_lowered:
.L_overlay_start_2:
0x36: {  	(tag) =	ssettag $0x2  }
0x37: {  	s0 =	rddreg [dreg:$0x0];
	s2 =	stileid.u32  }
0x38: {  	s1 =	rddreg [dreg:$0x1];
	p0 =	sne.s32 s2, $0x0  }
0x39: {  	s3 =	rddreg [dreg:$0x2];
	[bflag:$0x3] =	sbarrier.arrive $0xFFFF;
	s2 =	simm.s32 @!p0 $0x1C01  }
0x3a: {  	[timem:s3], [sflag:s2] =	dma.local @!p0 [hbm:s0], s1  }
0x3b: {  	s0 =	simm.s32 @!p0 $0x1  }
0x3c: {  	_ =	swait.ge @!p0 [sflag:s0], s1  }
0x3d: {  	s1 =	ssub.s32 @!p0 $0x0, s1;
	[sflag:s0] =	ssyncset.done @!p0 $0x0  }
0x3e: {  	[sflag:s0] =	ssyncadd.s32 @!p0 s1  }
0x3f: {  	[bflag:$0x3] =	sbarrier.arrive $0xFFFF  }
0x40: {  	_ =	shalt  }

// kernel: kernel.13.cloned.1.call-start
scs
__scs_entry_jumppad:
0x0: {  	(pc) =	sbr.rel $0x88, $3  }
0x1: {  	(tag) =	ssettag $0x0;
	lr =	simm.s32 $0x1  }
0x2: {  	[smem:$0x3F93] =	sst lr;
	_ =	strace $0xD0000000  }
0x3: {  	_ = 	snop  }
0x4: {  	_ = 	snop  }
0x5: {  	_ = 	snop  }
0x6: {  	_ = 	snop  }
0x7: {  	_ = 	snop  }
__scs_overlays_trampoline_lowered:
0x8: {  	[smem:$0x3FA2] =	sst s0  }
0x9: {  	[smem:$0x3FA3] =	sst s1  }
0xa: {  	[smem:$0x3FA4] =	sst s2  }
0xb: {  	[smem:$0x3FA5] =	sst s3  }
0xc: {  	[smem:$0x3FA6] =	sst s4  }
0xd: {  	[smem:$0x3FA7] =	sst s5  }
0xe: {  	[smem:$0x3FA8] =	sst s6  }
0xf: {  	[smem:$0x3FA9] =	sst s7  }
0x10: {  	[smem:$0x3FAA] =	sst s8  }
0x11: {  	[smem:$0x3FAB] =	sst s9;
	s0 =	simm.s32 @!p0 $0x0  }
0x12: {  	s1 =	sld [smem:$0x3F91];
	s0 =	simm.s32 @p0 $0x1  }
0x13: {  	[smem:$0x3FAC] =	sst s0;
	s0 =	simm.s32 @!p1 $0x0  }
0x14: {  	s2 =	sld [smem:$0x3F90];
	s0 =	simm.s32 @p1 $0x1  }
0x15: {  	[smem:$0x3FAD] =	sst s0;
	s0 =	simm.s32 @!p2 $0x0  }
0x16: {  	s3 =	sld [smem:$0x3FDB];
	s0 =	simm.s32 @p2 $0x1  }
0x17: {  	s4 =	simm.s32 $0x1BF5;
	[smem:$0x3FAF] =	sst s0  }
0x18: {  	s0 =	sld [smem:$0x3F92];
	_ =	swait.ge [sflag:s4], $0x0  }
0x19: {  	s7 =	sld [smem:$0x3F93]  }
0x1a: {  	s8 =	sadd.s32 $0xFFFFE003, lr  }
0x1b: {  	s9 =	sadd.s32 $0xFFFFFEF7, lr;
	s5 =	simm.s32 $0xFFFFFFFF;
	p2 =	slt.u32 s8, $0xFFFFF086  }
0x1c: {  	p1 =	slt.u32 s9, $0xF7A;
	s5 =	simm.s32 @!p2 $0x0  }
0x1d: {  	s5 =	simm.s32 @p1 $0x1;
	p0 =	seq.s32 s7, s2  }
0x1e: {  	s7 =	smul.u32 @!p0 $0xF7A, s2;
	p2 =	seq.s32 @!p0 s5, $0x0  }
0x1f: {  	s9 =	smul.u32 $0xF7A, s1;
	s8 =	simm.s32 @!p0 $0x1BF5;
	p2 =	por !p2, p0  }
0x20: {  	[sflag:s8] =	ssyncset.s32 @!p0 $0xFFFFF086;
	s6 =	sadd.s32 @!p0 s3, s7;
	s7 =	simm.s32 @!p0 $0x108  }
0x21: {  	s3 =	sadd.s32 s3, s9;
	s6 =	sadd.s32 @!p0 $0x88, s6;
	s7 =	simm.s32 @p2 $0x1082  }
0x22: {  	[simem:s7], [sflag:s8] =	dma.local @!p0 [hbm:s6], $0xF7A  }
0x23: {  	s9 =	sor.u32 $0xD0000000, s2;
	s6 =	simm.s32 $0x108;
	_ =	swait.ge @!p0 [sflag:s8], $0x0  }
0x24: {  	s3 =	sadd.s32 $0x88, s3;
	s6 =	simm.s32 @!p1 $0x1082;
	[sflag:s4] =	ssyncset.s32 $0xFFFFF086  }
0x25: {  	[simem:s6], [sflag:s4] =	dma.local [hbm:s3], $0xF7A  }
0x26: {  	[smem:$0x3F93] =	sst s1;
	(tag) =	ssettag s2;
	_ =	strace s9  }
0x27: {  	s1 =	sld [smem:$0x3FA3]  }
0x28: {  	s2 =	sld [smem:$0x3FA4]  }
0x29: {  	s4 =	sld [smem:$0x3FA6]  }
0x2a: {  	p0 =	seq.s32 s5, $0x0;
	s5 =	sld [smem:$0x3FA7]  }
0x2b: {  	s6 =	sld [smem:$0x3FA8]  }
0x2c: {  	s7 =	sld [smem:$0x3FA9]  }
0x2d: {  	s3 =	simm.s32 $0x108;
	s8 =	sld [smem:$0x3FAA]  }
0x2e: {  	s3 =	simm.s32 @!p0 $0x1082;
	s9 =	sld [smem:$0x3FAB]  }
0x2f: {  	lr =	sadd.s32 s0, s3;
	s0 =	sld [smem:$0x3FA2]  }
0x30: {  	s3 =	sld [smem:$0x3FA5]  }
0x31: {  	[smem:$0x3FAE] =	sst s10  }
0x32: {  	s10 =	sld [smem:$0x3FAC];
	_ =	sdelay $0x3  }
0x33: {  	p0 =	seq.s32 s10, $0x1;
	s10 =	sld [smem:$0x3FAE];
	_ =	sdelay $0x3  }
0x34: {  	[smem:$0x3FAE] =	sst s10  }
0x35: {  	s10 =	sld [smem:$0x3FAD];
	_ =	sdelay $0x3  }
0x36: {  	p1 =	seq.s32 s10, $0x1;
	s10 =	sld [smem:$0x3FAE];
	_ =	sdelay $0x3  }
0x37: {  	[smem:$0x3FAE] =	sst s10  }
0x38: {  	s10 =	sld [smem:$0x3FAF]  }
0x39: {  	_ = 	snop;
	(pc) =	sbr.ind lr, $3  }
0x3a: {  	_ = 	snop  }
0x3b: {  	_ = 	snop  }
0x3c: {  	p2 =	seq.s32 s10, $0x1;
	s10 =	sld [smem:$0x3FAE]  }
0x3d: {  	_ =	shalt  }
0x3e: {  	_ =	shalt  }
0x3f: {  	_ =	shalt  }
0x40: {  	_ =	shalt  }
0x41: {  	_ =	shalt  }
0x42: {  	_ =	shalt  }
0x43: {  	_ =	shalt  }
0x44: {  	_ =	shalt  }
0x45: {  	_ =	shalt  }
0x46: {  	_ =	shalt  }
0x47: {  	_ =	shalt  }
0x48: {  	_ =	shalt  }
0x49: {  	_ =	shalt  }
0x4a: {  	_ =	shalt  }
0x4b: {  	_ =	shalt  }
0x4c: {  	_ =	shalt  }
0x4d: {  	_ =	shalt  }
0x4e: {  	_ =	shalt  }
0x4f: {  	_ =	shalt  }
0x50: {  	_ =	shalt  }
0x51: {  	_ =	shalt  }
0x52: {  	_ =	shalt  }
0x53: {  	_ =	shalt  }
0x54: {  	_ =	shalt  }
0x55: {  	_ =	shalt  }
0x56: {  	_ =	shalt  }
0x57: {  	_ =	shalt  }
0x58: {  	_ =	shalt  }
0x59: {  	_ =	shalt  }
0x5a: {  	_ =	shalt  }
0x5b: {  	_ =	shalt  }
0x5c: {  	_ =	shalt  }
0x5d: {  	_ =	shalt  }
0x5e: {  	_ =	shalt  }
0x5f: {  	_ =	shalt  }
0x60: {  	_ =	shalt  }
0x61: {  	_ =	shalt  }
0x62: {  	_ =	shalt  }
0x63: {  	_ =	shalt  }
0x64: {  	_ =	shalt  }
0x65: {  	_ =	shalt  }
0x66: {  	_ =	shalt  }
0x67: {  	_ =	shalt  }
0x68: {  	_ =	shalt  }
0x69: {  	_ =	shalt  }
0x6a: {  	_ =	shalt  }
0x6b: {  	_ =	shalt  }
0x6c: {  	_ =	shalt  }
0x6d: {  	_ =	shalt  }
0x6e: {  	_ =	shalt  }
0x6f: {  	_ =	shalt  }
0x70: {  	_ =	shalt  }
0x71: {  	_ =	shalt  }
0x72: {  	_ =	shalt  }
0x73: {  	_ =	shalt  }
0x74: {  	_ =	shalt  }
0x75: {  	_ =	shalt  }
0x76: {  	_ =	shalt  }
0x77: {  	_ =	shalt  }
0x78: {  	_ =	shalt  }
0x79: {  	_ =	shalt  }
0x7a: {  	_ =	shalt  }
0x7b: {  	_ =	shalt  }
0x7c: {  	_ =	shalt  }
0x7d: {  	_ =	shalt  }
0x7e: {  	_ =	shalt  }
0x7f: {  	_ =	shalt  }
0x80: {  	_ =	shalt  }
0x81: {  	_ =	shalt  }
0x82: {  	_ =	shalt  }
0x83: {  	_ =	shalt  }
0x84: {  	_ =	shalt  }
0x85: {  	_ =	shalt  }
0x86: {  	_ =	shalt  }
0x87: {  	_ =	shalt  }
.Lfunc_end0:
.L_simem_size_0:
called_computation.1_lowered:
.L_overlay_start_0:
0x88: {  	s2 =	sld [smem:$0x3FD9]  }
0x89: {  	s3 =	sld [smem:$0x3FFE];
	_ =	sdelay $0x1  }
0x8a: {  	s1 =	srdreg.scid  }
0x8b: {  	s0 =	sand.u32 $0x1, s1  }
0x8c: {  	s16 =	sshll.u32 s0, $0xA;
	s2 =	sadd.s32 s3, s2  }
0x8d: {  	s2 =	sadd.s32 s2, s16  }
0x8e: {  	[smem:$0x3FBA] =	sst s2  }
0x8f: {  	_ = 	snop  }
0x90: {  	(tm) =	ssettm $0x1  }
0x91: {  	s17 =	sld [smem:$0x3FFB];
	_ =	sdelay $0x3  }
0x92: {  	_ =	strace s17  }
0x93: {  	s2 =	sld [smem:$0x3FFC];
	_ =	sdelay $0x3  }
0x94: {  	_ =	strace s2  }
0x95: {  	s2 =	sld [smem:$0x3FFD];
	_ =	sdelay $0x3  }
0x96: {  	_ =	strace s2  }
0x97: {  	_ =	strace $0x8FFFFFFF  }
0x98: {  	s18 =	sld [smem:$0x3FDB];
	_ =	sdelay $0x1  }
0x99: {  	s19 =	simm.s32 $_scs_section_size  }
0x9a: {  	s4 =	simm.s32 $_size__tile_overlayer_lowered;
	s5 =	simm.s32 $_tile_overlayer_lowered  }
0x9b: {  	s22 =	simm.s32 $0x1BFF;
	s21 =	sshll.u32 s5, $0x1;
	s2 =	sadd.s32 s19, s18  }
0x9c: {  	s6 =	simm.s32 $0x0;
	s20 =	sshll.u32 s4, $0x1;
	s4 =	sadd.s32 s21, s2  }
0x9d: {  	[timem:s6], [sflag:s22] =	dma.local [hbm:s4], s20  }
0x9e: {  	_ =	swait.ge [sflag:s22], s20  }
0x9f: {  	s3 =	ssub.s32 $0x0, s20;
	[sflag:s22] =	ssyncset.done $0x0  }
0xa0: {  	[sflag:s22] =	ssyncadd.s32 s3;
	_ =	sdelay $0x1  }
0xa1: {  	s23 =	simm.s32 $0x1B8B  }
0xa2: {  	_ =	swait.ge [sflag:s23], $0x1  }
0xa3: {  	[sflag:s23] =	ssyncset.done $0x0  }
0xa4: {  	s25 =	simm.s32 $0x1B8E;
	s24 =	sld [smem:$0x3FFE];
	[sflag:s23] =	ssyncadd.s32 $0xFFFFFFFF  }
0xa5: {  	s26 =	simm.s32 $execute0_lowered;
	[smem:$0x3FD2] =	sst s25  }
0xa6: {  	s4 =	sshll.u32 s26, $0x1;
	_ =	strace $0x80000049;
	[dreg:$0x1] =	wrdreg $0xFFFFFFFF  }
0xa7: {  	s28 =	simm.s32 $_size_execute0_lowered;
	s2 =	sadd.s32 s2, s4;
	[dreg:$0x0] =	wrdreg $0x0  }
0xa8: {  	s4 =	sshll.u32 s28, $0x1;
	[dreg:$0x2] =	wrdreg s2  }
0xa9: {  	[dreg:$0x3] =	wrdreg s4  }
0xaa: {  	[dreg:$0x4] =	wrdreg $0xC0  }
0xab: {  	_ =	task [dreg:s6], $0x5FFFF  }
0xac: {  	[dreg:$0x1] =	wrdreg $0xFFFFFFFF  }
0xad: {  	[dreg:$0x0] =	wrdreg $0x60  }
0xae: {  	[dreg:$0x2] =	wrdreg s24  }
0xaf: {  	[dreg:$0x3] =	wrdreg $0x0  }
0xb0: {  	[dreg:$0x4] =	wrdreg $0x9  }
0xb1: {  	_ =	task.clear_ibuf [dreg:s6], $0x5FFFF;
	_ =	strace $0x90000049  }
0xb2: {  	s29 =	simm.s32 $0x9;
	_ =	strace $0x8000004B  }
0xb3: {  	_ =	swait.ge [sflag:s29], $0x1  }
0xb4: {  	[sflag:s29] =	ssyncadd.s32 $0xFFFFFFFF  }
0xb5: {  	_ =	strace $0x9000004B  }
0xb6: {  	_ =	sfence  }
0xb7: {  	s30 =	sld [smem:$0x0];
	_ =	sdelay $0x2  }
0xb8: {  	s31 =	sshll.u32 s1, $0xD;
	s1 =	sshrl.u32 s1, $0x2  }
0xb9: {  	s3 =	sand.u32 $0x4000, s31;
	s1 =	sadd.s32 s1, s30  }
0xba: {  	s0 =	sor.u32 s3, s0;
	s1 =	sshll.u32 s1, $0x11  }
0xbb: {  	s0 =	sor.u32 s1, s0  }
0xbc: {  	s0 =	sadd.s32 $0x8F2B, s0  }
0xbd: {  	[sflag:s0] =	ssyncadd.remote.s32 $0x1  }
0xbe: {  	_ =	sfence.sel $0xFFFF  }
0xbf: {  	[dreg:$0x0] =	wrdreg $0xFFFFFFFF;
	(pc) =	sbr.abs _section_cstart, $3  }
0xc0: {  	[dreg:$0x1] =	wrdreg $0xFFFFFFFF  }
0xc1: {  	_ =	task.clear_ibuf [dreg:s6], $0x2FFFF;
	_ =	strace $0x9FFFFFFF  }
0xc2: {  	(tm) =	ssettm $0x7FFFFFFF  }
0xc3: {  	_ =	shalt  }
tec
execute0_lowered:
.L_overlay_start_1:
0x0: {  	(tag) =	ssettag $0x1  }
0x1: {  	s5 =	rddreg [dreg:$0x0]  }
0x2: {  	s1 =	rddreg [dreg:$0x1];
	s2 =	srdreg.scid;
	s3 =	simm.s32 $0x0  }
0x3: {  	s0 =	stileid.u32;
	s17 =	simm.s32 $0x4;
	s18 =	simm.s32 $0x14000  }
0x4: {  	s19 =	simm.s32 $0x15000;
	s20 =	simm.s32 $0x80;
	s8 =	smul.u32 $0x14000, s0  }
0x5: {  	s21 =	simm.s32 $0x3;
	s22 =	simm.s32 $0x0;
	s28 =	smul.u32 $0x5000, s0  }
0x6: {  	s6 =	sand.u32 $0x1, s2;
	[smem:$0x7FF] =	sst s3;
	s10 =	smul.u32 $0x50000, s0  }
0x7: {  	s4 =	sadd.s32 $0x7B600, s5;
	s15 =	sadd.s32 $0x17600, s5;
	s7 =	smul.u32 $0x140000, s6  }
0x8: {  	s14 =	sadd.s32 $0x3600, s5;
	s9 =	smul.u32 $0x50000, s6;
	s29 =	ssub.s32 $0x2, s6  }
0x9: {  	_ =	strace $0x8000004A;
	s6 =	sshrl.u32 s29, $0x1;
	s30 =	sshrl.u32 s10, $0x2  }
0xa: {  	s7 =	sadd.s32 s8, s7;
	s12 =	sadd.s32 s28, s9;
	s31 =	ssub.s32 s29, s6  }
0xb: {  	s7 =	sshrl.u32 s7, $0x3;
	s8 =	sshrl.u32 s12, $0x3;
	s9 =	smax.u32 s31, $0x1  }
.Ltmp0:
0xc: {  	s16 =	sor.u32 $0x800, s12;
	s11 =	sadd.s32 s7, s5;
	(pc) =	sbr.rel .LBB2_1-.Ltmp0, $4  }
0xd: {  	s5 =	sadd.s32 s30, s1;
	s6 =	sadd.s32 s15, s8;
	s7 =	sadd.s32 s14, s8  }
0xe: {  	s16 =	sshrl.u32 s16, $0x3;
	s8 =	sadd.s32 $0xCB600, s11;
	s10 =	sadd.s32 $0x4000, s5  }
0xf: {  	s11 =	sadd.s32 $0x8000, s5;
	s12 =	sadd.s32 $0xC000, s5;
	s13 =	sadd.s32 $0x10000, s5  }
0x10: {  	v0 =	vimm.f32 $0.0e+00;
	s14 =	sadd.s32 s16, s14;
	s15 =	sadd.s32 s16, s15;
	s16 =	simm.s32 $0x16000  }
.LBB2_11:
0x11: {  	s0 =	stileid.u32;
	s22 =	sadd.s32 $0x1, s22  }
0x12: {  	[bflag:$0x0] =	sbarrier.arrive $0xFFFF;
	s0 =	sshll.u32 s0, $0x6;
	p0 =	sne.s32 s22, s9  }
.Ltmp1:
0x13: {  	s2 =	sshrl.u32 s5, $0x3;
	s0 =	sor.u32 $0x1C04, s0;
	(pc) =	sbr.rel @!p0 .LBB2_12-.Ltmp1, $4  }
0x14: {  	[hbm:s8], [sflag:s0] =	dma.local [spmem:s2], $0x2800  }
0x15: {  	_ =	swait.ge [sflag:s17], $0x2800  }
0x16: {  	[sflag:s17] =	ssyncset.done $0x0  }
0x17: {  	[sflag:s17] =	ssyncadd.s32 $0xFFFFD800  }
.LBB2_1:
0x18: {  	s23 =	sand.u32 $0xFE00, s3  }
0x19: {  	s24 =	sand.u32 $0x70, s3;
	s25 =	sshrl.u32 s23, $0x2  }
0x1a: {  	s23 =	simm.s32 $0x40;
	s25 =	sor.u32 s24, s25;
	s24 =	simm.s32 $0x0  }
.LBB2_2:
0x1b: {  	p0 =	sne.s32 s23, $0xFFC0  }
0x1c: {  	[tilespmem:s25+$0x16000] =	vst v0;
	s24 =	sadd.s32 $0x10, s24;
	s25 =	smov.u32 s23;
	s23 =	sadd.s32 $0x40, s23  }
.Ltmp2:
0x1d: {  	(pc) =	sbr.rel @p0 .LBB2_2-.Ltmp2, $4  }
0x1e: {  	_ = 	snop  }
0x1f: {  	s25 =	sand.u32 $0xFE00, s25  }
0x20: {  	s26 =	sand.u32 $0x70, s24;
	s25 =	sshrl.u32 s25, $0x2  }
0x21: {  	s25 =	sor.u32 s26, s25  }
0x22: {  	[tilespmem:s25+$0x16000] =	vst v0  }
0x23: {  	[spmem:s5] =	stream.linear.scatter [tilespmem:s16], [sflag:$0x4], $0x4000, $0x38;
	[tilespmem:$0x1E000] =	vst v63  }
0x24: {  	_ =	swait.ge [sflag:s17], $0x4000  }
0x25: {  	[sflag:s17] =	ssyncset.done $0x0  }
0x26: {  	[sflag:s17] =	ssyncadd.s32 $0xFFFFC000  }
0x27: {  	[spmem:s10] =	stream.linear.scatter [tilespmem:s16], [sflag:$0x4], $0x4000, $0x38;
	[tilespmem:$0x1E000] =	vst v63  }
0x28: {  	_ =	swait.ge [sflag:s17], $0x4000  }
0x29: {  	[sflag:s17] =	ssyncset.done $0x0  }
0x2a: {  	[sflag:s17] =	ssyncadd.s32 $0xFFFFC000  }
0x2b: {  	[spmem:s11] =	stream.linear.scatter [tilespmem:s16], [sflag:$0x4], $0x4000, $0x38;
	[tilespmem:$0x1E000] =	vst v63  }
0x2c: {  	_ =	swait.ge [sflag:s17], $0x4000  }
0x2d: {  	[sflag:s17] =	ssyncset.done $0x0  }
0x2e: {  	[sflag:s17] =	ssyncadd.s32 $0xFFFFC000  }
0x2f: {  	[spmem:s12] =	stream.linear.scatter [tilespmem:s16], [sflag:$0x4], $0x4000, $0x38;
	[tilespmem:$0x1E000] =	vst v63  }
0x30: {  	_ =	swait.ge [sflag:s17], $0x4000  }
0x31: {  	[sflag:s17] =	ssyncset.done $0x0  }
0x32: {  	[sflag:s17] =	ssyncadd.s32 $0xFFFFC000  }
0x33: {  	[spmem:s13] =	stream.linear.scatter [tilespmem:s16], [sflag:$0x4], $0x4000, $0x38;
	[tilespmem:$0x1E000] =	vst v63  }
0x34: {  	_ =	swait.ge [sflag:s17], $0x4000  }
0x35: {  	[sflag:s17] =	ssyncset.done $0x0  }
0x36: {  	s30 =	simm.s32 $0x0;
	[sflag:s17] =	ssyncadd.s32 $0xFFFFC000  }
0x37: {  	[tilespmem:s18], [sflag:$0x4] =	stream.linear.gather [hbm4b:s6+s30], $0x800, $0x38;
	[tilespmem:$0x1E000] =	vst v63  }
0x38: {  	_ =	swait.ge [sflag:s17], $0x800  }
0x39: {  	[sflag:s17] =	ssyncset.done $0x0  }
0x3a: {  	[sflag:s17] =	ssyncadd.s32 $0xFFFFF800  }
0x3b: {  	[tilespmem:s19], [sflag:$0x4] =	stream.linear.gather [hbm4b:s7+s30], $0x800, $0x38;
	[tilespmem:$0x1E000] =	vst v63  }
0x3c: {  	_ =	swait.ge [sflag:s17], $0x800  }
.Ltmp3:
0x3d: {  	[sflag:s17] =	ssyncset.done $0x0;
	(pc) =	sbr.rel .LBB2_4-.Ltmp3, $4  }
0x3e: {  	[sflag:s17] =	ssyncadd.s32 $0xFFFFF800  }
0x3f: {  	[tilespmem:s16], [sflag:$0x1] =	stream.indirect.gather [hbm4b:s4+s20], $0x80, s18, s20, $0xb8;
	[tilespmem:$0x1E000] =	vst v63  }
0x40: {  	[bflag:$0x0] =	sbarrier.arrive $0xFFFF  }
0x41: {  	s23 =	smov.u32 s15;
	s24 =	smov.u32 s14;
	s25 =	simm.s32 $0x0  }
.LBB2_9:
0x42: {  	s0 =	sand.u32 $0x1, s28  }
0x43: {  	p0 =	seq.s32 s0, $0x1  }
0x44: {  	p0 =	por !p0, !p1  }
0x45: {  	p0 =	por !p0, !p0  }
0x46: {  	s0 =	sshll.u32 @p0 s31, $0x7  }
0x47: {  	s30 =	simm.s32 @p0 $0x80;
	s2 =	simm.s32 @p0 $0x1A000;
	s0 =	sor.u32 @p0 $0x14000, s0  }
0x48: {  	[tilespmem:s2], [sflag:$0x2] =	stream.indirect.gather @p0 [hbm4b:s4+s30], $0x80, s0, s30, $0xb8;
	[tilespmem:$0x1E000] =	vst v63  }
0x49: {  	s30 =	sand.u32 $0x11, s28  }
0x4a: {  	p0 =	sne.s32 s30, $0x11  }
0x4b: {  	s0 =	sshll.u32 @!p0 s31, $0x7  }
0x4c: {  	s2 =	simm.s32 @!p0 $0x80;
	s30 =	simm.s32 @!p0 $0x1A000;
	s0 =	sor.u32 @!p0 $0x14800, s0  }
0x4d: {  	[tilespmem:s30], [sflag:$0x2] =	stream.indirect.gather @!p0 [hbm4b:s4+s2], $0x80, s0, s2, $0xb8;
	[tilespmem:$0x1E000] =	vst v63  }
.LBB2_10:
0x4e: {  	p0 =	sne.s32 s29, $0x0;
	s31 =	sand.u32 $0x10000, s25;
	s26 =	sshll.u32 s26, $0x7  }
0x4f: {  	s0 =	simm.s32 @!p0 $0x5;
	s2 =	simm.s32 @!p0 $0x15000;
	s29 =	sshrl.u32 s31, $0x2  }
0x50: {  	s2 =	simm.s32 @p0 $0x15800;
	s0 =	simm.s32 @p0 $0x4;
	p0 =	sne.s32 s28, $0xA0  }
.Ltmp4:
0x51: {  	s29 =	sadd.s32 $0x16000, s29;
	s2 =	sadd.s32 s26, s2;
	(pc) =	sbr.rel @!p0 .LBB2_11-.Ltmp4, $4  }
0x52: {  	[spmem:s1] =	stream.indirect.scatter.add.f32 [tilespmem:s29], [sflag:s0], $0x80, s2, s20, $0xb8;
	[tilespmem:$0x1E000] =	vst v63  }
0x53: {  	_ =	swait.ge [sflag:s0], $0x4000  }
0x54: {  	s25 =	sadd.s32 $0x10000, s25;
	s24 =	sadd.s32 $0x10, s24;
	[sflag:s0] =	ssyncset.done $0x0  }
0x55: {  	s23 =	sadd.s32 $0x10, s23;
	s30 =	smov.u32 s28;
	[sflag:s0] =	ssyncadd.s32 $0xFFFFC000  }
.LBB2_4:
0x56: {  	s26 =	sand.u32 $0xF, s30;
	p1 =	sgt.u32 s30, $0x8F  }
0x57: {  	s28 =	sshrl.u32 s30, $0x4;
	s29 =	sand.u32 $0x1, s30;
	p2 =	sne.s32 @!p1 s26, $0x0  }
0x58: {  	p0 =	seq.s32 s29, $0x1;
	s29 =	simm.s32 $0x2;
	p1 =	por p1, p2  }
0x59: {  	s29 =	simm.s32 @!p0 $0x1;
	s31 =	sand.u32 @!p1 $0x1, s28  }
0x5a: {  	_ =	swait.ge [sflag:s29], $0x4000;
	p2 =	seq.s32 @!p1 s31, $0x1  }
0x5b: {  	[sflag:s29] =	ssyncset.done $0x0;
	p3 =	por p2, p1  }
0x5c: {  	[sflag:s29] =	ssyncadd.s32 $0xFFFFC000;
	s31 =	simm.s32 @!p3 $0x0;
	s29 =	simm.s32 @!p3 $0x14800  }
0x5d: {  	[tilespmem:s29], [sflag:$0x3] =	stream.linear.gather @!p3 [hbm4b:s23+s31], $0x800, $0x38;
	[tilespmem:$0x1E000] =	vst v63  }
0x5e: {  	s29 =	sand.u32 $0x1, s28;
	s28 =	simm.s32 @!p3 $0x15800  }
0x5f: {  	[tilespmem:s28], [sflag:$0x3] =	stream.linear.gather @!p3 [hbm4b:s24+s31], $0x800, $0x38;
	[tilespmem:$0x1E000] =	vst v63  }
0x60: {  	p3 =	seq.s32 @!p3 s29, $0x0  }
0x61: {  	p2 =	por @!p1 p2, !p3  }
0x62: {  	p1 =	por p1, !p2  }
0x63: {  	[tilespmem:s18], [sflag:$0x3] =	stream.linear.gather @!p1 [hbm4b:s23+s3], $0x800, $0x38;
	[tilespmem:$0x1E000] =	vst v63  }
0x64: {  	s28 =	sadd.s32 $0x1, s30  }
0x65: {  	[tilespmem:s19], [sflag:$0x3] =	stream.linear.gather @!p1 [hbm4b:s24+s3], $0x800, $0x38;
	[tilespmem:$0x1E000] =	vst v63  }
0x66: {  	s31 =	sand.u32 $0xF, s28;
	p1 =	seq.s32 s30, $0x9F  }
0x67: {  	p2 =	sne.s32 @!p1 s31, $0x0  }
0x68: {  	p2 =	por p1, p2  }
.Ltmp5:
0x69: {  	_ = 	snop;
	(pc) =	sbr.rel @p2 .LBB2_6-.Ltmp5, $1  }
0x6a: {  	_ =	sdelay $0x3  }
0x6b: {  	_ =	swait.ge [sflag:s21], $0x800  }
0x6c: {  	[sflag:s21] =	ssyncset.done $0x0  }
0x6d: {  	[sflag:s21] =	ssyncadd.s32 $0xFFFFF800  }
0x6e: {  	_ =	swait.ge [sflag:s21], $0x800  }
0x6f: {  	[sflag:s21] =	ssyncset.done $0x0  }
0x70: {  	[sflag:s21] =	ssyncadd.s32 $0xFFFFF800  }
.LBB2_7:
0x71: {  	s30 =	sand.u32 $0x10, s28  }
0x72: {  	p1 =	seq.s32 s30, $0x0  }
0x73: {  	p2 =	por !p0, !p1  }
0x74: {  	p2 =	por !p2, !p2  }
0x75: {  	p3 =	seq.s32 @!p2 s30, $0x0;
	p0 =	por @!p2 !p0, !p0  }
0x76: {  	p0 =	por @!p2 p3, p0  }
0x77: {  	p0 =	por p2, !p0  }
.Ltmp6:
0x78: {  	_ = 	snop;
	(pc) =	sbr.rel @!p0 .LBB2_9-.Ltmp6, $1  }
0x79: {  	_ =	sdelay $0x3  }
.Ltmp7:
0x7a: {  	(pc) =	sbr.rel .LBB2_9-.Ltmp7, $4  }
0x7b: {  	s30 =	simm.s32 @!p2 $0x14800  }
0x7c: {  	s0 =	sshll.u32 s31, $0x7;
	s30 =	simm.s32 @p2 $0x14000  }
0x7d: {  	s0 =	sadd.s32 s0, s30  }
0x7e: {  	[tilespmem:s16], [sflag:$0x1] =	stream.indirect.gather [hbm4b:s4+s20], $0x80, s0, s20, $0xb8;
	[tilespmem:$0x1E000] =	vst v63  }
.LBB2_6:
.Ltmp8:
0x7f: {  	(pc) =	sbr.rel @p1 .LBB2_10-.Ltmp8, $4  }
.Ltmp9:
0x80: {  	(pc) =	sbr.rel @!p1 .LBB2_7-.Ltmp9, $4  }
0x81: {  	_ = 	snop  }
0x82: {  	_ = 	snop  }
0x83: {  	_ = 	snop  }
0x84: {  	_ = 	snop  }
.LBB2_12:
0x85: {  	_ =	sfence.sel $0x180000  }
0x86: {  	[bflag:$0x0] =	sbarrier.arrive $0xFFFF  }
0x87: {  	_ =	strace $0x9000004A  }
0x88: {  	s0 =	stileid.u32;
	[bflag:$0x2] =	sbarrier.arrive $0xFFFF  }
0x89: {  	p0 =	sne.s32 s0, $0x0;
	s0 =	rddreg [dreg:$0x2]  }
0x8a: {  	s0 =	sadd.s32 @!p0 $0x100000, s0  }
0x8b: {  	[sflag:s0] =	ssyncadd.tile.s32 @!p0 $0x1;
	_ =	shalt  }
.Lfunc_end2:
_tile_overlayer_lowered:
.L_overlay_start_2:
0x8c: {  	(tag) =	ssettag $0x2  }
0x8d: {  	s0 =	rddreg [dreg:$0x0];
	s2 =	stileid.u32  }
0x8e: {  	s1 =	rddreg [dreg:$0x1];
	p0 =	sne.s32 s2, $0x0  }
0x8f: {  	s3 =	rddreg [dreg:$0x2];
	[bflag:$0x3] =	sbarrier.arrive $0xFFFF;
	s2 =	simm.s32 @!p0 $0x1C04  }
0x90: {  	[timem:s3], [sflag:s2] =	dma.local @!p0 [hbm:s0], s1  }
0x91: {  	s0 =	simm.s32 @!p0 $0x4  }
0x92: {  	_ =	swait.ge @!p0 [sflag:s0], s1  }
0x93: {  	s1 =	ssub.s32 @!p0 $0x0, s1;
	[sflag:s0] =	ssyncset.done @!p0 $0x0  }
0x94: {  	[sflag:s0] =	ssyncadd.s32 @!p0 s1  }
0x95: {  	[bflag:$0x3] =	sbarrier.arrive $0xFFFF  }
0x96: {  	_ =	shalt  }

// kernel: kernel.16.cloned.1.call-start
scs
__scs_entry_jumppad:
0x0: {  	(pc) =	sbr.rel $0x88, $3  }
0x1: {  	(tag) =	ssettag $0x0;
	lr =	simm.s32 $0x1  }
0x2: {  	[smem:$0x3F93] =	sst lr;
	_ =	strace $0xD0000000  }
0x3: {  	_ = 	snop  }
0x4: {  	_ = 	snop  }
0x5: {  	_ = 	snop  }
0x6: {  	_ = 	snop  }
0x7: {  	_ = 	snop  }
__scs_overlays_trampoline_lowered:
0x8: {  	[smem:$0x3FA2] =	sst s0  }
0x9: {  	[smem:$0x3FA3] =	sst s1  }
0xa: {  	[smem:$0x3FA4] =	sst s2  }
0xb: {  	[smem:$0x3FA5] =	sst s3  }
0xc: {  	[smem:$0x3FA6] =	sst s4  }
0xd: {  	[smem:$0x3FA7] =	sst s5  }
0xe: {  	[smem:$0x3FA8] =	sst s6  }
0xf: {  	[smem:$0x3FA9] =	sst s7  }
0x10: {  	[smem:$0x3FAA] =	sst s8  }
0x11: {  	[smem:$0x3FAB] =	sst s9;
	s0 =	simm.s32 @!p0 $0x0  }
0x12: {  	s1 =	sld [smem:$0x3F91];
	s0 =	simm.s32 @p0 $0x1  }
0x13: {  	[smem:$0x3FAC] =	sst s0;
	s0 =	simm.s32 @!p1 $0x0  }
0x14: {  	s2 =	sld [smem:$0x3F90];
	s0 =	simm.s32 @p1 $0x1  }
0x15: {  	[smem:$0x3FAD] =	sst s0;
	s0 =	simm.s32 @!p2 $0x0  }
0x16: {  	s3 =	sld [smem:$0x3FDB];
	s0 =	simm.s32 @p2 $0x1  }
0x17: {  	s4 =	simm.s32 $0x1BF5;
	[smem:$0x3FAF] =	sst s0  }
0x18: {  	s0 =	sld [smem:$0x3F92];
	_ =	swait.ge [sflag:s4], $0x0  }
0x19: {  	s7 =	sld [smem:$0x3F93]  }
0x1a: {  	s8 =	sadd.s32 $0xFFFFE003, lr  }
0x1b: {  	s9 =	sadd.s32 $0xFFFFFEF7, lr;
	s5 =	simm.s32 $0xFFFFFFFF;
	p2 =	slt.u32 s8, $0xFFFFF086  }
0x1c: {  	p1 =	slt.u32 s9, $0xF7A;
	s5 =	simm.s32 @!p2 $0x0  }
0x1d: {  	s5 =	simm.s32 @p1 $0x1;
	p0 =	seq.s32 s7, s2  }
0x1e: {  	s7 =	smul.u32 @!p0 $0xF7A, s2;
	p2 =	seq.s32 @!p0 s5, $0x0  }
0x1f: {  	s9 =	smul.u32 $0xF7A, s1;
	s8 =	simm.s32 @!p0 $0x1BF5;
	p2 =	por !p2, p0  }
0x20: {  	[sflag:s8] =	ssyncset.s32 @!p0 $0xFFFFF086;
	s6 =	sadd.s32 @!p0 s3, s7;
	s7 =	simm.s32 @!p0 $0x108  }
0x21: {  	s3 =	sadd.s32 s3, s9;
	s6 =	sadd.s32 @!p0 $0x88, s6;
	s7 =	simm.s32 @p2 $0x1082  }
0x22: {  	[simem:s7], [sflag:s8] =	dma.local @!p0 [hbm:s6], $0xF7A  }
0x23: {  	s9 =	sor.u32 $0xD0000000, s2;
	s6 =	simm.s32 $0x108;
	_ =	swait.ge @!p0 [sflag:s8], $0x0  }
0x24: {  	s3 =	sadd.s32 $0x88, s3;
	s6 =	simm.s32 @!p1 $0x1082;
	[sflag:s4] =	ssyncset.s32 $0xFFFFF086  }
0x25: {  	[simem:s6], [sflag:s4] =	dma.local [hbm:s3], $0xF7A  }
0x26: {  	[smem:$0x3F93] =	sst s1;
	(tag) =	ssettag s2;
	_ =	strace s9  }
0x27: {  	s1 =	sld [smem:$0x3FA3]  }
0x28: {  	s2 =	sld [smem:$0x3FA4]  }
0x29: {  	s4 =	sld [smem:$0x3FA6]  }
0x2a: {  	p0 =	seq.s32 s5, $0x0;
	s5 =	sld [smem:$0x3FA7]  }
0x2b: {  	s6 =	sld [smem:$0x3FA8]  }
0x2c: {  	s7 =	sld [smem:$0x3FA9]  }
0x2d: {  	s3 =	simm.s32 $0x108;
	s8 =	sld [smem:$0x3FAA]  }
0x2e: {  	s3 =	simm.s32 @!p0 $0x1082;
	s9 =	sld [smem:$0x3FAB]  }
0x2f: {  	lr =	sadd.s32 s0, s3;
	s0 =	sld [smem:$0x3FA2]  }
0x30: {  	s3 =	sld [smem:$0x3FA5]  }
0x31: {  	[smem:$0x3FAE] =	sst s10  }
0x32: {  	s10 =	sld [smem:$0x3FAC];
	_ =	sdelay $0x3  }
0x33: {  	p0 =	seq.s32 s10, $0x1;
	s10 =	sld [smem:$0x3FAE];
	_ =	sdelay $0x3  }
0x34: {  	[smem:$0x3FAE] =	sst s10  }
0x35: {  	s10 =	sld [smem:$0x3FAD];
	_ =	sdelay $0x3  }
0x36: {  	p1 =	seq.s32 s10, $0x1;
	s10 =	sld [smem:$0x3FAE];
	_ =	sdelay $0x3  }
0x37: {  	[smem:$0x3FAE] =	sst s10  }
0x38: {  	s10 =	sld [smem:$0x3FAF]  }
0x39: {  	_ = 	snop;
	(pc) =	sbr.ind lr, $3  }
0x3a: {  	_ = 	snop  }
0x3b: {  	_ = 	snop  }
0x3c: {  	p2 =	seq.s32 s10, $0x1;
	s10 =	sld [smem:$0x3FAE]  }
0x3d: {  	_ =	shalt  }
0x3e: {  	_ =	shalt  }
0x3f: {  	_ =	shalt  }
0x40: {  	_ =	shalt  }
0x41: {  	_ =	shalt  }
0x42: {  	_ =	shalt  }
0x43: {  	_ =	shalt  }
0x44: {  	_ =	shalt  }
0x45: {  	_ =	shalt  }
0x46: {  	_ =	shalt  }
0x47: {  	_ =	shalt  }
0x48: {  	_ =	shalt  }
0x49: {  	_ =	shalt  }
0x4a: {  	_ =	shalt  }
0x4b: {  	_ =	shalt  }
0x4c: {  	_ =	shalt  }
0x4d: {  	_ =	shalt  }
0x4e: {  	_ =	shalt  }
0x4f: {  	_ =	shalt  }
0x50: {  	_ =	shalt  }
0x51: {  	_ =	shalt  }
0x52: {  	_ =	shalt  }
0x53: {  	_ =	shalt  }
0x54: {  	_ =	shalt  }
0x55: {  	_ =	shalt  }
0x56: {  	_ =	shalt  }
0x57: {  	_ =	shalt  }
0x58: {  	_ =	shalt  }
0x59: {  	_ =	shalt  }
0x5a: {  	_ =	shalt  }
0x5b: {  	_ =	shalt  }
0x5c: {  	_ =	shalt  }
0x5d: {  	_ =	shalt  }
0x5e: {  	_ =	shalt  }
0x5f: {  	_ =	shalt  }
0x60: {  	_ =	shalt  }
0x61: {  	_ =	shalt  }
0x62: {  	_ =	shalt  }
0x63: {  	_ =	shalt  }
0x64: {  	_ =	shalt  }
0x65: {  	_ =	shalt  }
0x66: {  	_ =	shalt  }
0x67: {  	_ =	shalt  }
0x68: {  	_ =	shalt  }
0x69: {  	_ =	shalt  }
0x6a: {  	_ =	shalt  }
0x6b: {  	_ =	shalt  }
0x6c: {  	_ =	shalt  }
0x6d: {  	_ =	shalt  }
0x6e: {  	_ =	shalt  }
0x6f: {  	_ =	shalt  }
0x70: {  	_ =	shalt  }
0x71: {  	_ =	shalt  }
0x72: {  	_ =	shalt  }
0x73: {  	_ =	shalt  }
0x74: {  	_ =	shalt  }
0x75: {  	_ =	shalt  }
0x76: {  	_ =	shalt  }
0x77: {  	_ =	shalt  }
0x78: {  	_ =	shalt  }
0x79: {  	_ =	shalt  }
0x7a: {  	_ =	shalt  }
0x7b: {  	_ =	shalt  }
0x7c: {  	_ =	shalt  }
0x7d: {  	_ =	shalt  }
0x7e: {  	_ =	shalt  }
0x7f: {  	_ =	shalt  }
0x80: {  	_ =	shalt  }
0x81: {  	_ =	shalt  }
0x82: {  	_ =	shalt  }
0x83: {  	_ =	shalt  }
0x84: {  	_ =	shalt  }
0x85: {  	_ =	shalt  }
0x86: {  	_ =	shalt  }
0x87: {  	_ =	shalt  }
.Lfunc_end0:
.L_simem_size_0:
called_computation.2_lowered:
.L_overlay_start_0:
0x88: {  	s2 =	sld [smem:$0x3FD9]  }
0x89: {  	s3 =	sld [smem:$0x3FFE];
	_ =	sdelay $0x1  }
0x8a: {  	s1 =	srdreg.scid  }
0x8b: {  	s0 =	sand.u32 $0x1, s1  }
0x8c: {  	s16 =	sshll.u32 s0, $0xA;
	s2 =	sadd.s32 s3, s2  }
0x8d: {  	s2 =	sadd.s32 s2, s16  }
0x8e: {  	[smem:$0x3FBA] =	sst s2  }
0x8f: {  	_ = 	snop  }
0x90: {  	(tm) =	ssettm $0x1  }
0x91: {  	s17 =	sld [smem:$0x3FFB];
	_ =	sdelay $0x3  }
0x92: {  	_ =	strace s17  }
0x93: {  	s2 =	sld [smem:$0x3FFC];
	_ =	sdelay $0x3  }
0x94: {  	_ =	strace s2  }
0x95: {  	s2 =	sld [smem:$0x3FFD];
	_ =	sdelay $0x3  }
0x96: {  	_ =	strace s2  }
0x97: {  	_ =	strace $0x8FFFFFFF  }
0x98: {  	s18 =	sld [smem:$0x3FDB];
	_ =	sdelay $0x1  }
0x99: {  	s19 =	simm.s32 $_scs_section_size  }
0x9a: {  	s4 =	simm.s32 $_size__tile_overlayer_lowered;
	s5 =	simm.s32 $_tile_overlayer_lowered  }
0x9b: {  	s22 =	simm.s32 $0x1BFF;
	s21 =	sshll.u32 s5, $0x1;
	s2 =	sadd.s32 s19, s18  }
0x9c: {  	s6 =	simm.s32 $0x0;
	s20 =	sshll.u32 s4, $0x1;
	s4 =	sadd.s32 s21, s2  }
0x9d: {  	[timem:s6], [sflag:s22] =	dma.local [hbm:s4], s20  }
0x9e: {  	_ =	swait.ge [sflag:s22], s20  }
0x9f: {  	s3 =	ssub.s32 $0x0, s20;
	[sflag:s22] =	ssyncset.done $0x0  }
0xa0: {  	[sflag:s22] =	ssyncadd.s32 s3;
	_ =	sdelay $0x1  }
0xa1: {  	s23 =	simm.s32 $0x1B8B  }
0xa2: {  	_ =	swait.ge [sflag:s23], $0x1  }
0xa3: {  	[sflag:s23] =	ssyncset.done $0x0  }
0xa4: {  	s25 =	simm.s32 $0x1B8E;
	s24 =	sld [smem:$0x3FFE];
	[sflag:s23] =	ssyncadd.s32 $0xFFFFFFFF  }
0xa5: {  	s26 =	simm.s32 $execute0_lowered;
	[smem:$0x3FD2] =	sst s25  }
0xa6: {  	s4 =	sshll.u32 s26, $0x1;
	_ =	strace $0x8000004C;
	[dreg:$0x1] =	wrdreg $0xFFFFFFFF  }
0xa7: {  	s28 =	simm.s32 $_size_execute0_lowered;
	s2 =	sadd.s32 s2, s4;
	[dreg:$0x0] =	wrdreg $0x0  }
0xa8: {  	s4 =	sshll.u32 s28, $0x1;
	[dreg:$0x2] =	wrdreg s2  }
0xa9: {  	[dreg:$0x3] =	wrdreg s4  }
0xaa: {  	[dreg:$0x4] =	wrdreg $0xC0  }
0xab: {  	_ =	task [dreg:s6], $0x5FFFF  }
0xac: {  	[dreg:$0x1] =	wrdreg $0xFFFFFFFF  }
0xad: {  	[dreg:$0x0] =	wrdreg $0x60  }
0xae: {  	[dreg:$0x2] =	wrdreg s24  }
0xaf: {  	[dreg:$0x3] =	wrdreg $0x0  }
0xb0: {  	[dreg:$0x4] =	wrdreg $0x9  }
0xb1: {  	_ =	task.clear_ibuf [dreg:s6], $0x5FFFF;
	_ =	strace $0x9000004C  }
0xb2: {  	s29 =	simm.s32 $0x9;
	_ =	strace $0x8000004E  }
0xb3: {  	_ =	swait.ge [sflag:s29], $0x1  }
0xb4: {  	[sflag:s29] =	ssyncadd.s32 $0xFFFFFFFF  }
0xb5: {  	_ =	strace $0x9000004E  }
0xb6: {  	_ =	sfence  }
0xb7: {  	s30 =	sld [smem:$0x0];
	_ =	sdelay $0x2  }
0xb8: {  	s31 =	sshll.u32 s1, $0xD;
	s1 =	sshrl.u32 s1, $0x2  }
0xb9: {  	s3 =	sand.u32 $0x4000, s31;
	s1 =	sadd.s32 s1, s30  }
0xba: {  	s0 =	sor.u32 s3, s0;
	s1 =	sshll.u32 s1, $0x11  }
0xbb: {  	s0 =	sor.u32 s1, s0  }
0xbc: {  	s0 =	sadd.s32 $0x8F2B, s0  }
0xbd: {  	[sflag:s0] =	ssyncadd.remote.s32 $0x1  }
0xbe: {  	_ =	sfence.sel $0xFFFF  }
0xbf: {  	[dreg:$0x0] =	wrdreg $0xFFFFFFFF;
	(pc) =	sbr.abs _section_cstart, $3  }
0xc0: {  	[dreg:$0x1] =	wrdreg $0xFFFFFFFF  }
0xc1: {  	_ =	task.clear_ibuf [dreg:s6], $0x2FFFF;
	_ =	strace $0x9FFFFFFF  }
0xc2: {  	(tm) =	ssettm $0x7FFFFFFF  }
0xc3: {  	_ =	shalt  }
tec
execute0_lowered:
.L_overlay_start_1:
0x0: {  	(tag) =	ssettag $0x1  }
0x1: {  	s5 =	rddreg [dreg:$0x0]  }
0x2: {  	s1 =	rddreg [dreg:$0x1];
	s2 =	srdreg.scid;
	s3 =	simm.s32 $0x0  }
0x3: {  	s0 =	stileid.u32;
	s17 =	simm.s32 $0x4;
	s18 =	simm.s32 $0x14000  }
0x4: {  	s19 =	simm.s32 $0x15000;
	s20 =	simm.s32 $0x80;
	s8 =	smul.u32 $0x14000, s0  }
0x5: {  	s21 =	simm.s32 $0x3;
	s22 =	simm.s32 $0x0;
	s28 =	smul.u32 $0x5000, s0  }
0x6: {  	s6 =	sand.u32 $0x1, s2;
	[smem:$0x7FF] =	sst s3;
	s10 =	smul.u32 $0x50000, s0  }
0x7: {  	s4 =	sadd.s32 $0x7B600, s5;
	s15 =	sadd.s32 $0x17600, s5;
	s7 =	smul.u32 $0x140000, s6  }
0x8: {  	s14 =	sadd.s32 $0x3600, s5;
	s9 =	smul.u32 $0x50000, s6;
	s29 =	ssub.s32 $0x2, s6  }
0x9: {  	_ =	strace $0x8000004D;
	s6 =	sshrl.u32 s29, $0x1;
	s30 =	sshrl.u32 s10, $0x2  }
0xa: {  	s7 =	sadd.s32 s8, s7;
	s12 =	sadd.s32 s28, s9;
	s31 =	ssub.s32 s29, s6  }
0xb: {  	s7 =	sshrl.u32 s7, $0x3;
	s8 =	sshrl.u32 s12, $0x3;
	s9 =	smax.u32 s31, $0x1  }
.Ltmp0:
0xc: {  	s16 =	sor.u32 $0x800, s12;
	s11 =	sadd.s32 s7, s5;
	(pc) =	sbr.rel .LBB2_1-.Ltmp0, $4  }
0xd: {  	s5 =	sadd.s32 s30, s1;
	s6 =	sadd.s32 s15, s8;
	s7 =	sadd.s32 s14, s8  }
0xe: {  	s16 =	sshrl.u32 s16, $0x3;
	s8 =	sadd.s32 $0xCB600, s11;
	s10 =	sadd.s32 $0x4000, s5  }
0xf: {  	s11 =	sadd.s32 $0x8000, s5;
	s12 =	sadd.s32 $0xC000, s5;
	s13 =	sadd.s32 $0x10000, s5  }
0x10: {  	v0 =	vimm.f32 $0.0e+00;
	s14 =	sadd.s32 s16, s14;
	s15 =	sadd.s32 s16, s15;
	s16 =	simm.s32 $0x16000  }
.LBB2_11:
0x11: {  	s0 =	stileid.u32;
	s22 =	sadd.s32 $0x1, s22  }
0x12: {  	[bflag:$0x0] =	sbarrier.arrive $0xFFFF;
	s0 =	sshll.u32 s0, $0x6;
	p0 =	sne.s32 s22, s9  }
.Ltmp1:
0x13: {  	s2 =	sshrl.u32 s5, $0x3;
	s0 =	sor.u32 $0x1C04, s0;
	(pc) =	sbr.rel @!p0 .LBB2_12-.Ltmp1, $4  }
0x14: {  	[hbm:s8], [sflag:s0] =	dma.local [spmem:s2], $0x2800  }
0x15: {  	_ =	swait.ge [sflag:s17], $0x2800  }
0x16: {  	[sflag:s17] =	ssyncset.done $0x0  }
0x17: {  	[sflag:s17] =	ssyncadd.s32 $0xFFFFD800  }
.LBB2_1:
0x18: {  	s23 =	sand.u32 $0xFE00, s3  }
0x19: {  	s24 =	sand.u32 $0x70, s3;
	s25 =	sshrl.u32 s23, $0x2  }
0x1a: {  	s23 =	simm.s32 $0x40;
	s25 =	sor.u32 s24, s25;
	s24 =	simm.s32 $0x0  }
.LBB2_2:
0x1b: {  	p0 =	sne.s32 s23, $0xFFC0  }
0x1c: {  	[tilespmem:s25+$0x16000] =	vst v0;
	s24 =	sadd.s32 $0x10, s24;
	s25 =	smov.u32 s23;
	s23 =	sadd.s32 $0x40, s23  }
.Ltmp2:
0x1d: {  	(pc) =	sbr.rel @p0 .LBB2_2-.Ltmp2, $4  }
0x1e: {  	_ = 	snop  }
0x1f: {  	s25 =	sand.u32 $0xFE00, s25  }
0x20: {  	s26 =	sand.u32 $0x70, s24;
	s25 =	sshrl.u32 s25, $0x2  }
0x21: {  	s25 =	sor.u32 s26, s25  }
0x22: {  	[tilespmem:s25+$0x16000] =	vst v0  }
0x23: {  	[spmem:s5] =	stream.linear.scatter [tilespmem:s16], [sflag:$0x4], $0x4000, $0x38;
	[tilespmem:$0x1E000] =	vst v63  }
0x24: {  	_ =	swait.ge [sflag:s17], $0x4000  }
0x25: {  	[sflag:s17] =	ssyncset.done $0x0  }
0x26: {  	[sflag:s17] =	ssyncadd.s32 $0xFFFFC000  }
0x27: {  	[spmem:s10] =	stream.linear.scatter [tilespmem:s16], [sflag:$0x4], $0x4000, $0x38;
	[tilespmem:$0x1E000] =	vst v63  }
0x28: {  	_ =	swait.ge [sflag:s17], $0x4000  }
0x29: {  	[sflag:s17] =	ssyncset.done $0x0  }
0x2a: {  	[sflag:s17] =	ssyncadd.s32 $0xFFFFC000  }
0x2b: {  	[spmem:s11] =	stream.linear.scatter [tilespmem:s16], [sflag:$0x4], $0x4000, $0x38;
	[tilespmem:$0x1E000] =	vst v63  }
0x2c: {  	_ =	swait.ge [sflag:s17], $0x4000  }
0x2d: {  	[sflag:s17] =	ssyncset.done $0x0  }
0x2e: {  	[sflag:s17] =	ssyncadd.s32 $0xFFFFC000  }
0x2f: {  	[spmem:s12] =	stream.linear.scatter [tilespmem:s16], [sflag:$0x4], $0x4000, $0x38;
	[tilespmem:$0x1E000] =	vst v63  }
0x30: {  	_ =	swait.ge [sflag:s17], $0x4000  }
0x31: {  	[sflag:s17] =	ssyncset.done $0x0  }
0x32: {  	[sflag:s17] =	ssyncadd.s32 $0xFFFFC000  }
0x33: {  	[spmem:s13] =	stream.linear.scatter [tilespmem:s16], [sflag:$0x4], $0x4000, $0x38;
	[tilespmem:$0x1E000] =	vst v63  }
0x34: {  	_ =	swait.ge [sflag:s17], $0x4000  }
0x35: {  	[sflag:s17] =	ssyncset.done $0x0  }
0x36: {  	s30 =	simm.s32 $0x0;
	[sflag:s17] =	ssyncadd.s32 $0xFFFFC000  }
0x37: {  	[tilespmem:s18], [sflag:$0x4] =	stream.linear.gather [hbm4b:s6+s30], $0x800, $0x38;
	[tilespmem:$0x1E000] =	vst v63  }
0x38: {  	_ =	swait.ge [sflag:s17], $0x800  }
0x39: {  	[sflag:s17] =	ssyncset.done $0x0  }
0x3a: {  	[sflag:s17] =	ssyncadd.s32 $0xFFFFF800  }
0x3b: {  	[tilespmem:s19], [sflag:$0x4] =	stream.linear.gather [hbm4b:s7+s30], $0x800, $0x38;
	[tilespmem:$0x1E000] =	vst v63  }
0x3c: {  	_ =	swait.ge [sflag:s17], $0x800  }
.Ltmp3:
0x3d: {  	[sflag:s17] =	ssyncset.done $0x0;
	(pc) =	sbr.rel .LBB2_4-.Ltmp3, $4  }
0x3e: {  	[sflag:s17] =	ssyncadd.s32 $0xFFFFF800  }
0x3f: {  	[tilespmem:s16], [sflag:$0x1] =	stream.indirect.gather [hbm4b:s4+s20], $0x80, s18, s20, $0xb8;
	[tilespmem:$0x1E000] =	vst v63  }
0x40: {  	[bflag:$0x0] =	sbarrier.arrive $0xFFFF  }
0x41: {  	s23 =	smov.u32 s15;
	s24 =	smov.u32 s14;
	s25 =	simm.s32 $0x0  }
.LBB2_9:
0x42: {  	s0 =	sand.u32 $0x1, s28  }
0x43: {  	p0 =	seq.s32 s0, $0x1  }
0x44: {  	p0 =	por !p0, !p1  }
0x45: {  	p0 =	por !p0, !p0  }
0x46: {  	s0 =	sshll.u32 @p0 s31, $0x7  }
0x47: {  	s30 =	simm.s32 @p0 $0x80;
	s2 =	simm.s32 @p0 $0x1A000;
	s0 =	sor.u32 @p0 $0x14000, s0  }
0x48: {  	[tilespmem:s2], [sflag:$0x2] =	stream.indirect.gather @p0 [hbm4b:s4+s30], $0x80, s0, s30, $0xb8;
	[tilespmem:$0x1E000] =	vst v63  }
0x49: {  	s30 =	sand.u32 $0x11, s28  }
0x4a: {  	p0 =	sne.s32 s30, $0x11  }
0x4b: {  	s0 =	sshll.u32 @!p0 s31, $0x7  }
0x4c: {  	s2 =	simm.s32 @!p0 $0x80;
	s30 =	simm.s32 @!p0 $0x1A000;
	s0 =	sor.u32 @!p0 $0x14800, s0  }
0x4d: {  	[tilespmem:s30], [sflag:$0x2] =	stream.indirect.gather @!p0 [hbm4b:s4+s2], $0x80, s0, s2, $0xb8;
	[tilespmem:$0x1E000] =	vst v63  }
.LBB2_10:
0x4e: {  	p0 =	sne.s32 s29, $0x0;
	s31 =	sand.u32 $0x10000, s25;
	s26 =	sshll.u32 s26, $0x7  }
0x4f: {  	s0 =	simm.s32 @!p0 $0x5;
	s2 =	simm.s32 @!p0 $0x15000;
	s29 =	sshrl.u32 s31, $0x2  }
0x50: {  	s2 =	simm.s32 @p0 $0x15800;
	s0 =	simm.s32 @p0 $0x4;
	p0 =	sne.s32 s28, $0xA0  }
.Ltmp4:
0x51: {  	s29 =	sadd.s32 $0x16000, s29;
	s2 =	sadd.s32 s26, s2;
	(pc) =	sbr.rel @!p0 .LBB2_11-.Ltmp4, $4  }
0x52: {  	[spmem:s1] =	stream.indirect.scatter.add.f32 [tilespmem:s29], [sflag:s0], $0x80, s2, s20, $0xb8;
	[tilespmem:$0x1E000] =	vst v63  }
0x53: {  	_ =	swait.ge [sflag:s0], $0x4000  }
0x54: {  	s25 =	sadd.s32 $0x10000, s25;
	s24 =	sadd.s32 $0x10, s24;
	[sflag:s0] =	ssyncset.done $0x0  }
0x55: {  	s23 =	sadd.s32 $0x10, s23;
	s30 =	smov.u32 s28;
	[sflag:s0] =	ssyncadd.s32 $0xFFFFC000  }
.LBB2_4:
0x56: {  	s26 =	sand.u32 $0xF, s30;
	p1 =	sgt.u32 s30, $0x8F  }
0x57: {  	s28 =	sshrl.u32 s30, $0x4;
	s29 =	sand.u32 $0x1, s30;
	p2 =	sne.s32 @!p1 s26, $0x0  }
0x58: {  	p0 =	seq.s32 s29, $0x1;
	s29 =	simm.s32 $0x2;
	p1 =	por p1, p2  }
0x59: {  	s29 =	simm.s32 @!p0 $0x1;
	s31 =	sand.u32 @!p1 $0x1, s28  }
0x5a: {  	_ =	swait.ge [sflag:s29], $0x4000;
	p2 =	seq.s32 @!p1 s31, $0x1  }
0x5b: {  	[sflag:s29] =	ssyncset.done $0x0;
	p3 =	por p2, p1  }
0x5c: {  	[sflag:s29] =	ssyncadd.s32 $0xFFFFC000;
	s31 =	simm.s32 @!p3 $0x0;
	s29 =	simm.s32 @!p3 $0x14800  }
0x5d: {  	[tilespmem:s29], [sflag:$0x3] =	stream.linear.gather @!p3 [hbm4b:s23+s31], $0x800, $0x38;
	[tilespmem:$0x1E000] =	vst v63  }
0x5e: {  	s29 =	sand.u32 $0x1, s28;
	s28 =	simm.s32 @!p3 $0x15800  }
0x5f: {  	[tilespmem:s28], [sflag:$0x3] =	stream.linear.gather @!p3 [hbm4b:s24+s31], $0x800, $0x38;
	[tilespmem:$0x1E000] =	vst v63  }
0x60: {  	p3 =	seq.s32 @!p3 s29, $0x0  }
0x61: {  	p2 =	por @!p1 p2, !p3  }
0x62: {  	p1 =	por p1, !p2  }
0x63: {  	[tilespmem:s18], [sflag:$0x3] =	stream.linear.gather @!p1 [hbm4b:s23+s3], $0x800, $0x38;
	[tilespmem:$0x1E000] =	vst v63  }
0x64: {  	s28 =	sadd.s32 $0x1, s30  }
0x65: {  	[tilespmem:s19], [sflag:$0x3] =	stream.linear.gather @!p1 [hbm4b:s24+s3], $0x800, $0x38;
	[tilespmem:$0x1E000] =	vst v63  }
0x66: {  	s31 =	sand.u32 $0xF, s28;
	p1 =	seq.s32 s30, $0x9F  }
0x67: {  	p2 =	sne.s32 @!p1 s31, $0x0  }
0x68: {  	p2 =	por p1, p2  }
.Ltmp5:
0x69: {  	_ = 	snop;
	(pc) =	sbr.rel @p2 .LBB2_6-.Ltmp5, $1  }
0x6a: {  	_ =	sdelay $0x3  }
0x6b: {  	_ =	swait.ge [sflag:s21], $0x800  }
0x6c: {  	[sflag:s21] =	ssyncset.done $0x0  }
0x6d: {  	[sflag:s21] =	ssyncadd.s32 $0xFFFFF800  }
0x6e: {  	_ =	swait.ge [sflag:s21], $0x800  }
0x6f: {  	[sflag:s21] =	ssyncset.done $0x0  }
0x70: {  	[sflag:s21] =	ssyncadd.s32 $0xFFFFF800  }
.LBB2_7:
0x71: {  	s30 =	sand.u32 $0x10, s28  }
0x72: {  	p1 =	seq.s32 s30, $0x0  }
0x73: {  	p2 =	por !p0, !p1  }
0x74: {  	p2 =	por !p2, !p2  }
0x75: {  	p3 =	seq.s32 @!p2 s30, $0x0;
	p0 =	por @!p2 !p0, !p0  }
0x76: {  	p0 =	por @!p2 p3, p0  }
0x77: {  	p0 =	por p2, !p0  }
.Ltmp6:
0x78: {  	_ = 	snop;
	(pc) =	sbr.rel @!p0 .LBB2_9-.Ltmp6, $1  }
0x79: {  	_ =	sdelay $0x3  }
.Ltmp7:
0x7a: {  	(pc) =	sbr.rel .LBB2_9-.Ltmp7, $4  }
0x7b: {  	s30 =	simm.s32 @!p2 $0x14800  }
0x7c: {  	s0 =	sshll.u32 s31, $0x7;
	s30 =	simm.s32 @p2 $0x14000  }
0x7d: {  	s0 =	sadd.s32 s0, s30  }
0x7e: {  	[tilespmem:s16], [sflag:$0x1] =	stream.indirect.gather [hbm4b:s4+s20], $0x80, s0, s20, $0xb8;
	[tilespmem:$0x1E000] =	vst v63  }
.LBB2_6:
.Ltmp8:
0x7f: {  	(pc) =	sbr.rel @p1 .LBB2_10-.Ltmp8, $4  }
.Ltmp9:
0x80: {  	(pc) =	sbr.rel @!p1 .LBB2_7-.Ltmp9, $4  }
0x81: {  	_ = 	snop  }
0x82: {  	_ = 	snop  }
0x83: {  	_ = 	snop  }
0x84: {  	_ = 	snop  }
.LBB2_12:
0x85: {  	_ =	sfence.sel $0x180000  }
0x86: {  	[bflag:$0x0] =	sbarrier.arrive $0xFFFF  }
0x87: {  	_ =	strace $0x9000004D  }
0x88: {  	s0 =	stileid.u32;
	[bflag:$0x2] =	sbarrier.arrive $0xFFFF  }
0x89: {  	p0 =	sne.s32 s0, $0x0;
	s0 =	rddreg [dreg:$0x2]  }
0x8a: {  	s0 =	sadd.s32 @!p0 $0x100000, s0  }
0x8b: {  	[sflag:s0] =	ssyncadd.tile.s32 @!p0 $0x1;
	_ =	shalt  }
.Lfunc_end2:
_tile_overlayer_lowered:
.L_overlay_start_2:
0x8c: {  	(tag) =	ssettag $0x2  }
0x8d: {  	s0 =	rddreg [dreg:$0x0];
	s2 =	stileid.u32  }
0x8e: {  	s1 =	rddreg [dreg:$0x1];
	p0 =	sne.s32 s2, $0x0  }
0x8f: {  	s3 =	rddreg [dreg:$0x2];
	[bflag:$0x3] =	sbarrier.arrive $0xFFFF;
	s2 =	simm.s32 @!p0 $0x1C04  }
0x90: {  	[timem:s3], [sflag:s2] =	dma.local @!p0 [hbm:s0], s1  }
0x91: {  	s0 =	simm.s32 @!p0 $0x4  }
0x92: {  	_ =	swait.ge @!p0 [sflag:s0], s1  }
0x93: {  	s1 =	ssub.s32 @!p0 $0x0, s1;
	[sflag:s0] =	ssyncset.done @!p0 $0x0  }
0x94: {  	[sflag:s0] =	ssyncadd.s32 @!p0 s1  }
0x95: {  	[bflag:$0x3] =	sbarrier.arrive $0xFFFF  }
0x96: {  	_ =	shalt  }

// kernel: kernel.19.cloned.1.call-start
scs
__scs_entry_jumppad:
0x0: {  	(pc) =	sbr.rel $0x88, $3  }
0x1: {  	(tag) =	ssettag $0x0;
	lr =	simm.s32 $0x1  }
0x2: {  	[smem:$0x3F93] =	sst lr;
	_ =	strace $0xD0000000  }
0x3: {  	_ = 	snop  }
0x4: {  	_ = 	snop  }
0x5: {  	_ = 	snop  }
0x6: {  	_ = 	snop  }
0x7: {  	_ = 	snop  }
__scs_overlays_trampoline_lowered:
0x8: {  	[smem:$0x3FA2] =	sst s0  }
0x9: {  	[smem:$0x3FA3] =	sst s1  }
0xa: {  	[smem:$0x3FA4] =	sst s2  }
0xb: {  	[smem:$0x3FA5] =	sst s3  }
0xc: {  	[smem:$0x3FA6] =	sst s4  }
0xd: {  	[smem:$0x3FA7] =	sst s5  }
0xe: {  	[smem:$0x3FA8] =	sst s6  }
0xf: {  	[smem:$0x3FA9] =	sst s7  }
0x10: {  	[smem:$0x3FAA] =	sst s8  }
0x11: {  	[smem:$0x3FAB] =	sst s9;
	s0 =	simm.s32 @!p0 $0x0  }
0x12: {  	s1 =	sld [smem:$0x3F91];
	s0 =	simm.s32 @p0 $0x1  }
0x13: {  	[smem:$0x3FAC] =	sst s0;
	s0 =	simm.s32 @!p1 $0x0  }
0x14: {  	s2 =	sld [smem:$0x3F90];
	s0 =	simm.s32 @p1 $0x1  }
0x15: {  	[smem:$0x3FAD] =	sst s0;
	s0 =	simm.s32 @!p2 $0x0  }
0x16: {  	s3 =	sld [smem:$0x3FDB];
	s0 =	simm.s32 @p2 $0x1  }
0x17: {  	s4 =	simm.s32 $0x1BF5;
	[smem:$0x3FAF] =	sst s0  }
0x18: {  	s0 =	sld [smem:$0x3F92];
	_ =	swait.ge [sflag:s4], $0x0  }
0x19: {  	s7 =	sld [smem:$0x3F93]  }
0x1a: {  	s8 =	sadd.s32 $0xFFFFE003, lr  }
0x1b: {  	s9 =	sadd.s32 $0xFFFFFEF7, lr;
	s5 =	simm.s32 $0xFFFFFFFF;
	p2 =	slt.u32 s8, $0xFFFFF086  }
0x1c: {  	p1 =	slt.u32 s9, $0xF7A;
	s5 =	simm.s32 @!p2 $0x0  }
0x1d: {  	s5 =	simm.s32 @p1 $0x1;
	p0 =	seq.s32 s7, s2  }
0x1e: {  	s7 =	smul.u32 @!p0 $0xF7A, s2;
	p2 =	seq.s32 @!p0 s5, $0x0  }
0x1f: {  	s9 =	smul.u32 $0xF7A, s1;
	s8 =	simm.s32 @!p0 $0x1BF5;
	p2 =	por !p2, p0  }
0x20: {  	[sflag:s8] =	ssyncset.s32 @!p0 $0xFFFFF086;
	s6 =	sadd.s32 @!p0 s3, s7;
	s7 =	simm.s32 @!p0 $0x108  }
0x21: {  	s3 =	sadd.s32 s3, s9;
	s6 =	sadd.s32 @!p0 $0x88, s6;
	s7 =	simm.s32 @p2 $0x1082  }
0x22: {  	[simem:s7], [sflag:s8] =	dma.local @!p0 [hbm:s6], $0xF7A  }
0x23: {  	s9 =	sor.u32 $0xD0000000, s2;
	s6 =	simm.s32 $0x108;
	_ =	swait.ge @!p0 [sflag:s8], $0x0  }
0x24: {  	s3 =	sadd.s32 $0x88, s3;
	s6 =	simm.s32 @!p1 $0x1082;
	[sflag:s4] =	ssyncset.s32 $0xFFFFF086  }
0x25: {  	[simem:s6], [sflag:s4] =	dma.local [hbm:s3], $0xF7A  }
0x26: {  	[smem:$0x3F93] =	sst s1;
	(tag) =	ssettag s2;
	_ =	strace s9  }
0x27: {  	s1 =	sld [smem:$0x3FA3]  }
0x28: {  	s2 =	sld [smem:$0x3FA4]  }
0x29: {  	s4 =	sld [smem:$0x3FA6]  }
0x2a: {  	p0 =	seq.s32 s5, $0x0;
	s5 =	sld [smem:$0x3FA7]  }
0x2b: {  	s6 =	sld [smem:$0x3FA8]  }
0x2c: {  	s7 =	sld [smem:$0x3FA9]  }
0x2d: {  	s3 =	simm.s32 $0x108;
	s8 =	sld [smem:$0x3FAA]  }
0x2e: {  	s3 =	simm.s32 @!p0 $0x1082;
	s9 =	sld [smem:$0x3FAB]  }
0x2f: {  	lr =	sadd.s32 s0, s3;
	s0 =	sld [smem:$0x3FA2]  }
0x30: {  	s3 =	sld [smem:$0x3FA5]  }
0x31: {  	[smem:$0x3FAE] =	sst s10  }
0x32: {  	s10 =	sld [smem:$0x3FAC];
	_ =	sdelay $0x3  }
0x33: {  	p0 =	seq.s32 s10, $0x1;
	s10 =	sld [smem:$0x3FAE];
	_ =	sdelay $0x3  }
0x34: {  	[smem:$0x3FAE] =	sst s10  }
0x35: {  	s10 =	sld [smem:$0x3FAD];
	_ =	sdelay $0x3  }
0x36: {  	p1 =	seq.s32 s10, $0x1;
	s10 =	sld [smem:$0x3FAE];
	_ =	sdelay $0x3  }
0x37: {  	[smem:$0x3FAE] =	sst s10  }
0x38: {  	s10 =	sld [smem:$0x3FAF]  }
0x39: {  	_ = 	snop;
	(pc) =	sbr.ind lr, $3  }
0x3a: {  	_ = 	snop  }
0x3b: {  	_ = 	snop  }
0x3c: {  	p2 =	seq.s32 s10, $0x1;
	s10 =	sld [smem:$0x3FAE]  }
0x3d: {  	_ =	shalt  }
0x3e: {  	_ =	shalt  }
0x3f: {  	_ =	shalt  }
0x40: {  	_ =	shalt  }
0x41: {  	_ =	shalt  }
0x42: {  	_ =	shalt  }
0x43: {  	_ =	shalt  }
0x44: {  	_ =	shalt  }
0x45: {  	_ =	shalt  }
0x46: {  	_ =	shalt  }
0x47: {  	_ =	shalt  }
0x48: {  	_ =	shalt  }
0x49: {  	_ =	shalt  }
0x4a: {  	_ =	shalt  }
0x4b: {  	_ =	shalt  }
0x4c: {  	_ =	shalt  }
0x4d: {  	_ =	shalt  }
0x4e: {  	_ =	shalt  }
0x4f: {  	_ =	shalt  }
0x50: {  	_ =	shalt  }
0x51: {  	_ =	shalt  }
0x52: {  	_ =	shalt  }
0x53: {  	_ =	shalt  }
0x54: {  	_ =	shalt  }
0x55: {  	_ =	shalt  }
0x56: {  	_ =	shalt  }
0x57: {  	_ =	shalt  }
0x58: {  	_ =	shalt  }
0x59: {  	_ =	shalt  }
0x5a: {  	_ =	shalt  }
0x5b: {  	_ =	shalt  }
0x5c: {  	_ =	shalt  }
0x5d: {  	_ =	shalt  }
0x5e: {  	_ =	shalt  }
0x5f: {  	_ =	shalt  }
0x60: {  	_ =	shalt  }
0x61: {  	_ =	shalt  }
0x62: {  	_ =	shalt  }
0x63: {  	_ =	shalt  }
0x64: {  	_ =	shalt  }
0x65: {  	_ =	shalt  }
0x66: {  	_ =	shalt  }
0x67: {  	_ =	shalt  }
0x68: {  	_ =	shalt  }
0x69: {  	_ =	shalt  }
0x6a: {  	_ =	shalt  }
0x6b: {  	_ =	shalt  }
0x6c: {  	_ =	shalt  }
0x6d: {  	_ =	shalt  }
0x6e: {  	_ =	shalt  }
0x6f: {  	_ =	shalt  }
0x70: {  	_ =	shalt  }
0x71: {  	_ =	shalt  }
0x72: {  	_ =	shalt  }
0x73: {  	_ =	shalt  }
0x74: {  	_ =	shalt  }
0x75: {  	_ =	shalt  }
0x76: {  	_ =	shalt  }
0x77: {  	_ =	shalt  }
0x78: {  	_ =	shalt  }
0x79: {  	_ =	shalt  }
0x7a: {  	_ =	shalt  }
0x7b: {  	_ =	shalt  }
0x7c: {  	_ =	shalt  }
0x7d: {  	_ =	shalt  }
0x7e: {  	_ =	shalt  }
0x7f: {  	_ =	shalt  }
0x80: {  	_ =	shalt  }
0x81: {  	_ =	shalt  }
0x82: {  	_ =	shalt  }
0x83: {  	_ =	shalt  }
0x84: {  	_ =	shalt  }
0x85: {  	_ =	shalt  }
0x86: {  	_ =	shalt  }
0x87: {  	_ =	shalt  }
.Lfunc_end0:
.L_simem_size_0:
called_computation.3_lowered:
.L_overlay_start_0:
0x88: {  	s2 =	sld [smem:$0x3FD9]  }
0x89: {  	s3 =	sld [smem:$0x3FFE];
	_ =	sdelay $0x1  }
0x8a: {  	s1 =	srdreg.scid  }
0x8b: {  	s0 =	sand.u32 $0x1, s1  }
0x8c: {  	s16 =	sshll.u32 s0, $0xA;
	s2 =	sadd.s32 s3, s2  }
0x8d: {  	s2 =	sadd.s32 s2, s16  }
0x8e: {  	[smem:$0x3FBA] =	sst s2  }
0x8f: {  	_ = 	snop  }
0x90: {  	(tm) =	ssettm $0x1  }
0x91: {  	s17 =	sld [smem:$0x3FFB];
	_ =	sdelay $0x3  }
0x92: {  	_ =	strace s17  }
0x93: {  	s2 =	sld [smem:$0x3FFC];
	_ =	sdelay $0x3  }
0x94: {  	_ =	strace s2  }
0x95: {  	s2 =	sld [smem:$0x3FFD];
	_ =	sdelay $0x3  }
0x96: {  	_ =	strace s2  }
0x97: {  	_ =	strace $0x8FFFFFFF  }
0x98: {  	s18 =	sld [smem:$0x3FDB];
	_ =	sdelay $0x1  }
0x99: {  	s19 =	simm.s32 $_scs_section_size  }
0x9a: {  	s4 =	simm.s32 $_size__tile_overlayer_lowered;
	s5 =	simm.s32 $_tile_overlayer_lowered  }
0x9b: {  	s22 =	simm.s32 $0x1BFF;
	s21 =	sshll.u32 s5, $0x1;
	s2 =	sadd.s32 s19, s18  }
0x9c: {  	s6 =	simm.s32 $0x0;
	s20 =	sshll.u32 s4, $0x1;
	s4 =	sadd.s32 s21, s2  }
0x9d: {  	[timem:s6], [sflag:s22] =	dma.local [hbm:s4], s20  }
0x9e: {  	_ =	swait.ge [sflag:s22], s20  }
0x9f: {  	s3 =	ssub.s32 $0x0, s20;
	[sflag:s22] =	ssyncset.done $0x0  }
0xa0: {  	[sflag:s22] =	ssyncadd.s32 s3;
	_ =	sdelay $0x1  }
0xa1: {  	s23 =	simm.s32 $0x1B8B  }
0xa2: {  	_ =	swait.ge [sflag:s23], $0x1  }
0xa3: {  	[sflag:s23] =	ssyncset.done $0x0  }
0xa4: {  	s25 =	simm.s32 $0x1B8E;
	s24 =	sld [smem:$0x3FFE];
	[sflag:s23] =	ssyncadd.s32 $0xFFFFFFFF  }
0xa5: {  	s26 =	simm.s32 $execute0_lowered;
	[smem:$0x3FD2] =	sst s25  }
0xa6: {  	s4 =	sshll.u32 s26, $0x1;
	_ =	strace $0x8000004F;
	[dreg:$0x1] =	wrdreg $0xFFFFFFFF  }
0xa7: {  	s28 =	simm.s32 $_size_execute0_lowered;
	s2 =	sadd.s32 s2, s4;
	[dreg:$0x0] =	wrdreg $0x0  }
0xa8: {  	s4 =	sshll.u32 s28, $0x1;
	[dreg:$0x2] =	wrdreg s2  }
0xa9: {  	[dreg:$0x3] =	wrdreg s4  }
0xaa: {  	[dreg:$0x4] =	wrdreg $0xC0  }
0xab: {  	_ =	task [dreg:s6], $0x5FFFF  }
0xac: {  	[dreg:$0x1] =	wrdreg $0xFFFFFFFF  }
0xad: {  	[dreg:$0x0] =	wrdreg $0x60  }
0xae: {  	[dreg:$0x2] =	wrdreg s24  }
0xaf: {  	[dreg:$0x3] =	wrdreg $0x0  }
0xb0: {  	[dreg:$0x4] =	wrdreg $0x9  }
0xb1: {  	_ =	task.clear_ibuf [dreg:s6], $0x5FFFF;
	_ =	strace $0x9000004F  }
0xb2: {  	s29 =	simm.s32 $0x9;
	_ =	strace $0x80000051  }
0xb3: {  	_ =	swait.ge [sflag:s29], $0x1  }
0xb4: {  	[sflag:s29] =	ssyncadd.s32 $0xFFFFFFFF  }
0xb5: {  	_ =	strace $0x90000051  }
0xb6: {  	_ =	sfence  }
0xb7: {  	s30 =	sld [smem:$0x0];
	_ =	sdelay $0x2  }
0xb8: {  	s31 =	sshll.u32 s1, $0xD;
	s1 =	sshrl.u32 s1, $0x2  }
0xb9: {  	s3 =	sand.u32 $0x4000, s31;
	s1 =	sadd.s32 s1, s30  }
0xba: {  	s0 =	sor.u32 s3, s0;
	s1 =	sshll.u32 s1, $0x11  }
0xbb: {  	s0 =	sor.u32 s1, s0  }
0xbc: {  	s0 =	sadd.s32 $0x8F2B, s0  }
0xbd: {  	[sflag:s0] =	ssyncadd.remote.s32 $0x1  }
0xbe: {  	_ =	sfence.sel $0xFFFF  }
0xbf: {  	[dreg:$0x0] =	wrdreg $0xFFFFFFFF;
	(pc) =	sbr.abs _section_cstart, $3  }
0xc0: {  	[dreg:$0x1] =	wrdreg $0xFFFFFFFF  }
0xc1: {  	_ =	task.clear_ibuf [dreg:s6], $0x2FFFF;
	_ =	strace $0x9FFFFFFF  }
0xc2: {  	(tm) =	ssettm $0x7FFFFFFF  }
0xc3: {  	_ =	shalt  }
tec
execute0_lowered:
.L_overlay_start_1:
0x0: {  	(tag) =	ssettag $0x1  }
0x1: {  	s5 =	rddreg [dreg:$0x0]  }
0x2: {  	s1 =	rddreg [dreg:$0x1];
	s2 =	srdreg.scid;
	s3 =	simm.s32 $0x0  }
0x3: {  	s0 =	stileid.u32;
	s17 =	simm.s32 $0x4;
	s18 =	simm.s32 $0x14000  }
0x4: {  	s19 =	simm.s32 $0x15000;
	s20 =	simm.s32 $0x80;
	s8 =	smul.u32 $0x14000, s0  }
0x5: {  	s21 =	simm.s32 $0x3;
	s22 =	simm.s32 $0x0;
	s28 =	smul.u32 $0x5000, s0  }
0x6: {  	s6 =	sand.u32 $0x1, s2;
	[smem:$0x7FF] =	sst s3;
	s10 =	smul.u32 $0x50000, s0  }
0x7: {  	s4 =	sadd.s32 $0x7B600, s5;
	s15 =	sadd.s32 $0x17600, s5;
	s7 =	smul.u32 $0x140000, s6  }
0x8: {  	s14 =	sadd.s32 $0x3600, s5;
	s9 =	smul.u32 $0x50000, s6;
	s29 =	ssub.s32 $0x2, s6  }
0x9: {  	_ =	strace $0x80000050;
	s6 =	sshrl.u32 s29, $0x1;
	s30 =	sshrl.u32 s10, $0x2  }
0xa: {  	s7 =	sadd.s32 s8, s7;
	s12 =	sadd.s32 s28, s9;
	s31 =	ssub.s32 s29, s6  }
0xb: {  	s7 =	sshrl.u32 s7, $0x3;
	s8 =	sshrl.u32 s12, $0x3;
	s9 =	smax.u32 s31, $0x1  }
.Ltmp0:
0xc: {  	s16 =	sor.u32 $0x800, s12;
	s11 =	sadd.s32 s7, s5;
	(pc) =	sbr.rel .LBB2_1-.Ltmp0, $4  }
0xd: {  	s5 =	sadd.s32 s30, s1;
	s6 =	sadd.s32 s15, s8;
	s7 =	sadd.s32 s14, s8  }
0xe: {  	s16 =	sshrl.u32 s16, $0x3;
	s8 =	sadd.s32 $0xCB600, s11;
	s10 =	sadd.s32 $0x4000, s5  }
0xf: {  	s11 =	sadd.s32 $0x8000, s5;
	s12 =	sadd.s32 $0xC000, s5;
	s13 =	sadd.s32 $0x10000, s5  }
0x10: {  	v0 =	vimm.f32 $0.0e+00;
	s14 =	sadd.s32 s16, s14;
	s15 =	sadd.s32 s16, s15;
	s16 =	simm.s32 $0x16000  }
.LBB2_11:
0x11: {  	s0 =	stileid.u32;
	s22 =	sadd.s32 $0x1, s22  }
0x12: {  	[bflag:$0x0] =	sbarrier.arrive $0xFFFF;
	s0 =	sshll.u32 s0, $0x6;
	p0 =	sne.s32 s22, s9  }
.Ltmp1:
0x13: {  	s2 =	sshrl.u32 s5, $0x3;
	s0 =	sor.u32 $0x1C04, s0;
	(pc) =	sbr.rel @!p0 .LBB2_12-.Ltmp1, $4  }
0x14: {  	[hbm:s8], [sflag:s0] =	dma.local [spmem:s2], $0x2800  }
0x15: {  	_ =	swait.ge [sflag:s17], $0x2800  }
0x16: {  	[sflag:s17] =	ssyncset.done $0x0  }
0x17: {  	[sflag:s17] =	ssyncadd.s32 $0xFFFFD800  }
.LBB2_1:
0x18: {  	s23 =	sand.u32 $0xFE00, s3  }
0x19: {  	s24 =	sand.u32 $0x70, s3;
	s25 =	sshrl.u32 s23, $0x2  }
0x1a: {  	s23 =	simm.s32 $0x40;
	s25 =	sor.u32 s24, s25;
	s24 =	simm.s32 $0x0  }
.LBB2_2:
0x1b: {  	p0 =	sne.s32 s23, $0xFFC0  }
0x1c: {  	[tilespmem:s25+$0x16000] =	vst v0;
	s24 =	sadd.s32 $0x10, s24;
	s25 =	smov.u32 s23;
	s23 =	sadd.s32 $0x40, s23  }
.Ltmp2:
0x1d: {  	(pc) =	sbr.rel @p0 .LBB2_2-.Ltmp2, $4  }
0x1e: {  	_ = 	snop  }
0x1f: {  	s25 =	sand.u32 $0xFE00, s25  }
0x20: {  	s26 =	sand.u32 $0x70, s24;
	s25 =	sshrl.u32 s25, $0x2  }
0x21: {  	s25 =	sor.u32 s26, s25  }
0x22: {  	[tilespmem:s25+$0x16000] =	vst v0  }
0x23: {  	[spmem:s5] =	stream.linear.scatter [tilespmem:s16], [sflag:$0x4], $0x4000, $0x38;
	[tilespmem:$0x1E000] =	vst v63  }
0x24: {  	_ =	swait.ge [sflag:s17], $0x4000  }
0x25: {  	[sflag:s17] =	ssyncset.done $0x0  }
0x26: {  	[sflag:s17] =	ssyncadd.s32 $0xFFFFC000  }
0x27: {  	[spmem:s10] =	stream.linear.scatter [tilespmem:s16], [sflag:$0x4], $0x4000, $0x38;
	[tilespmem:$0x1E000] =	vst v63  }
0x28: {  	_ =	swait.ge [sflag:s17], $0x4000  }
0x29: {  	[sflag:s17] =	ssyncset.done $0x0  }
0x2a: {  	[sflag:s17] =	ssyncadd.s32 $0xFFFFC000  }
0x2b: {  	[spmem:s11] =	stream.linear.scatter [tilespmem:s16], [sflag:$0x4], $0x4000, $0x38;
	[tilespmem:$0x1E000] =	vst v63  }
0x2c: {  	_ =	swait.ge [sflag:s17], $0x4000  }
0x2d: {  	[sflag:s17] =	ssyncset.done $0x0  }
0x2e: {  	[sflag:s17] =	ssyncadd.s32 $0xFFFFC000  }
0x2f: {  	[spmem:s12] =	stream.linear.scatter [tilespmem:s16], [sflag:$0x4], $0x4000, $0x38;
	[tilespmem:$0x1E000] =	vst v63  }
0x30: {  	_ =	swait.ge [sflag:s17], $0x4000  }
0x31: {  	[sflag:s17] =	ssyncset.done $0x0  }
0x32: {  	[sflag:s17] =	ssyncadd.s32 $0xFFFFC000  }
0x33: {  	[spmem:s13] =	stream.linear.scatter [tilespmem:s16], [sflag:$0x4], $0x4000, $0x38;
	[tilespmem:$0x1E000] =	vst v63  }
0x34: {  	_ =	swait.ge [sflag:s17], $0x4000  }
0x35: {  	[sflag:s17] =	ssyncset.done $0x0  }
0x36: {  	s30 =	simm.s32 $0x0;
	[sflag:s17] =	ssyncadd.s32 $0xFFFFC000  }
0x37: {  	[tilespmem:s18], [sflag:$0x4] =	stream.linear.gather [hbm4b:s6+s30], $0x800, $0x38;
	[tilespmem:$0x1E000] =	vst v63  }
0x38: {  	_ =	swait.ge [sflag:s17], $0x800  }
0x39: {  	[sflag:s17] =	ssyncset.done $0x0  }
0x3a: {  	[sflag:s17] =	ssyncadd.s32 $0xFFFFF800  }
0x3b: {  	[tilespmem:s19], [sflag:$0x4] =	stream.linear.gather [hbm4b:s7+s30], $0x800, $0x38;
	[tilespmem:$0x1E000] =	vst v63  }
0x3c: {  	_ =	swait.ge [sflag:s17], $0x800  }
.Ltmp3:
0x3d: {  	[sflag:s17] =	ssyncset.done $0x0;
	(pc) =	sbr.rel .LBB2_4-.Ltmp3, $4  }
0x3e: {  	[sflag:s17] =	ssyncadd.s32 $0xFFFFF800  }
0x3f: {  	[tilespmem:s16], [sflag:$0x1] =	stream.indirect.gather [hbm4b:s4+s20], $0x80, s18, s20, $0xb8;
	[tilespmem:$0x1E000] =	vst v63  }
0x40: {  	[bflag:$0x0] =	sbarrier.arrive $0xFFFF  }
0x41: {  	s23 =	smov.u32 s15;
	s24 =	smov.u32 s14;
	s25 =	simm.s32 $0x0  }
.LBB2_9:
0x42: {  	s0 =	sand.u32 $0x1, s28  }
0x43: {  	p0 =	seq.s32 s0, $0x1  }
0x44: {  	p0 =	por !p0, !p1  }
0x45: {  	p0 =	por !p0, !p0  }
0x46: {  	s0 =	sshll.u32 @p0 s31, $0x7  }
0x47: {  	s30 =	simm.s32 @p0 $0x80;
	s2 =	simm.s32 @p0 $0x1A000;
	s0 =	sor.u32 @p0 $0x14000, s0  }
0x48: {  	[tilespmem:s2], [sflag:$0x2] =	stream.indirect.gather @p0 [hbm4b:s4+s30], $0x80, s0, s30, $0xb8;
	[tilespmem:$0x1E000] =	vst v63  }
0x49: {  	s30 =	sand.u32 $0x11, s28  }
0x4a: {  	p0 =	sne.s32 s30, $0x11  }
0x4b: {  	s0 =	sshll.u32 @!p0 s31, $0x7  }
0x4c: {  	s2 =	simm.s32 @!p0 $0x80;
	s30 =	simm.s32 @!p0 $0x1A000;
	s0 =	sor.u32 @!p0 $0x14800, s0  }
0x4d: {  	[tilespmem:s30], [sflag:$0x2] =	stream.indirect.gather @!p0 [hbm4b:s4+s2], $0x80, s0, s2, $0xb8;
	[tilespmem:$0x1E000] =	vst v63  }
.LBB2_10:
0x4e: {  	p0 =	sne.s32 s29, $0x0;
	s31 =	sand.u32 $0x10000, s25;
	s26 =	sshll.u32 s26, $0x7  }
0x4f: {  	s0 =	simm.s32 @!p0 $0x5;
	s2 =	simm.s32 @!p0 $0x15000;
	s29 =	sshrl.u32 s31, $0x2  }
0x50: {  	s2 =	simm.s32 @p0 $0x15800;
	s0 =	simm.s32 @p0 $0x4;
	p0 =	sne.s32 s28, $0xA0  }
.Ltmp4:
0x51: {  	s29 =	sadd.s32 $0x16000, s29;
	s2 =	sadd.s32 s26, s2;
	(pc) =	sbr.rel @!p0 .LBB2_11-.Ltmp4, $4  }
0x52: {  	[spmem:s1] =	stream.indirect.scatter.add.f32 [tilespmem:s29], [sflag:s0], $0x80, s2, s20, $0xb8;
	[tilespmem:$0x1E000] =	vst v63  }
0x53: {  	_ =	swait.ge [sflag:s0], $0x4000  }
0x54: {  	s25 =	sadd.s32 $0x10000, s25;
	s24 =	sadd.s32 $0x10, s24;
	[sflag:s0] =	ssyncset.done $0x0  }
0x55: {  	s23 =	sadd.s32 $0x10, s23;
	s30 =	smov.u32 s28;
	[sflag:s0] =	ssyncadd.s32 $0xFFFFC000  }
.LBB2_4:
0x56: {  	s26 =	sand.u32 $0xF, s30;
	p1 =	sgt.u32 s30, $0x8F  }
0x57: {  	s28 =	sshrl.u32 s30, $0x4;
	s29 =	sand.u32 $0x1, s30;
	p2 =	sne.s32 @!p1 s26, $0x0  }
0x58: {  	p0 =	seq.s32 s29, $0x1;
	s29 =	simm.s32 $0x2;
	p1 =	por p1, p2  }
0x59: {  	s29 =	simm.s32 @!p0 $0x1;
	s31 =	sand.u32 @!p1 $0x1, s28  }
0x5a: {  	_ =	swait.ge [sflag:s29], $0x4000;
	p2 =	seq.s32 @!p1 s31, $0x1  }
0x5b: {  	[sflag:s29] =	ssyncset.done $0x0;
	p3 =	por p2, p1  }
0x5c: {  	[sflag:s29] =	ssyncadd.s32 $0xFFFFC000;
	s31 =	simm.s32 @!p3 $0x0;
	s29 =	simm.s32 @!p3 $0x14800  }
0x5d: {  	[tilespmem:s29], [sflag:$0x3] =	stream.linear.gather @!p3 [hbm4b:s23+s31], $0x800, $0x38;
	[tilespmem:$0x1E000] =	vst v63  }
0x5e: {  	s29 =	sand.u32 $0x1, s28;
	s28 =	simm.s32 @!p3 $0x15800  }
0x5f: {  	[tilespmem:s28], [sflag:$0x3] =	stream.linear.gather @!p3 [hbm4b:s24+s31], $0x800, $0x38;
	[tilespmem:$0x1E000] =	vst v63  }
0x60: {  	p3 =	seq.s32 @!p3 s29, $0x0  }
0x61: {  	p2 =	por @!p1 p2, !p3  }
0x62: {  	p1 =	por p1, !p2  }
0x63: {  	[tilespmem:s18], [sflag:$0x3] =	stream.linear.gather @!p1 [hbm4b:s23+s3], $0x800, $0x38;
	[tilespmem:$0x1E000] =	vst v63  }
0x64: {  	s28 =	sadd.s32 $0x1, s30  }
0x65: {  	[tilespmem:s19], [sflag:$0x3] =	stream.linear.gather @!p1 [hbm4b:s24+s3], $0x800, $0x38;
	[tilespmem:$0x1E000] =	vst v63  }
0x66: {  	s31 =	sand.u32 $0xF, s28;
	p1 =	seq.s32 s30, $0x9F  }
0x67: {  	p2 =	sne.s32 @!p1 s31, $0x0  }
0x68: {  	p2 =	por p1, p2  }
.Ltmp5:
0x69: {  	_ = 	snop;
	(pc) =	sbr.rel @p2 .LBB2_6-.Ltmp5, $1  }
0x6a: {  	_ =	sdelay $0x3  }
0x6b: {  	_ =	swait.ge [sflag:s21], $0x800  }
0x6c: {  	[sflag:s21] =	ssyncset.done $0x0  }
0x6d: {  	[sflag:s21] =	ssyncadd.s32 $0xFFFFF800  }
0x6e: {  	_ =	swait.ge [sflag:s21], $0x800  }
0x6f: {  	[sflag:s21] =	ssyncset.done $0x0  }
0x70: {  	[sflag:s21] =	ssyncadd.s32 $0xFFFFF800  }
.LBB2_7:
0x71: {  	s30 =	sand.u32 $0x10, s28  }
0x72: {  	p1 =	seq.s32 s30, $0x0  }
0x73: {  	p2 =	por !p0, !p1  }
0x74: {  	p2 =	por !p2, !p2  }
0x75: {  	p3 =	seq.s32 @!p2 s30, $0x0;
	p0 =	por @!p2 !p0, !p0  }
0x76: {  	p0 =	por @!p2 p3, p0  }
0x77: {  	p0 =	por p2, !p0  }
.Ltmp6:
0x78: {  	_ = 	snop;
	(pc) =	sbr.rel @!p0 .LBB2_9-.Ltmp6, $1  }
0x79: {  	_ =	sdelay $0x3  }
.Ltmp7:
0x7a: {  	(pc) =	sbr.rel .LBB2_9-.Ltmp7, $4  }
0x7b: {  	s30 =	simm.s32 @!p2 $0x14800  }
0x7c: {  	s0 =	sshll.u32 s31, $0x7;
	s30 =	simm.s32 @p2 $0x14000  }
0x7d: {  	s0 =	sadd.s32 s0, s30  }
0x7e: {  	[tilespmem:s16], [sflag:$0x1] =	stream.indirect.gather [hbm4b:s4+s20], $0x80, s0, s20, $0xb8;
	[tilespmem:$0x1E000] =	vst v63  }
.LBB2_6:
.Ltmp8:
0x7f: {  	(pc) =	sbr.rel @p1 .LBB2_10-.Ltmp8, $4  }
.Ltmp9:
0x80: {  	(pc) =	sbr.rel @!p1 .LBB2_7-.Ltmp9, $4  }
0x81: {  	_ = 	snop  }
0x82: {  	_ = 	snop  }
0x83: {  	_ = 	snop  }
0x84: {  	_ = 	snop  }
.LBB2_12:
0x85: {  	_ =	sfence.sel $0x180000  }
0x86: {  	[bflag:$0x0] =	sbarrier.arrive $0xFFFF  }
0x87: {  	_ =	strace $0x90000050  }
0x88: {  	s0 =	stileid.u32;
	[bflag:$0x2] =	sbarrier.arrive $0xFFFF  }
0x89: {  	p0 =	sne.s32 s0, $0x0;
	s0 =	rddreg [dreg:$0x2]  }
0x8a: {  	s0 =	sadd.s32 @!p0 $0x100000, s0  }
0x8b: {  	[sflag:s0] =	ssyncadd.tile.s32 @!p0 $0x1;
	_ =	shalt  }
.Lfunc_end2:
_tile_overlayer_lowered:
.L_overlay_start_2:
0x8c: {  	(tag) =	ssettag $0x2  }
0x8d: {  	s0 =	rddreg [dreg:$0x0];
	s2 =	stileid.u32  }
0x8e: {  	s1 =	rddreg [dreg:$0x1];
	p0 =	sne.s32 s2, $0x0  }
0x8f: {  	s3 =	rddreg [dreg:$0x2];
	[bflag:$0x3] =	sbarrier.arrive $0xFFFF;
	s2 =	simm.s32 @!p0 $0x1C04  }
0x90: {  	[timem:s3], [sflag:s2] =	dma.local @!p0 [hbm:s0], s1  }
0x91: {  	s0 =	simm.s32 @!p0 $0x4  }
0x92: {  	_ =	swait.ge @!p0 [sflag:s0], s1  }
0x93: {  	s1 =	ssub.s32 @!p0 $0x0, s1;
	[sflag:s0] =	ssyncset.done @!p0 $0x0  }
0x94: {  	[sflag:s0] =	ssyncadd.s32 @!p0 s1  }
0x95: {  	[bflag:$0x3] =	sbarrier.arrive $0xFFFF  }
0x96: {  	_ =	shalt  }

</sc_bundles>
